<compile_context>
chip_gen: v7x
topology: tpu7x:2x2x1
jax: 0.10.2.dev20260603
libtpu: 0.0.44.dev20260713+nightly
codegen_flags: <defaults>
</compile_context>

<pallas_src>
import functools

import jax
import jax.numpy as jnp
from jax import lax
from jax.experimental import pallas as pl
from jax.experimental.pallas import tpu as pltpu
from jax.experimental.pallas import tpu_sc as plsc

N_NODES = 100000
N_EDGES = 800000
AD = 16
BD = 8

NC, NS = 2, 16
NW = NC * NS
EPW = N_EDGES // NW
RPC = 15
CHUNK = RPC * 128
N_FULL = EPW // CHUNK
TAIL = EPW - N_FULL * CHUNK

NROWS = N_EDGES // 128
HALF = N_NODES // NC
RPS = NROWS // NS
EXTRA = NROWS - RPS * NS
NPT = HALF // NS
NDUMP = 128

@functools.cache
def _make_sc_gather():
    mesh = plsc.VectorSubcoreMesh(core_axis_name="c", subcore_axis_name="s")
    return pl.kernel(
        _sc_gather_body,
        out_type=jax.ShapeDtypeStruct((N_EDGES, AD), jnp.float32),
        mesh=mesh,
        scratch_types=[
            pltpu.VMEM((CHUNK,), jnp.int32),
            pltpu.VMEM((CHUNK, AD), jnp.float32),
            pltpu.SemaphoreType.DMA,
        ],
        compiler_params=pltpu.CompilerParams(use_tc_tiling_on_sc=False),
    )


def _sc_gather_body(atom_hbm, src_hbm, out_hbm, idx_v, rows_v, sem):
    wid = lax.axis_index("s") * NC + lax.axis_index("c")
    base = wid * EPW

    def chunk_body(c, carry):
        off = base + c * CHUNK
        pltpu.sync_copy(src_hbm.at[pl.ds(off, CHUNK)], idx_v)
        copies = [
            pltpu.async_copy(
                atom_hbm.at[idx_v.at[pl.ds(j * 128, 128)]],
                rows_v.at[pl.ds(j * 128, 128)],
                sem,
            )
            for j in range(RPC)
        ]
        for d in copies:
            d.wait()
        pltpu.sync_copy(rows_v, out_hbm.at[pl.ds(off, CHUNK)])
        return carry

    lax.fori_loop(0, N_FULL, chunk_body, 0)

    off = base + N_FULL * CHUNK
    pltpu.sync_copy(src_hbm.at[pl.ds(off, TAIL)], idx_v.at[pl.ds(0, TAIL)])
    pltpu.async_copy(
        atom_hbm.at[idx_v.at[pl.ds(0, TAIL)]], rows_v.at[pl.ds(0, TAIL)], sem
    ).wait()
    pltpu.sync_copy(rows_v.at[pl.ds(0, TAIL)], out_hbm.at[pl.ds(off, TAIL)])


@functools.cache
def _make_sc_scatter():
    mesh = plsc.VectorSubcoreMesh(core_axis_name="c", subcore_axis_name="s")
    return pl.kernel(
        _sc_scatter_body,
        out_type=jax.ShapeDtypeStruct((N_NODES, AD), jnp.float32),
        mesh=mesh,
        scratch_types=[
            pltpu.VMEM((RPC, 128), jnp.int32),
            pltpu.VMEM((RPC, 128, AD), jnp.float32),
            pltpu.VMEM_SHARED((HALF + NDUMP, AD), jnp.float32),
            pltpu.SemaphoreType.DMA,
        ],
        compiler_params=pltpu.CompilerParams(use_tc_tiling_on_sc=False),
    )


def _sc_scatter_body(t_hbm, idx_hbm, zeros_hbm, out_hbm, idx_v, rows_v, acc, sem):
    cid = lax.axis_index("c")
    sid = lax.axis_index("s")

    pltpu.sync_copy(zeros_hbm.at[pl.ds(0, NPT)], acc.at[pl.ds(sid * NPT, NPT)])

    @pl.when(sid == 0)
    def _zero_dump():
        pltpu.sync_copy(zeros_hbm.at[pl.ds(0, NDUMP)], acc.at[pl.ds(HALF, NDUMP)])

    plsc.subcore_barrier()

    row0 = RPS * sid + jnp.minimum(sid, EXTRA)

    def chunk_body(c, carry):
        r0 = row0 + c * RPC
        pltpu.sync_copy(idx_hbm.at[cid, pl.ds(r0, RPC)], idx_v)
        pltpu.sync_copy(t_hbm.at[pl.ds(r0, RPC)], rows_v)
        copies = [
            pltpu.async_copy(rows_v.at[j], acc.at[idx_v.at[j]], sem, add=True)
            for j in range(RPC)
        ]
        for d in copies:
            d.wait()
        return carry

    lax.fori_loop(0, RPS // RPC, chunk_body, 0)

    @pl.when(sid < EXTRA)
    def _tail():
        r0 = row0 + RPS
        pltpu.sync_copy(idx_hbm.at[cid, pl.ds(r0, 1)], idx_v.at[pl.ds(0, 1)])
        pltpu.sync_copy(t_hbm.at[pl.ds(r0, 1)], rows_v.at[pl.ds(0, 1)])
        pltpu.sync_copy(rows_v.at[0], acc.at[idx_v.at[0]], add=True)

    plsc.subcore_barrier()
    pltpu.sync_copy(
        acc.at[pl.ds(sid * NPT, NPT)],
        out_hbm.at[pl.ds(cid * HALF + sid * NPT, NPT)],
    )


T_EDGE = 6400


def _tc_bilinear_body(bt_ref, at_ref, r_ref, t_ref, w_ref, b_ref, out_ref):
    dn = (((0,), (0,)), ((), ()))
    f32 = jnp.float32
    expand = lax.dot_general(r_ref[...], bt_ref[...], dn, preferred_element_type=f32)
    tile = lax.dot_general(t_ref[...], at_ref[...], dn, preferred_element_type=f32)
    u = expand * tile
    out = lax.dot_general(w_ref[...], u, dn, preferred_element_type=f32)
    out = out + lax.dot_general(b_ref[...], at_ref[...], dn, preferred_element_type=f32)
    out_ref[...] = out


def _tc_bilinear(bond_t, a_t, r_mat, t_mat, w_mat, b_mat):
    n_cols = bond_t.shape[1]
    return pl.pallas_call(
        _tc_bilinear_body,
        grid=(n_cols // T_EDGE,),
        in_specs=[
            pl.BlockSpec((BD, T_EDGE), lambda i: (0, i)),
            pl.BlockSpec((AD, T_EDGE), lambda i: (0, i)),
            pl.BlockSpec((BD, BD * AD), lambda i: (0, 0)),
            pl.BlockSpec((AD, BD * AD), lambda i: (0, 0)),
            pl.BlockSpec((BD * AD, AD), lambda i: (0, 0)),
            pl.BlockSpec((AD, AD), lambda i: (0, 0)),
        ],
        out_specs=pl.BlockSpec((AD, T_EDGE), lambda i: (0, i)),
        out_shape=jax.ShapeDtypeStruct((AD, n_cols), jnp.float32),
        compiler_params=pltpu.CompilerParams(
            dimension_semantics=("arbitrary",),
        ),
    )(bond_t, a_t, r_mat, t_mat, w_mat, b_mat)


def _tc_idx_body(dst_ref, out_ref):
    lo = pl.program_id(0) * HALF
    v = dst_ref[...]
    in_range = (v >= lo) & (v < lo + HALF)
    lane = lax.broadcasted_iota(jnp.int32, (NROWS, 128), 1)
    out_ref[0] = jnp.where(in_range, v - lo, HALF + lane)


def _tc_localize(dst2d):
    return pl.pallas_call(
        _tc_idx_body,
        grid=(NC,),
        in_specs=[pl.BlockSpec((NROWS, 128), lambda i: (0, 0))],
        out_specs=pl.BlockSpec((1, NROWS, 128), lambda i: (i, 0, 0)),
        out_shape=jax.ShapeDtypeStruct((NC, NROWS, 128), jnp.int32),
        compiler_params=pltpu.CompilerParams(
            dimension_semantics=("arbitrary",),
        ),
    )(dst2d)


def kernel(atom_features, bond_features, pair_indices, kernel, bias):
    pi = pair_indices.astype(jnp.int32)
    dst = pi[:, 0]
    src = pi[:, 1]

    w_mat = kernel.reshape(BD, AD, AD).transpose(0, 2, 1).reshape(BD * AD, AD)
    b_mat = bias.reshape(AD, AD).T
    r_mat = jnp.kron(jnp.eye(BD, dtype=jnp.float32), jnp.ones((1, AD), jnp.float32))
    t_mat = jnp.kron(jnp.ones((1, BD), jnp.float32), jnp.eye(AD, dtype=jnp.float32))

    gathered = _make_sc_gather()(atom_features, src)
    out_t = _tc_bilinear(bond_features.T, gathered.T, r_mat, t_mat, w_mat, b_mat)

    t3d = out_t.T.reshape(NROWS, 128, AD)
    dst2d = dst.reshape(NROWS, 128)
    idx2 = _tc_localize(dst2d)
    zeros = jnp.zeros((NPT, AD), jnp.float32)
    return _make_sc_scatter()(t3d, idx2, zeros)

# --- scband reference (transcript-rebuilt; emitter-appended) ---
"""Pipeline reference for scband-edge-network-23733989278143 (READ-ONLY COPY).

The authoritative reference and input builder live on the scoring server;
editing this copy changes nothing except your own understanding.
"""

import jax, jax.numpy as jnp
import numpy as np

N_NODES = 100000
N_EDGES = 800000
ATOM_DIM = 16
BOND_DIM = 8


def setup_inputs(seed: int = 0) -> dict:
    key = jax.random.key(seed)
    k1, k2, k3, k4 = jax.random.split(key, 4)
    atom_features = jax.random.normal(k1, (N_NODES, ATOM_DIM), dtype=jnp.float32)
    bond_features = jax.random.normal(k2, (N_EDGES, BOND_DIM), dtype=jnp.float32)
    pair_indices = jax.random.randint(k3, (N_EDGES, 2), 0, N_NODES)
    # glorot_uniform kernel: shape (bond_dim, atom_dim*atom_dim)
    fan_in, fan_out = BOND_DIM, ATOM_DIM * ATOM_DIM
    limit = np.sqrt(6.0 / (fan_in + fan_out))
    kernel = jax.random.uniform(k4, (BOND_DIM, ATOM_DIM * ATOM_DIM), minval=-limit, maxval=limit, dtype=jnp.float32)
    bias = jnp.zeros((ATOM_DIM * ATOM_DIM,), dtype=jnp.float32)
    return {
        'atom_features': atom_features,
        'bond_features': bond_features,
        'pair_indices': pair_indices,
        'kernel': kernel,
        'bias': bias,
    }


def reference(atom_features, bond_features, pair_indices, kernel, bias):
    atom_dim = atom_features.shape[1]
    # bond_features -> per-edge transformation matrix
    bf = jnp.matmul(bond_features, kernel) + bias  # [E, atom_dim*atom_dim]
    bf = bf.reshape(-1, atom_dim, atom_dim)        # [E, atom_dim, atom_dim]
    # gather neighbor (source) atom features per edge
    atom_features_neighbors = jnp.take(atom_features, pair_indices[:, 1], axis=0)  # [E, atom_dim]
    # batched matvec: [E, d, d] @ [E, d, 1] -> [E, d]
    transformed = jnp.einsum('eij,ej->ei', bf, atom_features_neighbors)
    # scatter-add into destination nodes
    aggregated = jax.ops.segment_sum(transformed, pair_indices[:, 0], num_segments=atom_features.shape[0])
    return aggregated

if __name__ == "__main__":
    import jax
    _d = setup_inputs()
    print(jax.jit(kernel)(*tuple(_d.values())))

</pallas_src>

<mosaic_0001>
#map = affine_map<(d0, d1) -> (0, 0)>
#map1 = affine_map<(d0, d1) -> (0)>
module attributes {stable_mosaic.version = 14 : i64} {
  func.func @_sc_gather_body(%arg0: i32, %arg1: i32, %arg2: memref<100000x16xf32, #tpu.memory_space<hbm>>, %arg3: memref<800000xi32, #tpu.memory_space<hbm>>, %arg4: memref<800000x16xf32, #tpu.memory_space<hbm>>, %arg5: memref<1920xi32, #tpu.memory_space<vmem>>, %arg6: memref<1920x16xf32, #tpu.memory_space<vmem>>, %arg7: memref<!tpu.dma_semaphore, #tpu.memory_space<semaphore_mem>>) attributes {dimension_semantics = [#tpu.dimension_semantics<core_parallel>, #tpu.dimension_semantics<subcore_parallel>], iteration_bounds = array<i64: 2, 16>, scalar_prefetch = 0 : i64, scratch_operands = 3 : i64, tpu.core_type = #tpu.core_type<sc_vector_subcore>, window_params = [{transform_indices = #map}, {transform_indices = #map1}, {transform_indices = #map}]} {
    %mul3A = arith.constant 2 : i32
    %mul3A_0 = arith.muli %arg1, %mul3A : i32
    %add3A = arith.addi %mul3A_0, %arg0 : i32
    %mul3A_1 = arith.constant 25000 : i32
    %mul3A_2 = arith.muli %add3A, %mul3A_1 : i32
    %scan3A = arith.constant 0 : i32
    %scan3A_3 = arith.constant 0 : i32
    %scan3A_4 = arith.constant 13 : i32
    %scan3A_5 = arith.addi %scan3A_3, %scan3A_4 : i32
    %scan3A_6 = arith.constant 1 : i32
    scf.for %scan3A_24 = %scan3A_3 to %scan3A_5 step %scan3A_6  : i32 {
      %mul3A_25 = arith.constant 1920 : i32
      %mul3A_26 = arith.muli %scan3A_24, %mul3A_25 : i32
      %add3A_27 = arith.addi %mul3A_2, %mul3A_26 : i32
      "tpu.region"() ({
        %run_scoped3A = tpu.sem_alloc : memref<!tpu.dma_semaphore, #tpu.memory_space<semaphore_mem>>
        %dma_start3A_268 = tpu.memref_slice %arg3[%add3A_27] : memref<800000xi32, #tpu.memory_space<hbm>> -> memref<1920xi32, #tpu.memory_space<hbm>>
        %dma_start3A_269 = tpu.memref_slice %arg3[%add3A_27] : memref<800000xi32, #tpu.memory_space<hbm>> -> memref<1920xi32, #tpu.memory_space<hbm>>
        tpu.enqueue_dma source(%dma_start3A_269 : memref<1920xi32, #tpu.memory_space<hbm>>) target(%arg5 : memref<1920xi32, #tpu.memory_space<vmem>>) target_semaphore(%run_scoped3A : memref<!tpu.dma_semaphore, #tpu.memory_space<semaphore_mem>>)
        %dma_wait3A_270 = tpu.memref_slice %arg3[%add3A_27] : memref<800000xi32, #tpu.memory_space<hbm>> -> memref<1920xi32, #tpu.memory_space<hbm>>
        %dma_wait3A_271 = tpu.memref_slice %arg3[%add3A_27] : memref<800000xi32, #tpu.memory_space<hbm>> -> memref<1920xi32, #tpu.memory_space<hbm>>
        tpu.wait_dma2 semaphore(%run_scoped3A : memref<!tpu.dma_semaphore, #tpu.memory_space<semaphore_mem>>) src(%dma_wait3A_271 : memref<1920xi32, #tpu.memory_space<hbm>>) dst(%arg5 : memref<1920xi32, #tpu.memory_space<vmem>>)
        tpu.yield
      }) : () -> ()
      %dma_start3A_28 = arith.constant 0 : i32
      %dma_start3A_29 = arith.constant 0 : i32
      %dma_start3A_30 = tpu.memref_slice %arg6[%dma_start3A_28, %dma_start3A_29] : memref<1920x16xf32, #tpu.memory_space<vmem>> -> memref<128x16xf32, #tpu.memory_space<vmem>>
      %dma_start3A_31 = arith.constant 0 : i32
      %dma_start3A_32 = tpu.memref_slice %arg5[%dma_start3A_31] : memref<1920xi32, #tpu.memory_space<vmem>> -> memref<128xi32, #tpu.memory_space<vmem>>
      %dma_start3A_33 = arith.constant 0 : i32
      %dma_start3A_34 = arith.constant 0 : i32
      %dma_start3A_35 = tpu.memref_slice %arg2[%dma_start3A_33, %dma_start3A_34] : memref<100000x16xf32, #tpu.memory_space<hbm>> -> memref<100000x16xf32, #tpu.memory_space<hbm>>
      tpu.enqueue_indirect_dma source(%dma_start3A_35 : memref<100000x16xf32, #tpu.memory_space<hbm>>) target(%dma_start3A_30 : memref<128x16xf32, #tpu.memory_space<vmem>>) offsets(%dma_start3A_32 : memref<128xi32, #tpu.memory_space<vmem>>) semaphore(%arg7 : memref<!tpu.dma_semaphore, #tpu.memory_space<semaphore_mem>>)
      %dma_start3A_36 = arith.constant 128 : i32
      %dma_start3A_37 = arith.constant 0 : i32
      %dma_start3A_38 = tpu.memref_slice %arg6[%dma_start3A_36, %dma_start3A_37] : memref<1920x16xf32, #tpu.memory_space<vmem>> -> memref<128x16xf32, #tpu.memory_space<vmem>>
      %dma_start3A_39 = arith.constant 128 : i32
      %dma_start3A_40 = tpu.memref_slice %arg5[%dma_start3A_39] : memref<1920xi32, #tpu.memory_space<vmem>> -> memref<128xi32, #tpu.memory_space<vmem>>
      %dma_start3A_41 = arith.constant 0 : i32
      %dma_start3A_42 = arith.constant 0 : i32
      %dma_start3A_43 = tpu.memref_slice %arg2[%dma_start3A_41, %dma_start3A_42] : memref<100000x16xf32, #tpu.memory_space<hbm>> -> memref<100000x16xf32, #tpu.memory_space<hbm>>
      tpu.enqueue_indirect_dma source(%dma_start3A_43 : memref<100000x16xf32, #tpu.memory_space<hbm>>) target(%dma_start3A_38 : memref<128x16xf32, #tpu.memory_space<vmem>>) offsets(%dma_start3A_40 : memref<128xi32, #tpu.memory_space<vmem>>) semaphore(%arg7 : memref<!tpu.dma_semaphore, #tpu.memory_space<semaphore_mem>>)
      %dma_start3A_44 = arith.constant 256 : i32
      %dma_start3A_45 = arith.constant 0 : i32
      %dma_start3A_46 = tpu.memref_slice %arg6[%dma_start3A_44, %dma_start3A_45] : memref<1920x16xf32, #tpu.memory_space<vmem>> -> memref<128x16xf32, #tpu.memory_space<vmem>>
      %dma_start3A_47 = arith.constant 256 : i32
      %dma_start3A_48 = tpu.memref_slice %arg5[%dma_start3A_47] : memref<1920xi32, #tpu.memory_space<vmem>> -> memref<128xi32, #tpu.memory_space<vmem>>
      %dma_start3A_49 = arith.constant 0 : i32
      %dma_start3A_50 = arith.constant 0 : i32
      %dma_start3A_51 = tpu.memref_slice %arg2[%dma_start3A_49, %dma_start3A_50] : memref<100000x16xf32, #tpu.memory_space<hbm>> -> memref<100000x16xf32, #tpu.memory_space<hbm>>
      tpu.enqueue_indirect_dma source(%dma_start3A_51 : memref<100000x16xf32, #tpu.memory_space<hbm>>) target(%dma_start3A_46 : memref<128x16xf32, #tpu.memory_space<vmem>>) offsets(%dma_start3A_48 : memref<128xi32, #tpu.memory_space<vmem>>) semaphore(%arg7 : memref<!tpu.dma_semaphore, #tpu.memory_space<semaphore_mem>>)
      %dma_start3A_52 = arith.constant 384 : i32
      %dma_start3A_53 = arith.constant 0 : i32
      %dma_start3A_54 = tpu.memref_slice %arg6[%dma_start3A_52, %dma_start3A_53] : memref<1920x16xf32, #tpu.memory_space<vmem>> -> memref<128x16xf32, #tpu.memory_space<vmem>>
      %dma_start3A_55 = arith.constant 384 : i32
      %dma_start3A_56 = tpu.memref_slice %arg5[%dma_start3A_55] : memref<1920xi32, #tpu.memory_space<vmem>> -> memref<128xi32, #tpu.memory_space<vmem>>
      %dma_start3A_57 = arith.constant 0 : i32
      %dma_start3A_58 = arith.constant 0 : i32
      %dma_start3A_59 = tpu.memref_slice %arg2[%dma_start3A_57, %dma_start3A_58] : memref<100000x16xf32, #tpu.memory_space<hbm>> -> memref<100000x16xf32, #tpu.memory_space<hbm>>
      tpu.enqueue_indirect_dma source(%dma_start3A_59 : memref<100000x16xf32, #tpu.memory_space<hbm>>) target(%dma_start3A_54 : memref<128x16xf32, #tpu.memory_space<vmem>>) offsets(%dma_start3A_56 : memref<128xi32, #tpu.memory_space<vmem>>) semaphore(%arg7 : memref<!tpu.dma_semaphore, #tpu.memory_space<semaphore_mem>>)
      %dma_start3A_60 = arith.constant 512 : i32
      %dma_start3A_61 = arith.constant 0 : i32
      %dma_start3A_62 = tpu.memref_slice %arg6[%dma_start3A_60, %dma_start3A_61] : memref<1920x16xf32, #tpu.memory_space<vmem>> -> memref<128x16xf32, #tpu.memory_space<vmem>>
      %dma_start3A_63 = arith.constant 512 : i32
      %dma_start3A_64 = tpu.memref_slice %arg5[%dma_start3A_63] : memref<1920xi32, #tpu.memory_space<vmem>> -> memref<128xi32, #tpu.memory_space<vmem>>
      %dma_start3A_65 = arith.constant 0 : i32
      %dma_start3A_66 = arith.constant 0 : i32
      %dma_start3A_67 = tpu.memref_slice %arg2[%dma_start3A_65, %dma_start3A_66] : memref<100000x16xf32, #tpu.memory_space<hbm>> -> memref<100000x16xf32, #tpu.memory_space<hbm>>
      tpu.enqueue_indirect_dma source(%dma_start3A_67 : memref<100000x16xf32, #tpu.memory_space<hbm>>) target(%dma_start3A_62 : memref<128x16xf32, #tpu.memory_space<vmem>>) offsets(%dma_start3A_64 : memref<128xi32, #tpu.memory_space<vmem>>) semaphore(%arg7 : memref<!tpu.dma_semaphore, #tpu.memory_space<semaphore_mem>>)
      %dma_start3A_68 = arith.constant 640 : i32
      %dma_start3A_69 = arith.constant 0 : i32
      %dma_start3A_70 = tpu.memref_slice %arg6[%dma_start3A_68, %dma_start3A_69] : memref<1920x16xf32, #tpu.memory_space<vmem>> -> memref<128x16xf32, #tpu.memory_space<vmem>>
      %dma_start3A_71 = arith.constant 640 : i32
      %dma_start3A_72 = tpu.memref_slice %arg5[%dma_start3A_71] : memref<1920xi32, #tpu.memory_space<vmem>> -> memref<128xi32, #tpu.memory_space<vmem>>
      %dma_start3A_73 = arith.constant 0 : i32
      %dma_start3A_74 = arith.constant 0 : i32
      %dma_start3A_75 = tpu.memref_slice %arg2[%dma_start3A_73, %dma_start3A_74] : memref<100000x16xf32, #tpu.memory_space<hbm>> -> memref<100000x16xf32, #tpu.memory_space<hbm>>
      tpu.enqueue_indirect_dma source(%dma_start3A_75 : memref<100000x16xf32, #tpu.memory_space<hbm>>) target(%dma_start3A_70 : memref<128x16xf32, #tpu.memory_space<vmem>>) offsets(%dma_start3A_72 : memref<128xi32, #tpu.memory_space<vmem>>) semaphore(%arg7 : memref<!tpu.dma_semaphore, #tpu.memory_space<semaphore_mem>>)
      %dma_start3A_76 = arith.constant 768 : i32
      %dma_start3A_77 = arith.constant 0 : i32
      %dma_start3A_78 = tpu.memref_slice %arg6[%dma_start3A_76, %dma_start3A_77] : memref<1920x16xf32, #tpu.memory_space<vmem>> -> memref<128x16xf32, #tpu.memory_space<vmem>>
      %dma_start3A_79 = arith.constant 768 : i32
      %dma_start3A_80 = tpu.memref_slice %arg5[%dma_start3A_79] : memref<1920xi32, #tpu.memory_space<vmem>> -> memref<128xi32, #tpu.memory_space<vmem>>
      %dma_start3A_81 = arith.constant 0 : i32
      %dma_start3A_82 = arith.constant 0 : i32
      %dma_start3A_83 = tpu.memref_slice %arg2[%dma_start3A_81, %dma_start3A_82] : memref<100000x16xf32, #tpu.memory_space<hbm>> -> memref<100000x16xf32, #tpu.memory_space<hbm>>
      tpu.enqueue_indirect_dma source(%dma_start3A_83 : memref<100000x16xf32, #tpu.memory_space<hbm>>) target(%dma_start3A_78 : memref<128x16xf32, #tpu.memory_space<vmem>>) offsets(%dma_start3A_80 : memref<128xi32, #tpu.memory_space<vmem>>) semaphore(%arg7 : memref<!tpu.dma_semaphore, #tpu.memory_space<semaphore_mem>>)
      %dma_start3A_84 = arith.constant 896 : i32
      %dma_start3A_85 = arith.constant 0 : i32
      %dma_start3A_86 = tpu.memref_slice %arg6[%dma_start3A_84, %dma_start3A_85] : memref<1920x16xf32, #tpu.memory_space<vmem>> -> memref<128x16xf32, #tpu.memory_space<vmem>>
      %dma_start3A_87 = arith.constant 896 : i32
      %dma_start3A_88 = tpu.memref_slice %arg5[%dma_start3A_87] : memref<1920xi32, #tpu.memory_space<vmem>> -> memref<128xi32, #tpu.memory_space<vmem>>
      %dma_start3A_89 = arith.constant 0 : i32
      %dma_start3A_90 = arith.constant 0 : i32
      %dma_start3A_91 = tpu.memref_slice %arg2[%dma_start3A_89, %dma_start3A_90] : memref<100000x16xf32, #tpu.memory_space<hbm>> -> memref<100000x16xf32, #tpu.memory_space<hbm>>
      tpu.enqueue_indirect_dma source(%dma_start3A_91 : memref<100000x16xf32, #tpu.memory_space<hbm>>) target(%dma_start3A_86 : memref<128x16xf32, #tpu.memory_space<vmem>>) offsets(%dma_start3A_88 : memref<128xi32, #tpu.memory_space<vmem>>) semaphore(%arg7 : memref<!tpu.dma_semaphore, #tpu.memory_space<semaphore_mem>>)
      %dma_start3A_92 = arith.constant 1024 : i32
      %dma_start3A_93 = arith.constant 0 : i32
      %dma_start3A_94 = tpu.memref_slice %arg6[%dma_start3A_92, %dma_start3A_93] : memref<1920x16xf32, #tpu.memory_space<vmem>> -> memref<128x16xf32, #tpu.memory_space<vmem>>
      %dma_start3A_95 = arith.constant 1024 : i32
      %dma_start3A_96 = tpu.memref_slice %arg5[%dma_start3A_95] : memref<1920xi32, #tpu.memory_space<vmem>> -> memref<128xi32, #tpu.memory_space<vmem>>
      %dma_start3A_97 = arith.constant 0 : i32
      %dma_start3A_98 = arith.constant 0 : i32
      %dma_start3A_99 = tpu.memref_slice %arg2[%dma_start3A_97, %dma_start3A_98] : memref<100000x16xf32, #tpu.memory_space<hbm>> -> memref<100000x16xf32, #tpu.memory_space<hbm>>
      tpu.enqueue_indirect_dma source(%dma_start3A_99 : memref<100000x16xf32, #tpu.memory_space<hbm>>) target(%dma_start3A_94 : memref<128x16xf32, #tpu.memory_space<vmem>>) offsets(%dma_start3A_96 : memref<128xi32, #tpu.memory_space<vmem>>) semaphore(%arg7 : memref<!tpu.dma_semaphore, #tpu.memory_space<semaphore_mem>>)
      %dma_start3A_100 = arith.constant 1152 : i32
      %dma_start3A_101 = arith.constant 0 : i32
      %dma_start3A_102 = tpu.memref_slice %arg6[%dma_start3A_100, %dma_start3A_101] : memref<1920x16xf32, #tpu.memory_space<vmem>> -> memref<128x16xf32, #tpu.memory_space<vmem>>
      %dma_start3A_103 = arith.constant 1152 : i32
      %dma_start3A_104 = tpu.memref_slice %arg5[%dma_start3A_103] : memref<1920xi32, #tpu.memory_space<vmem>> -> memref<128xi32, #tpu.memory_space<vmem>>
      %dma_start3A_105 = arith.constant 0 : i32
      %dma_start3A_106 = arith.constant 0 : i32
      %dma_start3A_107 = tpu.memref_slice %arg2[%dma_start3A_105, %dma_start3A_106] : memref<100000x16xf32, #tpu.memory_space<hbm>> -> memref<100000x16xf32, #tpu.memory_space<hbm>>
      tpu.enqueue_indirect_dma source(%dma_start3A_107 : memref<100000x16xf32, #tpu.memory_space<hbm>>) target(%dma_start3A_102 : memref<128x16xf32, #tpu.memory_space<vmem>>) offsets(%dma_start3A_104 : memref<128xi32, #tpu.memory_space<vmem>>) semaphore(%arg7 : memref<!tpu.dma_semaphore, #tpu.memory_space<semaphore_mem>>)
      %dma_start3A_108 = arith.constant 1280 : i32
      %dma_start3A_109 = arith.constant 0 : i32
      %dma_start3A_110 = tpu.memref_slice %arg6[%dma_start3A_108, %dma_start3A_109] : memref<1920x16xf32, #tpu.memory_space<vmem>> -> memref<128x16xf32, #tpu.memory_space<vmem>>
      %dma_start3A_111 = arith.constant 1280 : i32
      %dma_start3A_112 = tpu.memref_slice %arg5[%dma_start3A_111] : memref<1920xi32, #tpu.memory_space<vmem>> -> memref<128xi32, #tpu.memory_space<vmem>>
      %dma_start3A_113 = arith.constant 0 : i32
      %dma_start3A_114 = arith.constant 0 : i32
      %dma_start3A_115 = tpu.memref_slice %arg2[%dma_start3A_113, %dma_start3A_114] : memref<100000x16xf32, #tpu.memory_space<hbm>> -> memref<100000x16xf32, #tpu.memory_space<hbm>>
      tpu.enqueue_indirect_dma source(%dma_start3A_115 : memref<100000x16xf32, #tpu.memory_space<hbm>>) target(%dma_start3A_110 : memref<128x16xf32, #tpu.memory_space<vmem>>) offsets(%dma_start3A_112 : memref<128xi32, #tpu.memory_space<vmem>>) semaphore(%arg7 : memref<!tpu.dma_semaphore, #tpu.memory_space<semaphore_mem>>)
      %dma_start3A_116 = arith.constant 1408 : i32
      %dma_start3A_117 = arith.constant 0 : i32
      %dma_start3A_118 = tpu.memref_slice %arg6[%dma_start3A_116, %dma_start3A_117] : memref<1920x16xf32, #tpu.memory_space<vmem>> -> memref<128x16xf32, #tpu.memory_space<vmem>>
      %dma_start3A_119 = arith.constant 1408 : i32
      %dma_start3A_120 = tpu.memref_slice %arg5[%dma_start3A_119] : memref<1920xi32, #tpu.memory_space<vmem>> -> memref<128xi32, #tpu.memory_space<vmem>>
      %dma_start3A_121 = arith.constant 0 : i32
      %dma_start3A_122 = arith.constant 0 : i32
      %dma_start3A_123 = tpu.memref_slice %arg2[%dma_start3A_121, %dma_start3A_122] : memref<100000x16xf32, #tpu.memory_space<hbm>> -> memref<100000x16xf32, #tpu.memory_space<hbm>>
      tpu.enqueue_indirect_dma source(%dma_start3A_123 : memref<100000x16xf32, #tpu.memory_space<hbm>>) target(%dma_start3A_118 : memref<128x16xf32, #tpu.memory_space<vmem>>) offsets(%dma_start3A_120 : memref<128xi32, #tpu.memory_space<vmem>>) semaphore(%arg7 : memref<!tpu.dma_semaphore, #tpu.memory_space<semaphore_mem>>)
      %dma_start3A_124 = arith.constant 1536 : i32
      %dma_start3A_125 = arith.constant 0 : i32
      %dma_start3A_126 = tpu.memref_slice %arg6[%dma_start3A_124, %dma_start3A_125] : memref<1920x16xf32, #tpu.memory_space<vmem>> -> memref<128x16xf32, #tpu.memory_space<vmem>>
      %dma_start3A_127 = arith.constant 1536 : i32
      %dma_start3A_128 = tpu.memref_slice %arg5[%dma_start3A_127] : memref<1920xi32, #tpu.memory_space<vmem>> -> memref<128xi32, #tpu.memory_space<vmem>>
      %dma_start3A_129 = arith.constant 0 : i32
      %dma_start3A_130 = arith.constant 0 : i32
      %dma_start3A_131 = tpu.memref_slice %arg2[%dma_start3A_129, %dma_start3A_130] : memref<100000x16xf32, #tpu.memory_space<hbm>> -> memref<100000x16xf32, #tpu.memory_space<hbm>>
      tpu.enqueue_indirect_dma source(%dma_start3A_131 : memref<100000x16xf32, #tpu.memory_space<hbm>>) target(%dma_start3A_126 : memref<128x16xf32, #tpu.memory_space<vmem>>) offsets(%dma_start3A_128 : memref<128xi32, #tpu.memory_space<vmem>>) semaphore(%arg7 : memref<!tpu.dma_semaphore, #tpu.memory_space<semaphore_mem>>)
      %dma_start3A_132 = arith.constant 1664 : i32
      %dma_start3A_133 = arith.constant 0 : i32
      %dma_start3A_134 = tpu.memref_slice %arg6[%dma_start3A_132, %dma_start3A_133] : memref<1920x16xf32, #tpu.memory_space<vmem>> -> memref<128x16xf32, #tpu.memory_space<vmem>>
      %dma_start3A_135 = arith.constant 1664 : i32
      %dma_start3A_136 = tpu.memref_slice %arg5[%dma_start3A_135] : memref<1920xi32, #tpu.memory_space<vmem>> -> memref<128xi32, #tpu.memory_space<vmem>>
      %dma_start3A_137 = arith.constant 0 : i32
      %dma_start3A_138 = arith.constant 0 : i32
      %dma_start3A_139 = tpu.memref_slice %arg2[%dma_start3A_137, %dma_start3A_138] : memref<100000x16xf32, #tpu.memory_space<hbm>> -> memref<100000x16xf32, #tpu.memory_space<hbm>>
      tpu.enqueue_indirect_dma source(%dma_start3A_139 : memref<100000x16xf32, #tpu.memory_space<hbm>>) target(%dma_start3A_134 : memref<128x16xf32, #tpu.memory_space<vmem>>) offsets(%dma_start3A_136 : memref<128xi32, #tpu.memory_space<vmem>>) semaphore(%arg7 : memref<!tpu.dma_semaphore, #tpu.memory_space<semaphore_mem>>)
      %dma_start3A_140 = arith.constant 1792 : i32
      %dma_start3A_141 = arith.constant 0 : i32
      %dma_start3A_142 = tpu.memref_slice %arg6[%dma_start3A_140, %dma_start3A_141] : memref<1920x16xf32, #tpu.memory_space<vmem>> -> memref<128x16xf32, #tpu.memory_space<vmem>>
      %dma_start3A_143 = arith.constant 1792 : i32
      %dma_start3A_144 = tpu.memref_slice %arg5[%dma_start3A_143] : memref<1920xi32, #tpu.memory_space<vmem>> -> memref<128xi32, #tpu.memory_space<vmem>>
      %dma_start3A_145 = arith.constant 0 : i32
      %dma_start3A_146 = arith.constant 0 : i32
      %dma_start3A_147 = tpu.memref_slice %arg2[%dma_start3A_145, %dma_start3A_146] : memref<100000x16xf32, #tpu.memory_space<hbm>> -> memref<100000x16xf32, #tpu.memory_space<hbm>>
      tpu.enqueue_indirect_dma source(%dma_start3A_147 : memref<100000x16xf32, #tpu.memory_space<hbm>>) target(%dma_start3A_142 : memref<128x16xf32, #tpu.memory_space<vmem>>) offsets(%dma_start3A_144 : memref<128xi32, #tpu.memory_space<vmem>>) semaphore(%arg7 : memref<!tpu.dma_semaphore, #tpu.memory_space<semaphore_mem>>)
      %dma_wait3A_148 = arith.constant 0 : i32
      %dma_wait3A_149 = arith.constant 0 : i32
      %dma_wait3A_150 = tpu.memref_slice %arg6[%dma_wait3A_148, %dma_wait3A_149] : memref<1920x16xf32, #tpu.memory_space<vmem>> -> memref<128x16xf32, #tpu.memory_space<vmem>>
      %dma_wait3A_151 = arith.constant 0 : i32
      %dma_wait3A_152 = tpu.memref_slice %arg5[%dma_wait3A_151] : memref<1920xi32, #tpu.memory_space<vmem>> -> memref<128xi32, #tpu.memory_space<vmem>>
      %dma_wait3A_153 = arith.constant 0 : i32
      %dma_wait3A_154 = arith.constant 0 : i32
      %dma_wait3A_155 = tpu.memref_slice %arg2[%dma_wait3A_153, %dma_wait3A_154] : memref<100000x16xf32, #tpu.memory_space<hbm>> -> memref<100000x16xf32, #tpu.memory_space<hbm>>
      tpu.wait_indirect_dma semaphore(%arg7 : memref<!tpu.dma_semaphore, #tpu.memory_space<semaphore_mem>>) src(%dma_wait3A_155 : memref<100000x16xf32, #tpu.memory_space<hbm>>) dst(%dma_wait3A_150 : memref<128x16xf32, #tpu.memory_space<vmem>>)
      %dma_wait3A_156 = arith.constant 128 : i32
      %dma_wait3A_157 = arith.constant 0 : i32
      %dma_wait3A_158 = tpu.memref_slice %arg6[%dma_wait3A_156, %dma_wait3A_157] : memref<1920x16xf32, #tpu.memory_space<vmem>> -> memref<128x16xf32, #tpu.memory_space<vmem>>
      %dma_wait3A_159 = arith.constant 128 : i32
      %dma_wait3A_160 = tpu.memref_slice %arg5[%dma_wait3A_159] : memref<1920xi32, #tpu.memory_space<vmem>> -> memref<128xi32, #tpu.memory_space<vmem>>
      %dma_wait3A_161 = arith.constant 0 : i32
      %dma_wait3A_162 = arith.constant 0 : i32
      %dma_wait3A_163 = tpu.memref_slice %arg2[%dma_wait3A_161, %dma_wait3A_162] : memref<100000x16xf32, #tpu.memory_space<hbm>> -> memref<100000x16xf32, #tpu.memory_space<hbm>>
      tpu.wait_indirect_dma semaphore(%arg7 : memref<!tpu.dma_semaphore, #tpu.memory_space<semaphore_mem>>) src(%dma_wait3A_163 : memref<100000x16xf32, #tpu.memory_space<hbm>>) dst(%dma_wait3A_158 : memref<128x16xf32, #tpu.memory_space<vmem>>)
      %dma_wait3A_164 = arith.constant 256 : i32
      %dma_wait3A_165 = arith.constant 0 : i32
      %dma_wait3A_166 = tpu.memref_slice %arg6[%dma_wait3A_164, %dma_wait3A_165] : memref<1920x16xf32, #tpu.memory_space<vmem>> -> memref<128x16xf32, #tpu.memory_space<vmem>>
      %dma_wait3A_167 = arith.constant 256 : i32
      %dma_wait3A_168 = tpu.memref_slice %arg5[%dma_wait3A_167] : memref<1920xi32, #tpu.memory_space<vmem>> -> memref<128xi32, #tpu.memory_space<vmem>>
      %dma_wait3A_169 = arith.constant 0 : i32
      %dma_wait3A_170 = arith.constant 0 : i32
      %dma_wait3A_171 = tpu.memref_slice %arg2[%dma_wait3A_169, %dma_wait3A_170] : memref<100000x16xf32, #tpu.memory_space<hbm>> -> memref<100000x16xf32, #tpu.memory_space<hbm>>
      tpu.wait_indirect_dma semaphore(%arg7 : memref<!tpu.dma_semaphore, #tpu.memory_space<semaphore_mem>>) src(%dma_wait3A_171 : memref<100000x16xf32, #tpu.memory_space<hbm>>) dst(%dma_wait3A_166 : memref<128x16xf32, #tpu.memory_space<vmem>>)
      %dma_wait3A_172 = arith.constant 384 : i32
      %dma_wait3A_173 = arith.constant 0 : i32
      %dma_wait3A_174 = tpu.memref_slice %arg6[%dma_wait3A_172, %dma_wait3A_173] : memref<1920x16xf32, #tpu.memory_space<vmem>> -> memref<128x16xf32, #tpu.memory_space<vmem>>
      %dma_wait3A_175 = arith.constant 384 : i32
      %dma_wait3A_176 = tpu.memref_slice %arg5[%dma_wait3A_175] : memref<1920xi32, #tpu.memory_space<vmem>> -> memref<128xi32, #tpu.memory_space<vmem>>
      %dma_wait3A_177 = arith.constant 0 : i32
      %dma_wait3A_178 = arith.constant 0 : i32
      %dma_wait3A_179 = tpu.memref_slice %arg2[%dma_wait3A_177, %dma_wait3A_178] : memref<100000x16xf32, #tpu.memory_space<hbm>> -> memref<100000x16xf32, #tpu.memory_space<hbm>>
      tpu.wait_indirect_dma semaphore(%arg7 : memref<!tpu.dma_semaphore, #tpu.memory_space<semaphore_mem>>) src(%dma_wait3A_179 : memref<100000x16xf32, #tpu.memory_space<hbm>>) dst(%dma_wait3A_174 : memref<128x16xf32, #tpu.memory_space<vmem>>)
      %dma_wait3A_180 = arith.constant 512 : i32
      %dma_wait3A_181 = arith.constant 0 : i32
      %dma_wait3A_182 = tpu.memref_slice %arg6[%dma_wait3A_180, %dma_wait3A_181] : memref<1920x16xf32, #tpu.memory_space<vmem>> -> memref<128x16xf32, #tpu.memory_space<vmem>>
      %dma_wait3A_183 = arith.constant 512 : i32
      %dma_wait3A_184 = tpu.memref_slice %arg5[%dma_wait3A_183] : memref<1920xi32, #tpu.memory_space<vmem>> -> memref<128xi32, #tpu.memory_space<vmem>>
      %dma_wait3A_185 = arith.constant 0 : i32
      %dma_wait3A_186 = arith.constant 0 : i32
      %dma_wait3A_187 = tpu.memref_slice %arg2[%dma_wait3A_185, %dma_wait3A_186] : memref<100000x16xf32, #tpu.memory_space<hbm>> -> memref<100000x16xf32, #tpu.memory_space<hbm>>
      tpu.wait_indirect_dma semaphore(%arg7 : memref<!tpu.dma_semaphore, #tpu.memory_space<semaphore_mem>>) src(%dma_wait3A_187 : memref<100000x16xf32, #tpu.memory_space<hbm>>) dst(%dma_wait3A_182 : memref<128x16xf32, #tpu.memory_space<vmem>>)
      %dma_wait3A_188 = arith.constant 640 : i32
      %dma_wait3A_189 = arith.constant 0 : i32
      %dma_wait3A_190 = tpu.memref_slice %arg6[%dma_wait3A_188, %dma_wait3A_189] : memref<1920x16xf32, #tpu.memory_space<vmem>> -> memref<128x16xf32, #tpu.memory_space<vmem>>
      %dma_wait3A_191 = arith.constant 640 : i32
      %dma_wait3A_192 = tpu.memref_slice %arg5[%dma_wait3A_191] : memref<1920xi32, #tpu.memory_space<vmem>> -> memref<128xi32, #tpu.memory_space<vmem>>
      %dma_wait3A_193 = arith.constant 0 : i32
      %dma_wait3A_194 = arith.constant 0 : i32
      %dma_wait3A_195 = tpu.memref_slice %arg2[%dma_wait3A_193, %dma_wait3A_194] : memref<100000x16xf32, #tpu.memory_space<hbm>> -> memref<100000x16xf32, #tpu.memory_space<hbm>>
      tpu.wait_indirect_dma semaphore(%arg7 : memref<!tpu.dma_semaphore, #tpu.memory_space<semaphore_mem>>) src(%dma_wait3A_195 : memref<100000x16xf32, #tpu.memory_space<hbm>>) dst(%dma_wait3A_190 : memref<128x16xf32, #tpu.memory_space<vmem>>)
      %dma_wait3A_196 = arith.constant 768 : i32
      %dma_wait3A_197 = arith.constant 0 : i32
      %dma_wait3A_198 = tpu.memref_slice %arg6[%dma_wait3A_196, %dma_wait3A_197] : memref<1920x16xf32, #tpu.memory_space<vmem>> -> memref<128x16xf32, #tpu.memory_space<vmem>>
      %dma_wait3A_199 = arith.constant 768 : i32
      %dma_wait3A_200 = tpu.memref_slice %arg5[%dma_wait3A_199] : memref<1920xi32, #tpu.memory_space<vmem>> -> memref<128xi32, #tpu.memory_space<vmem>>
      %dma_wait3A_201 = arith.constant 0 : i32
      %dma_wait3A_202 = arith.constant 0 : i32
      %dma_wait3A_203 = tpu.memref_slice %arg2[%dma_wait3A_201, %dma_wait3A_202] : memref<100000x16xf32, #tpu.memory_space<hbm>> -> memref<100000x16xf32, #tpu.memory_space<hbm>>
      tpu.wait_indirect_dma semaphore(%arg7 : memref<!tpu.dma_semaphore, #tpu.memory_space<semaphore_mem>>) src(%dma_wait3A_203 : memref<100000x16xf32, #tpu.memory_space<hbm>>) dst(%dma_wait3A_198 : memref<128x16xf32, #tpu.memory_space<vmem>>)
      %dma_wait3A_204 = arith.constant 896 : i32
      %dma_wait3A_205 = arith.constant 0 : i32
      %dma_wait3A_206 = tpu.memref_slice %arg6[%dma_wait3A_204, %dma_wait3A_205] : memref<1920x16xf32, #tpu.memory_space<vmem>> -> memref<128x16xf32, #tpu.memory_space<vmem>>
      %dma_wait3A_207 = arith.constant 896 : i32
      %dma_wait3A_208 = tpu.memref_slice %arg5[%dma_wait3A_207] : memref<1920xi32, #tpu.memory_space<vmem>> -> memref<128xi32, #tpu.memory_space<vmem>>
      %dma_wait3A_209 = arith.constant 0 : i32
      %dma_wait3A_210 = arith.constant 0 : i32
      %dma_wait3A_211 = tpu.memref_slice %arg2[%dma_wait3A_209, %dma_wait3A_210] : memref<100000x16xf32, #tpu.memory_space<hbm>> -> memref<100000x16xf32, #tpu.memory_space<hbm>>
      tpu.wait_indirect_dma semaphore(%arg7 : memref<!tpu.dma_semaphore, #tpu.memory_space<semaphore_mem>>) src(%dma_wait3A_211 : memref<100000x16xf32, #tpu.memory_space<hbm>>) dst(%dma_wait3A_206 : memref<128x16xf32, #tpu.memory_space<vmem>>)
      %dma_wait3A_212 = arith.constant 1024 : i32
      %dma_wait3A_213 = arith.constant 0 : i32
      %dma_wait3A_214 = tpu.memref_slice %arg6[%dma_wait3A_212, %dma_wait3A_213] : memref<1920x16xf32, #tpu.memory_space<vmem>> -> memref<128x16xf32, #tpu.memory_space<vmem>>
      %dma_wait3A_215 = arith.constant 1024 : i32
      %dma_wait3A_216 = tpu.memref_slice %arg5[%dma_wait3A_215] : memref<1920xi32, #tpu.memory_space<vmem>> -> memref<128xi32, #tpu.memory_space<vmem>>
      %dma_wait3A_217 = arith.constant 0 : i32
      %dma_wait3A_218 = arith.constant 0 : i32
      %dma_wait3A_219 = tpu.memref_slice %arg2[%dma_wait3A_217, %dma_wait3A_218] : memref<100000x16xf32, #tpu.memory_space<hbm>> -> memref<100000x16xf32, #tpu.memory_space<hbm>>
      tpu.wait_indirect_dma semaphore(%arg7 : memref<!tpu.dma_semaphore, #tpu.memory_space<semaphore_mem>>) src(%dma_wait3A_219 : memref<100000x16xf32, #tpu.memory_space<hbm>>) dst(%dma_wait3A_214 : memref<128x16xf32, #tpu.memory_space<vmem>>)
      %dma_wait3A_220 = arith.constant 1152 : i32
      %dma_wait3A_221 = arith.constant 0 : i32
      %dma_wait3A_222 = tpu.memref_slice %arg6[%dma_wait3A_220, %dma_wait3A_221] : memref<1920x16xf32, #tpu.memory_space<vmem>> -> memref<128x16xf32, #tpu.memory_space<vmem>>
      %dma_wait3A_223 = arith.constant 1152 : i32
      %dma_wait3A_224 = tpu.memref_slice %arg5[%dma_wait3A_223] : memref<1920xi32, #tpu.memory_space<vmem>> -> memref<128xi32, #tpu.memory_space<vmem>>
      %dma_wait3A_225 = arith.constant 0 : i32
      %dma_wait3A_226 = arith.constant 0 : i32
      %dma_wait3A_227 = tpu.memref_slice %arg2[%dma_wait3A_225, %dma_wait3A_226] : memref<100000x16xf32, #tpu.memory_space<hbm>> -> memref<100000x16xf32, #tpu.memory_space<hbm>>
      tpu.wait_indirect_dma semaphore(%arg7 : memref<!tpu.dma_semaphore, #tpu.memory_space<semaphore_mem>>) src(%dma_wait3A_227 : memref<100000x16xf32, #tpu.memory_space<hbm>>) dst(%dma_wait3A_222 : memref<128x16xf32, #tpu.memory_space<vmem>>)
      %dma_wait3A_228 = arith.constant 1280 : i32
      %dma_wait3A_229 = arith.constant 0 : i32
      %dma_wait3A_230 = tpu.memref_slice %arg6[%dma_wait3A_228, %dma_wait3A_229] : memref<1920x16xf32, #tpu.memory_space<vmem>> -> memref<128x16xf32, #tpu.memory_space<vmem>>
      %dma_wait3A_231 = arith.constant 1280 : i32
      %dma_wait3A_232 = tpu.memref_slice %arg5[%dma_wait3A_231] : memref<1920xi32, #tpu.memory_space<vmem>> -> memref<128xi32, #tpu.memory_space<vmem>>
      %dma_wait3A_233 = arith.constant 0 : i32
      %dma_wait3A_234 = arith.constant 0 : i32
      %dma_wait3A_235 = tpu.memref_slice %arg2[%dma_wait3A_233, %dma_wait3A_234] : memref<100000x16xf32, #tpu.memory_space<hbm>> -> memref<100000x16xf32, #tpu.memory_space<hbm>>
      tpu.wait_indirect_dma semaphore(%arg7 : memref<!tpu.dma_semaphore, #tpu.memory_space<semaphore_mem>>) src(%dma_wait3A_235 : memref<100000x16xf32, #tpu.memory_space<hbm>>) dst(%dma_wait3A_230 : memref<128x16xf32, #tpu.memory_space<vmem>>)
      %dma_wait3A_236 = arith.constant 1408 : i32
      %dma_wait3A_237 = arith.constant 0 : i32
      %dma_wait3A_238 = tpu.memref_slice %arg6[%dma_wait3A_236, %dma_wait3A_237] : memref<1920x16xf32, #tpu.memory_space<vmem>> -> memref<128x16xf32, #tpu.memory_space<vmem>>
      %dma_wait3A_239 = arith.constant 1408 : i32
      %dma_wait3A_240 = tpu.memref_slice %arg5[%dma_wait3A_239] : memref<1920xi32, #tpu.memory_space<vmem>> -> memref<128xi32, #tpu.memory_space<vmem>>
      %dma_wait3A_241 = arith.constant 0 : i32
      %dma_wait3A_242 = arith.constant 0 : i32
      %dma_wait3A_243 = tpu.memref_slice %arg2[%dma_wait3A_241, %dma_wait3A_242] : memref<100000x16xf32, #tpu.memory_space<hbm>> -> memref<100000x16xf32, #tpu.memory_space<hbm>>
      tpu.wait_indirect_dma semaphore(%arg7 : memref<!tpu.dma_semaphore, #tpu.memory_space<semaphore_mem>>) src(%dma_wait3A_243 : memref<100000x16xf32, #tpu.memory_space<hbm>>) dst(%dma_wait3A_238 : memref<128x16xf32, #tpu.memory_space<vmem>>)
      %dma_wait3A_244 = arith.constant 1536 : i32
      %dma_wait3A_245 = arith.constant 0 : i32
      %dma_wait3A_246 = tpu.memref_slice %arg6[%dma_wait3A_244, %dma_wait3A_245] : memref<1920x16xf32, #tpu.memory_space<vmem>> -> memref<128x16xf32, #tpu.memory_space<vmem>>
      %dma_wait3A_247 = arith.constant 1536 : i32
      %dma_wait3A_248 = tpu.memref_slice %arg5[%dma_wait3A_247] : memref<1920xi32, #tpu.memory_space<vmem>> -> memref<128xi32, #tpu.memory_space<vmem>>
      %dma_wait3A_249 = arith.constant 0 : i32
      %dma_wait3A_250 = arith.constant 0 : i32
      %dma_wait3A_251 = tpu.memref_slice %arg2[%dma_wait3A_249, %dma_wait3A_250] : memref<100000x16xf32, #tpu.memory_space<hbm>> -> memref<100000x16xf32, #tpu.memory_space<hbm>>
      tpu.wait_indirect_dma semaphore(%arg7 : memref<!tpu.dma_semaphore, #tpu.memory_space<semaphore_mem>>) src(%dma_wait3A_251 : memref<100000x16xf32, #tpu.memory_space<hbm>>) dst(%dma_wait3A_246 : memref<128x16xf32, #tpu.memory_space<vmem>>)
      %dma_wait3A_252 = arith.constant 1664 : i32
      %dma_wait3A_253 = arith.constant 0 : i32
      %dma_wait3A_254 = tpu.memref_slice %arg6[%dma_wait3A_252, %dma_wait3A_253] : memref<1920x16xf32, #tpu.memory_space<vmem>> -> memref<128x16xf32, #tpu.memory_space<vmem>>
      %dma_wait3A_255 = arith.constant 1664 : i32
      %dma_wait3A_256 = tpu.memref_slice %arg5[%dma_wait3A_255] : memref<1920xi32, #tpu.memory_space<vmem>> -> memref<128xi32, #tpu.memory_space<vmem>>
      %dma_wait3A_257 = arith.constant 0 : i32
      %dma_wait3A_258 = arith.constant 0 : i32
      %dma_wait3A_259 = tpu.memref_slice %arg2[%dma_wait3A_257, %dma_wait3A_258] : memref<100000x16xf32, #tpu.memory_space<hbm>> -> memref<100000x16xf32, #tpu.memory_space<hbm>>
      tpu.wait_indirect_dma semaphore(%arg7 : memref<!tpu.dma_semaphore, #tpu.memory_space<semaphore_mem>>) src(%dma_wait3A_259 : memref<100000x16xf32, #tpu.memory_space<hbm>>) dst(%dma_wait3A_254 : memref<128x16xf32, #tpu.memory_space<vmem>>)
      %dma_wait3A_260 = arith.constant 1792 : i32
      %dma_wait3A_261 = arith.constant 0 : i32
      %dma_wait3A_262 = tpu.memref_slice %arg6[%dma_wait3A_260, %dma_wait3A_261] : memref<1920x16xf32, #tpu.memory_space<vmem>> -> memref<128x16xf32, #tpu.memory_space<vmem>>
      %dma_wait3A_263 = arith.constant 1792 : i32
      %dma_wait3A_264 = tpu.memref_slice %arg5[%dma_wait3A_263] : memref<1920xi32, #tpu.memory_space<vmem>> -> memref<128xi32, #tpu.memory_space<vmem>>
      %dma_wait3A_265 = arith.constant 0 : i32
      %dma_wait3A_266 = arith.constant 0 : i32
      %dma_wait3A_267 = tpu.memref_slice %arg2[%dma_wait3A_265, %dma_wait3A_266] : memref<100000x16xf32, #tpu.memory_space<hbm>> -> memref<100000x16xf32, #tpu.memory_space<hbm>>
      tpu.wait_indirect_dma semaphore(%arg7 : memref<!tpu.dma_semaphore, #tpu.memory_space<semaphore_mem>>) src(%dma_wait3A_267 : memref<100000x16xf32, #tpu.memory_space<hbm>>) dst(%dma_wait3A_262 : memref<128x16xf32, #tpu.memory_space<vmem>>)
      "tpu.region"() ({
        %run_scoped3A = tpu.sem_alloc : memref<!tpu.dma_semaphore, #tpu.memory_space<semaphore_mem>>
        %dma_start3A_268 = arith.constant 0 : i32
        %dma_start3A_269 = tpu.memref_slice %arg4[%add3A_27, %dma_start3A_268] : memref<800000x16xf32, #tpu.memory_space<hbm>> -> memref<1920x16xf32, #tpu.memory_space<hbm>>
        %dma_start3A_270 = arith.constant 0 : i32
        %dma_start3A_271 = tpu.memref_slice %arg4[%add3A_27, %dma_start3A_270] : memref<800000x16xf32, #tpu.memory_space<hbm>> -> memref<1920x16xf32, #tpu.memory_space<hbm>>
        tpu.enqueue_dma source(%arg6 : memref<1920x16xf32, #tpu.memory_space<vmem>>) target(%dma_start3A_271 : memref<1920x16xf32, #tpu.memory_space<hbm>>) target_semaphore(%run_scoped3A : memref<!tpu.dma_semaphore, #tpu.memory_space<semaphore_mem>>)
        %dma_wait3A_272 = arith.constant 0 : i32
        %dma_wait3A_273 = tpu.memref_slice %arg4[%add3A_27, %dma_wait3A_272] : memref<800000x16xf32, #tpu.memory_space<hbm>> -> memref<1920x16xf32, #tpu.memory_space<hbm>>
        %dma_wait3A_274 = arith.constant 0 : i32
        %dma_wait3A_275 = tpu.memref_slice %arg4[%add3A_27, %dma_wait3A_274] : memref<800000x16xf32, #tpu.memory_space<hbm>> -> memref<1920x16xf32, #tpu.memory_space<hbm>>
        tpu.wait_dma2 semaphore(%run_scoped3A : memref<!tpu.dma_semaphore, #tpu.memory_space<semaphore_mem>>) src(%arg6 : memref<1920x16xf32, #tpu.memory_space<vmem>>) dst(%dma_wait3A_275 : memref<1920x16xf32, #tpu.memory_space<hbm>>)
        tpu.yield
      }) : () -> ()
    }
    %scan3A_7 = arith.constant 13 : i32
    %add3A_8 = arith.constant 24960 : i32
    %add3A_9 = arith.addi %mul3A_2, %add3A_8 : i32
    "tpu.region"() ({
      %run_scoped3A = tpu.sem_alloc : memref<!tpu.dma_semaphore, #tpu.memory_space<semaphore_mem>>
      %dma_start3A_24 = arith.constant 0 : i32
      %dma_start3A_25 = tpu.memref_slice %arg5[%dma_start3A_24] : memref<1920xi32, #tpu.memory_space<vmem>> -> memref<40xi32, #tpu.memory_space<vmem>>
      %dma_start3A_26 = tpu.memref_slice %arg3[%add3A_9] : memref<800000xi32, #tpu.memory_space<hbm>> -> memref<40xi32, #tpu.memory_space<hbm>>
      %dma_start3A_27 = arith.constant 0 : i32
      %dma_start3A_28 = tpu.memref_slice %arg5[%dma_start3A_27] : memref<1920xi32, #tpu.memory_space<vmem>> -> memref<40xi32, #tpu.memory_space<vmem>>
      %dma_start3A_29 = tpu.memref_slice %arg3[%add3A_9] : memref<800000xi32, #tpu.memory_space<hbm>> -> memref<40xi32, #tpu.memory_space<hbm>>
      tpu.enqueue_dma source(%dma_start3A_29 : memref<40xi32, #tpu.memory_space<hbm>>) target(%dma_start3A_28 : memref<40xi32, #tpu.memory_space<vmem>>) target_semaphore(%run_scoped3A : memref<!tpu.dma_semaphore, #tpu.memory_space<semaphore_mem>>)
      %dma_wait3A_30 = arith.constant 0 : i32
      %dma_wait3A_31 = tpu.memref_slice %arg5[%dma_wait3A_30] : memref<1920xi32, #tpu.memory_space<vmem>> -> memref<40xi32, #tpu.memory_space<vmem>>
      %dma_wait3A_32 = tpu.memref_slice %arg3[%add3A_9] : memref<800000xi32, #tpu.memory_space<hbm>> -> memref<40xi32, #tpu.memory_space<hbm>>
      %dma_wait3A_33 = arith.constant 0 : i32
      %dma_wait3A_34 = tpu.memref_slice %arg5[%dma_wait3A_33] : memref<1920xi32, #tpu.memory_space<vmem>> -> memref<40xi32, #tpu.memory_space<vmem>>
      %dma_wait3A_35 = tpu.memref_slice %arg3[%add3A_9] : memref<800000xi32, #tpu.memory_space<hbm>> -> memref<40xi32, #tpu.memory_space<hbm>>
      tpu.wait_dma2 semaphore(%run_scoped3A : memref<!tpu.dma_semaphore, #tpu.memory_space<semaphore_mem>>) src(%dma_wait3A_35 : memref<40xi32, #tpu.memory_space<hbm>>) dst(%dma_wait3A_34 : memref<40xi32, #tpu.memory_space<vmem>>)
      tpu.yield
    }) : () -> ()
    %dma_start3A = arith.constant 0 : i32
    %dma_start3A_10 = arith.constant 0 : i32
    %dma_start3A_11 = tpu.memref_slice %arg6[%dma_start3A, %dma_start3A_10] : memref<1920x16xf32, #tpu.memory_space<vmem>> -> memref<40x16xf32, #tpu.memory_space<vmem>>
    %dma_start3A_12 = arith.constant 0 : i32
    %dma_start3A_13 = tpu.memref_slice %arg5[%dma_start3A_12] : memref<1920xi32, #tpu.memory_space<vmem>> -> memref<40xi32, #tpu.memory_space<vmem>>
    %dma_start3A_14 = arith.constant 0 : i32
    %dma_start3A_15 = arith.constant 0 : i32
    %dma_start3A_16 = tpu.memref_slice %arg2[%dma_start3A_14, %dma_start3A_15] : memref<100000x16xf32, #tpu.memory_space<hbm>> -> memref<100000x16xf32, #tpu.memory_space<hbm>>
    tpu.enqueue_indirect_dma source(%dma_start3A_16 : memref<100000x16xf32, #tpu.memory_space<hbm>>) target(%dma_start3A_11 : memref<40x16xf32, #tpu.memory_space<vmem>>) offsets(%dma_start3A_13 : memref<40xi32, #tpu.memory_space<vmem>>) semaphore(%arg7 : memref<!tpu.dma_semaphore, #tpu.memory_space<semaphore_mem>>)
    %dma_wait3A = arith.constant 0 : i32
    %dma_wait3A_17 = arith.constant 0 : i32
    %dma_wait3A_18 = tpu.memref_slice %arg6[%dma_wait3A, %dma_wait3A_17] : memref<1920x16xf32, #tpu.memory_space<vmem>> -> memref<40x16xf32, #tpu.memory_space<vmem>>
    %dma_wait3A_19 = arith.constant 0 : i32
    %dma_wait3A_20 = tpu.memref_slice %arg5[%dma_wait3A_19] : memref<1920xi32, #tpu.memory_space<vmem>> -> memref<40xi32, #tpu.memory_space<vmem>>
    %dma_wait3A_21 = arith.constant 0 : i32
    %dma_wait3A_22 = arith.constant 0 : i32
    %dma_wait3A_23 = tpu.memref_slice %arg2[%dma_wait3A_21, %dma_wait3A_22] : memref<100000x16xf32, #tpu.memory_space<hbm>> -> memref<100000x16xf32, #tpu.memory_space<hbm>>
    tpu.wait_indirect_dma semaphore(%arg7 : memref<!tpu.dma_semaphore, #tpu.memory_space<semaphore_mem>>) src(%dma_wait3A_23 : memref<100000x16xf32, #tpu.memory_space<hbm>>) dst(%dma_wait3A_18 : memref<40x16xf32, #tpu.memory_space<vmem>>)
    "tpu.region"() ({
      %run_scoped3A = tpu.sem_alloc : memref<!tpu.dma_semaphore, #tpu.memory_space<semaphore_mem>>
      %dma_start3A_24 = arith.constant 0 : i32
      %dma_start3A_25 = arith.constant 0 : i32
      %dma_start3A_26 = tpu.memref_slice %arg6[%dma_start3A_24, %dma_start3A_25] : memref<1920x16xf32, #tpu.memory_space<vmem>> -> memref<40x16xf32, #tpu.memory_space<vmem>>
      %dma_start3A_27 = arith.constant 0 : i32
      %dma_start3A_28 = tpu.memref_slice %arg4[%add3A_9, %dma_start3A_27] : memref<800000x16xf32, #tpu.memory_space<hbm>> -> memref<40x16xf32, #tpu.memory_space<hbm>>
      %dma_start3A_29 = arith.constant 0 : i32
      %dma_start3A_30 = tpu.memref_slice %arg4[%add3A_9, %dma_start3A_29] : memref<800000x16xf32, #tpu.memory_space<hbm>> -> memref<40x16xf32, #tpu.memory_space<hbm>>
      %dma_start3A_31 = arith.constant 0 : i32
      %dma_start3A_32 = arith.constant 0 : i32
      %dma_start3A_33 = tpu.memref_slice %arg6[%dma_start3A_31, %dma_start3A_32] : memref<1920x16xf32, #tpu.memory_space<vmem>> -> memref<40x16xf32, #tpu.memory_space<vmem>>
      tpu.enqueue_dma source(%dma_start3A_33 : memref<40x16xf32, #tpu.memory_space<vmem>>) target(%dma_start3A_30 : memref<40x16xf32, #tpu.memory_space<hbm>>) target_semaphore(%run_scoped3A : memref<!tpu.dma_semaphore, #tpu.memory_space<semaphore_mem>>)
      %dma_wait3A_34 = arith.constant 0 : i32
      %dma_wait3A_35 = arith.constant 0 : i32
      %dma_wait3A_36 = tpu.memref_slice %arg6[%dma_wait3A_34, %dma_wait3A_35] : memref<1920x16xf32, #tpu.memory_space<vmem>> -> memref<40x16xf32, #tpu.memory_space<vmem>>
      %dma_wait3A_37 = arith.constant 0 : i32
      %dma_wait3A_38 = tpu.memref_slice %arg4[%add3A_9, %dma_wait3A_37] : memref<800000x16xf32, #tpu.memory_space<hbm>> -> memref<40x16xf32, #tpu.memory_space<hbm>>
      %dma_wait3A_39 = arith.constant 0 : i32
      %dma_wait3A_40 = tpu.memref_slice %arg4[%add3A_9, %dma_wait3A_39] : memref<800000x16xf32, #tpu.memory_space<hbm>> -> memref<40x16xf32, #tpu.memory_space<hbm>>
      %dma_wait3A_41 = arith.constant 0 : i32
      %dma_wait3A_42 = arith.constant 0 : i32
      %dma_wait3A_43 = tpu.memref_slice %arg6[%dma_wait3A_41, %dma_wait3A_42] : memref<1920x16xf32, #tpu.memory_space<vmem>> -> memref<40x16xf32, #tpu.memory_space<vmem>>
      tpu.wait_dma2 semaphore(%run_scoped3A : memref<!tpu.dma_semaphore, #tpu.memory_space<semaphore_mem>>) src(%dma_wait3A_43 : memref<40x16xf32, #tpu.memory_space<vmem>>) dst(%dma_wait3A_40 : memref<40x16xf32, #tpu.memory_space<hbm>>)
      tpu.yield
    }) : () -> ()
    return
  }
}

#map = affine_map<(d0, d1) -> (0, 0, 0)>
#map1 = affine_map<(d0, d1) -> (0, 0)>
module attributes {stable_mosaic.version = 14 : i64} {
  func.func @_sc_scatter_body(%arg0: i32, %arg1: i32, %arg2: memref<6250x128x16xf32, #tpu.memory_space<hbm>>, %arg3: memref<2x6250x128xi32, #tpu.memory_space<hbm>>, %arg4: memref<3125x16xf32, #tpu.memory_space<hbm>>, %arg5: memref<100000x16xf32, #tpu.memory_space<hbm>>, %arg6: memref<15x128xi32, #tpu.memory_space<vmem>>, %arg7: memref<15x128x16xf32, #tpu.memory_space<vmem>>, %arg8: memref<50128x16xf32, #tpu.memory_space<vmem_shared>>, %arg9: memref<!tpu.dma_semaphore, #tpu.memory_space<semaphore_mem>>) attributes {dimension_semantics = [#tpu.dimension_semantics<core_parallel>, #tpu.dimension_semantics<subcore_parallel>], iteration_bounds = array<i64: 2, 16>, scalar_prefetch = 0 : i64, scratch_operands = 4 : i64, tpu.core_type = #tpu.core_type<sc_vector_subcore>, window_params = [{transform_indices = #map}, {transform_indices = #map}, {transform_indices = #map1}, {transform_indices = #map1}]} {
    %mul3A = arith.constant 3125 : i32
    %mul3A_0 = arith.muli %arg1, %mul3A : i32
    "tpu.region"() ({
      %run_scoped3A = tpu.sem_alloc : memref<!tpu.dma_semaphore, #tpu.memory_space<semaphore_mem>>
      %dma_start3A = arith.constant 0 : i32
      %dma_start3A_23 = tpu.memref_slice %arg8[%mul3A_0, %dma_start3A] : memref<50128x16xf32, #tpu.memory_space<vmem_shared>> -> memref<3125x16xf32, #tpu.memory_space<vmem_shared>>
      %dma_start3A_24 = arith.constant 0 : i32
      %dma_start3A_25 = arith.constant 0 : i32
      %dma_start3A_26 = tpu.memref_slice %arg4[%dma_start3A_24, %dma_start3A_25] : memref<3125x16xf32, #tpu.memory_space<hbm>> -> memref<3125x16xf32, #tpu.memory_space<hbm>>
      tpu.enqueue_dma source(%dma_start3A_26 : memref<3125x16xf32, #tpu.memory_space<hbm>>) target(%dma_start3A_23 : memref<3125x16xf32, #tpu.memory_space<vmem_shared>>) target_semaphore(%run_scoped3A : memref<!tpu.dma_semaphore, #tpu.memory_space<semaphore_mem>>)
      %dma_wait3A = arith.constant 0 : i32
      %dma_wait3A_27 = tpu.memref_slice %arg8[%mul3A_0, %dma_wait3A] : memref<50128x16xf32, #tpu.memory_space<vmem_shared>> -> memref<3125x16xf32, #tpu.memory_space<vmem_shared>>
      %dma_wait3A_28 = arith.constant 0 : i32
      %dma_wait3A_29 = arith.constant 0 : i32
      %dma_wait3A_30 = tpu.memref_slice %arg4[%dma_wait3A_28, %dma_wait3A_29] : memref<3125x16xf32, #tpu.memory_space<hbm>> -> memref<3125x16xf32, #tpu.memory_space<hbm>>
      tpu.wait_dma2 semaphore(%run_scoped3A : memref<!tpu.dma_semaphore, #tpu.memory_space<semaphore_mem>>) src(%dma_wait3A_30 : memref<3125x16xf32, #tpu.memory_space<hbm>>) dst(%dma_wait3A_27 : memref<3125x16xf32, #tpu.memory_space<vmem_shared>>)
      tpu.yield
    }) : () -> ()
    %eq3A = arith.constant 0 : i32
    %eq3A_1 = arith.cmpi eq, %arg1, %eq3A : i32
    %convert_element_type3A = arith.extui %eq3A_1 : i1 to i32
    %cond3A = arith.constant 0 : i32
    %cond3A_2 = arith.cmpi ne, %convert_element_type3A, %cond3A : i32
    scf.if %cond3A_2 {
      "tpu.region"() ({
        %run_scoped3A = tpu.sem_alloc : memref<!tpu.dma_semaphore, #tpu.memory_space<semaphore_mem>>
        %dma_start3A = arith.constant 50000 : i32
        %dma_start3A_23 = arith.constant 0 : i32
        %dma_start3A_24 = tpu.memref_slice %arg8[%dma_start3A, %dma_start3A_23] : memref<50128x16xf32, #tpu.memory_space<vmem_shared>> -> memref<128x16xf32, #tpu.memory_space<vmem_shared>>
        %dma_start3A_25 = arith.constant 0 : i32
        %dma_start3A_26 = arith.constant 0 : i32
        %dma_start3A_27 = tpu.memref_slice %arg4[%dma_start3A_25, %dma_start3A_26] : memref<3125x16xf32, #tpu.memory_space<hbm>> -> memref<128x16xf32, #tpu.memory_space<hbm>>
        tpu.enqueue_dma source(%dma_start3A_27 : memref<128x16xf32, #tpu.memory_space<hbm>>) target(%dma_start3A_24 : memref<128x16xf32, #tpu.memory_space<vmem_shared>>) target_semaphore(%run_scoped3A : memref<!tpu.dma_semaphore, #tpu.memory_space<semaphore_mem>>)
        %dma_wait3A = arith.constant 50000 : i32
        %dma_wait3A_28 = arith.constant 0 : i32
        %dma_wait3A_29 = tpu.memref_slice %arg8[%dma_wait3A, %dma_wait3A_28] : memref<50128x16xf32, #tpu.memory_space<vmem_shared>> -> memref<128x16xf32, #tpu.memory_space<vmem_shared>>
        %dma_wait3A_30 = arith.constant 0 : i32
        %dma_wait3A_31 = arith.constant 0 : i32
        %dma_wait3A_32 = tpu.memref_slice %arg4[%dma_wait3A_30, %dma_wait3A_31] : memref<3125x16xf32, #tpu.memory_space<hbm>> -> memref<128x16xf32, #tpu.memory_space<hbm>>
        tpu.wait_dma2 semaphore(%run_scoped3A : memref<!tpu.dma_semaphore, #tpu.memory_space<semaphore_mem>>) src(%dma_wait3A_32 : memref<128x16xf32, #tpu.memory_space<hbm>>) dst(%dma_wait3A_29 : memref<128x16xf32, #tpu.memory_space<vmem_shared>>)
        tpu.yield
      }) : () -> ()
    } else {
    }
    %barrier3A = arith.constant 0 : index
    tpu.barrier barrier_id(%barrier3A)
    %mul3A_3 = arith.constant 390 : i32
    %mul3A_4 = arith.muli %mul3A_3, %arg1 : i32
    %min3A = arith.constant 10 : i32
    %min3A_5 = arith.minsi %arg1, %min3A : i32
    %add3A = arith.addi %mul3A_4, %min3A_5 : i32
    %scan3A = arith.constant 0 : i32
    %scan3A_6 = arith.constant 0 : i32
    %scan3A_7 = arith.constant 26 : i32
    %scan3A_8 = arith.addi %scan3A_6, %scan3A_7 : i32
    %scan3A_9 = arith.constant 1 : i32
    scf.for %scan3A_23 = %scan3A_6 to %scan3A_8 step %scan3A_9  : i32 {
      %mul3A_24 = arith.constant 15 : i32
      %mul3A_25 = arith.muli %scan3A_23, %mul3A_24 : i32
      %add3A_26 = arith.addi %add3A, %mul3A_25 : i32
      "tpu.region"() ({
        %run_scoped3A = tpu.sem_alloc : memref<!tpu.dma_semaphore, #tpu.memory_space<semaphore_mem>>
        %dma_start3A_385 = arith.constant 0 : i32
        %dma_start3A_386 = tpu.memref_slice %arg3[%arg0, %add3A_26, %dma_start3A_385] : memref<2x6250x128xi32, #tpu.memory_space<hbm>> -> memref<1x15x128xi32, #tpu.memory_space<hbm>>
        %dma_start3A_387 = tpu.memref_squeeze %dma_start3A_386 : memref<1x15x128xi32, #tpu.memory_space<hbm>> -> memref<15x128xi32, #tpu.memory_space<hbm>>
        %dma_start3A_388 = arith.constant 0 : i32
        %dma_start3A_389 = tpu.memref_slice %arg3[%arg0, %add3A_26, %dma_start3A_388] : memref<2x6250x128xi32, #tpu.memory_space<hbm>> -> memref<1x15x128xi32, #tpu.memory_space<hbm>>
        %dma_start3A_390 = tpu.memref_squeeze %dma_start3A_389 : memref<1x15x128xi32, #tpu.memory_space<hbm>> -> memref<15x128xi32, #tpu.memory_space<hbm>>
        tpu.enqueue_dma source(%dma_start3A_390 : memref<15x128xi32, #tpu.memory_space<hbm>>) target(%arg6 : memref<15x128xi32, #tpu.memory_space<vmem>>) target_semaphore(%run_scoped3A : memref<!tpu.dma_semaphore, #tpu.memory_space<semaphore_mem>>)
        %dma_wait3A_391 = arith.constant 0 : i32
        %dma_wait3A_392 = tpu.memref_slice %arg3[%arg0, %add3A_26, %dma_wait3A_391] : memref<2x6250x128xi32, #tpu.memory_space<hbm>> -> memref<1x15x128xi32, #tpu.memory_space<hbm>>
        %dma_wait3A_393 = tpu.memref_squeeze %dma_wait3A_392 : memref<1x15x128xi32, #tpu.memory_space<hbm>> -> memref<15x128xi32, #tpu.memory_space<hbm>>
        %dma_wait3A_394 = arith.constant 0 : i32
        %dma_wait3A_395 = tpu.memref_slice %arg3[%arg0, %add3A_26, %dma_wait3A_394] : memref<2x6250x128xi32, #tpu.memory_space<hbm>> -> memref<1x15x128xi32, #tpu.memory_space<hbm>>
        %dma_wait3A_396 = tpu.memref_squeeze %dma_wait3A_395 : memref<1x15x128xi32, #tpu.memory_space<hbm>> -> memref<15x128xi32, #tpu.memory_space<hbm>>
        tpu.wait_dma2 semaphore(%run_scoped3A : memref<!tpu.dma_semaphore, #tpu.memory_space<semaphore_mem>>) src(%dma_wait3A_396 : memref<15x128xi32, #tpu.memory_space<hbm>>) dst(%arg6 : memref<15x128xi32, #tpu.memory_space<vmem>>)
        tpu.yield
      }) : () -> ()
      "tpu.region"() ({
        %run_scoped3A = tpu.sem_alloc : memref<!tpu.dma_semaphore, #tpu.memory_space<semaphore_mem>>
        %dma_start3A_385 = arith.constant 0 : i32
        %dma_start3A_386 = arith.constant 0 : i32
        %dma_start3A_387 = tpu.memref_slice %arg2[%add3A_26, %dma_start3A_385, %dma_start3A_386] : memref<6250x128x16xf32, #tpu.memory_space<hbm>> -> memref<15x128x16xf32, #tpu.memory_space<hbm>>
        %dma_start3A_388 = arith.constant 0 : i32
        %dma_start3A_389 = arith.constant 0 : i32
        %dma_start3A_390 = tpu.memref_slice %arg2[%add3A_26, %dma_start3A_388, %dma_start3A_389] : memref<6250x128x16xf32, #tpu.memory_space<hbm>> -> memref<15x128x16xf32, #tpu.memory_space<hbm>>
        tpu.enqueue_dma source(%dma_start3A_390 : memref<15x128x16xf32, #tpu.memory_space<hbm>>) target(%arg7 : memref<15x128x16xf32, #tpu.memory_space<vmem>>) target_semaphore(%run_scoped3A : memref<!tpu.dma_semaphore, #tpu.memory_space<semaphore_mem>>)
        %dma_wait3A_391 = arith.constant 0 : i32
        %dma_wait3A_392 = arith.constant 0 : i32
        %dma_wait3A_393 = tpu.memref_slice %arg2[%add3A_26, %dma_wait3A_391, %dma_wait3A_392] : memref<6250x128x16xf32, #tpu.memory_space<hbm>> -> memref<15x128x16xf32, #tpu.memory_space<hbm>>
        %dma_wait3A_394 = arith.constant 0 : i32
        %dma_wait3A_395 = arith.constant 0 : i32
        %dma_wait3A_396 = tpu.memref_slice %arg2[%add3A_26, %dma_wait3A_394, %dma_wait3A_395] : memref<6250x128x16xf32, #tpu.memory_space<hbm>> -> memref<15x128x16xf32, #tpu.memory_space<hbm>>
        tpu.wait_dma2 semaphore(%run_scoped3A : memref<!tpu.dma_semaphore, #tpu.memory_space<semaphore_mem>>) src(%dma_wait3A_396 : memref<15x128x16xf32, #tpu.memory_space<hbm>>) dst(%arg7 : memref<15x128x16xf32, #tpu.memory_space<vmem>>)
        tpu.yield
      }) : () -> ()
      %dma_start3A = arith.constant 0 : i32
      %dma_start3A_27 = arith.constant 0 : i32
      %dma_start3A_28 = arith.constant 0 : i32
      %dma_start3A_29 = arith.constant 0 : i32
      %dma_start3A_30 = tpu.memref_slice %arg7[%dma_start3A, %dma_start3A_28, %dma_start3A_29] : memref<15x128x16xf32, #tpu.memory_space<vmem>> -> memref<1x128x16xf32, #tpu.memory_space<vmem>>
      %dma_start3A_31 = tpu.memref_squeeze %dma_start3A_30 : memref<1x128x16xf32, #tpu.memory_space<vmem>> -> memref<128x16xf32, #tpu.memory_space<vmem>>
      %dma_start3A_32 = arith.constant 0 : i32
      %dma_start3A_33 = tpu.memref_slice %arg6[%dma_start3A_27, %dma_start3A_32] : memref<15x128xi32, #tpu.memory_space<vmem>> -> memref<1x128xi32, #tpu.memory_space<vmem>>
      %dma_start3A_34 = tpu.memref_squeeze %dma_start3A_33 : memref<1x128xi32, #tpu.memory_space<vmem>> -> memref<128xi32, #tpu.memory_space<vmem>>
      %dma_start3A_35 = arith.constant 0 : i32
      %dma_start3A_36 = arith.constant 0 : i32
      %dma_start3A_37 = tpu.memref_slice %arg8[%dma_start3A_35, %dma_start3A_36] : memref<50128x16xf32, #tpu.memory_space<vmem_shared>> -> memref<50128x16xf32, #tpu.memory_space<vmem_shared>>
      tpu.enqueue_indirect_dma source(%dma_start3A_31 : memref<128x16xf32, #tpu.memory_space<vmem>>) target(%dma_start3A_37 : memref<50128x16xf32, #tpu.memory_space<vmem_shared>>) offsets(%dma_start3A_34 : memref<128xi32, #tpu.memory_space<vmem>>) semaphore(%arg9 : memref<!tpu.dma_semaphore, #tpu.memory_space<semaphore_mem>>) {add = true}
      %dma_start3A_38 = arith.constant 1 : i32
      %dma_start3A_39 = arith.constant 1 : i32
      %dma_start3A_40 = arith.constant 0 : i32
      %dma_start3A_41 = arith.constant 0 : i32
      %dma_start3A_42 = tpu.memref_slice %arg7[%dma_start3A_38, %dma_start3A_40, %dma_start3A_41] : memref<15x128x16xf32, #tpu.memory_space<vmem>> -> memref<1x128x16xf32, #tpu.memory_space<vmem>>
      %dma_start3A_43 = tpu.memref_squeeze %dma_start3A_42 : memref<1x128x16xf32, #tpu.memory_space<vmem>> -> memref<128x16xf32, #tpu.memory_space<vmem>>
      %dma_start3A_44 = arith.constant 0 : i32
      %dma_start3A_45 = tpu.memref_slice %arg6[%dma_start3A_39, %dma_start3A_44] : memref<15x128xi32, #tpu.memory_space<vmem>> -> memref<1x128xi32, #tpu.memory_space<vmem>>
      %dma_start3A_46 = tpu.memref_squeeze %dma_start3A_45 : memref<1x128xi32, #tpu.memory_space<vmem>> -> memref<128xi32, #tpu.memory_space<vmem>>
      %dma_start3A_47 = arith.constant 0 : i32
      %dma_start3A_48 = arith.constant 0 : i32
      %dma_start3A_49 = tpu.memref_slice %arg8[%dma_start3A_47, %dma_start3A_48] : memref<50128x16xf32, #tpu.memory_space<vmem_shared>> -> memref<50128x16xf32, #tpu.memory_space<vmem_shared>>
      tpu.enqueue_indirect_dma source(%dma_start3A_43 : memref<128x16xf32, #tpu.memory_space<vmem>>) target(%dma_start3A_49 : memref<50128x16xf32, #tpu.memory_space<vmem_shared>>) offsets(%dma_start3A_46 : memref<128xi32, #tpu.memory_space<vmem>>) semaphore(%arg9 : memref<!tpu.dma_semaphore, #tpu.memory_space<semaphore_mem>>) {add = true}
      %dma_start3A_50 = arith.constant 2 : i32
      %dma_start3A_51 = arith.constant 2 : i32
      %dma_start3A_52 = arith.constant 0 : i32
      %dma_start3A_53 = arith.constant 0 : i32
      %dma_start3A_54 = tpu.memref_slice %arg7[%dma_start3A_50, %dma_start3A_52, %dma_start3A_53] : memref<15x128x16xf32, #tpu.memory_space<vmem>> -> memref<1x128x16xf32, #tpu.memory_space<vmem>>
      %dma_start3A_55 = tpu.memref_squeeze %dma_start3A_54 : memref<1x128x16xf32, #tpu.memory_space<vmem>> -> memref<128x16xf32, #tpu.memory_space<vmem>>
      %dma_start3A_56 = arith.constant 0 : i32
      %dma_start3A_57 = tpu.memref_slice %arg6[%dma_start3A_51, %dma_start3A_56] : memref<15x128xi32, #tpu.memory_space<vmem>> -> memref<1x128xi32, #tpu.memory_space<vmem>>
      %dma_start3A_58 = tpu.memref_squeeze %dma_start3A_57 : memref<1x128xi32, #tpu.memory_space<vmem>> -> memref<128xi32, #tpu.memory_space<vmem>>
      %dma_start3A_59 = arith.constant 0 : i32
      %dma_start3A_60 = arith.constant 0 : i32
      %dma_start3A_61 = tpu.memref_slice %arg8[%dma_start3A_59, %dma_start3A_60] : memref<50128x16xf32, #tpu.memory_space<vmem_shared>> -> memref<50128x16xf32, #tpu.memory_space<vmem_shared>>
      tpu.enqueue_indirect_dma source(%dma_start3A_55 : memref<128x16xf32, #tpu.memory_space<vmem>>) target(%dma_start3A_61 : memref<50128x16xf32, #tpu.memory_space<vmem_shared>>) offsets(%dma_start3A_58 : memref<128xi32, #tpu.memory_space<vmem>>) semaphore(%arg9 : memref<!tpu.dma_semaphore, #tpu.memory_space<semaphore_mem>>) {add = true}
      %dma_start3A_62 = arith.constant 3 : i32
      %dma_start3A_63 = arith.constant 3 : i32
      %dma_start3A_64 = arith.constant 0 : i32
      %dma_start3A_65 = arith.constant 0 : i32
      %dma_start3A_66 = tpu.memref_slice %arg7[%dma_start3A_62, %dma_start3A_64, %dma_start3A_65] : memref<15x128x16xf32, #tpu.memory_space<vmem>> -> memref<1x128x16xf32, #tpu.memory_space<vmem>>
      %dma_start3A_67 = tpu.memref_squeeze %dma_start3A_66 : memref<1x128x16xf32, #tpu.memory_space<vmem>> -> memref<128x16xf32, #tpu.memory_space<vmem>>
      %dma_start3A_68 = arith.constant 0 : i32
      %dma_start3A_69 = tpu.memref_slice %arg6[%dma_start3A_63, %dma_start3A_68] : memref<15x128xi32, #tpu.memory_space<vmem>> -> memref<1x128xi32, #tpu.memory_space<vmem>>
      %dma_start3A_70 = tpu.memref_squeeze %dma_start3A_69 : memref<1x128xi32, #tpu.memory_space<vmem>> -> memref<128xi32, #tpu.memory_space<vmem>>
      %dma_start3A_71 = arith.constant 0 : i32
      %dma_start3A_72 = arith.constant 0 : i32
      %dma_start3A_73 = tpu.memref_slice %arg8[%dma_start3A_71, %dma_start3A_72] : memref<50128x16xf32, #tpu.memory_space<vmem_shared>> -> memref<50128x16xf32, #tpu.memory_space<vmem_shared>>
      tpu.enqueue_indirect_dma source(%dma_start3A_67 : memref<128x16xf32, #tpu.memory_space<vmem>>) target(%dma_start3A_73 : memref<50128x16xf32, #tpu.memory_space<vmem_shared>>) offsets(%dma_start3A_70 : memref<128xi32, #tpu.memory_space<vmem>>) semaphore(%arg9 : memref<!tpu.dma_semaphore, #tpu.memory_space<semaphore_mem>>) {add = true}
      %dma_start3A_74 = arith.constant 4 : i32
      %dma_start3A_75 = arith.constant 4 : i32
      %dma_start3A_76 = arith.constant 0 : i32
      %dma_start3A_77 = arith.constant 0 : i32
      %dma_start3A_78 = tpu.memref_slice %arg7[%dma_start3A_74, %dma_start3A_76, %dma_start3A_77] : memref<15x128x16xf32, #tpu.memory_space<vmem>> -> memref<1x128x16xf32, #tpu.memory_space<vmem>>
      %dma_start3A_79 = tpu.memref_squeeze %dma_start3A_78 : memref<1x128x16xf32, #tpu.memory_space<vmem>> -> memref<128x16xf32, #tpu.memory_space<vmem>>
      %dma_start3A_80 = arith.constant 0 : i32
      %dma_start3A_81 = tpu.memref_slice %arg6[%dma_start3A_75, %dma_start3A_80] : memref<15x128xi32, #tpu.memory_space<vmem>> -> memref<1x128xi32, #tpu.memory_space<vmem>>
      %dma_start3A_82 = tpu.memref_squeeze %dma_start3A_81 : memref<1x128xi32, #tpu.memory_space<vmem>> -> memref<128xi32, #tpu.memory_space<vmem>>
      %dma_start3A_83 = arith.constant 0 : i32
      %dma_start3A_84 = arith.constant 0 : i32
      %dma_start3A_85 = tpu.memref_slice %arg8[%dma_start3A_83, %dma_start3A_84] : memref<50128x16xf32, #tpu.memory_space<vmem_shared>> -> memref<50128x16xf32, #tpu.memory_space<vmem_shared>>
      tpu.enqueue_indirect_dma source(%dma_start3A_79 : memref<128x16xf32, #tpu.memory_space<vmem>>) target(%dma_start3A_85 : memref<50128x16xf32, #tpu.memory_space<vmem_shared>>) offsets(%dma_start3A_82 : memref<128xi32, #tpu.memory_space<vmem>>) semaphore(%arg9 : memref<!tpu.dma_semaphore, #tpu.memory_space<semaphore_mem>>) {add = true}
      %dma_start3A_86 = arith.constant 5 : i32
      %dma_start3A_87 = arith.constant 5 : i32
      %dma_start3A_88 = arith.constant 0 : i32
      %dma_start3A_89 = arith.constant 0 : i32
      %dma_start3A_90 = tpu.memref_slice %arg7[%dma_start3A_86, %dma_start3A_88, %dma_start3A_89] : memref<15x128x16xf32, #tpu.memory_space<vmem>> -> memref<1x128x16xf32, #tpu.memory_space<vmem>>
      %dma_start3A_91 = tpu.memref_squeeze %dma_start3A_90 : memref<1x128x16xf32, #tpu.memory_space<vmem>> -> memref<128x16xf32, #tpu.memory_space<vmem>>
      %dma_start3A_92 = arith.constant 0 : i32
      %dma_start3A_93 = tpu.memref_slice %arg6[%dma_start3A_87, %dma_start3A_92] : memref<15x128xi32, #tpu.memory_space<vmem>> -> memref<1x128xi32, #tpu.memory_space<vmem>>
      %dma_start3A_94 = tpu.memref_squeeze %dma_start3A_93 : memref<1x128xi32, #tpu.memory_space<vmem>> -> memref<128xi32, #tpu.memory_space<vmem>>
      %dma_start3A_95 = arith.constant 0 : i32
      %dma_start3A_96 = arith.constant 0 : i32
      %dma_start3A_97 = tpu.memref_slice %arg8[%dma_start3A_95, %dma_start3A_96] : memref<50128x16xf32, #tpu.memory_space<vmem_shared>> -> memref<50128x16xf32, #tpu.memory_space<vmem_shared>>
      tpu.enqueue_indirect_dma source(%dma_start3A_91 : memref<128x16xf32, #tpu.memory_space<vmem>>) target(%dma_start3A_97 : memref<50128x16xf32, #tpu.memory_space<vmem_shared>>) offsets(%dma_start3A_94 : memref<128xi32, #tpu.memory_space<vmem>>) semaphore(%arg9 : memref<!tpu.dma_semaphore, #tpu.memory_space<semaphore_mem>>) {add = true}
      %dma_start3A_98 = arith.constant 6 : i32
      %dma_start3A_99 = arith.constant 6 : i32
      %dma_start3A_100 = arith.constant 0 : i32
      %dma_start3A_101 = arith.constant 0 : i32
      %dma_start3A_102 = tpu.memref_slice %arg7[%dma_start3A_98, %dma_start3A_100, %dma_start3A_101] : memref<15x128x16xf32, #tpu.memory_space<vmem>> -> memref<1x128x16xf32, #tpu.memory_space<vmem>>
      %dma_start3A_103 = tpu.memref_squeeze %dma_start3A_102 : memref<1x128x16xf32, #tpu.memory_space<vmem>> -> memref<128x16xf32, #tpu.memory_space<vmem>>
      %dma_start3A_104 = arith.constant 0 : i32
      %dma_start3A_105 = tpu.memref_slice %arg6[%dma_start3A_99, %dma_start3A_104] : memref<15x128xi32, #tpu.memory_space<vmem>> -> memref<1x128xi32, #tpu.memory_space<vmem>>
      %dma_start3A_106 = tpu.memref_squeeze %dma_start3A_105 : memref<1x128xi32, #tpu.memory_space<vmem>> -> memref<128xi32, #tpu.memory_space<vmem>>
      %dma_start3A_107 = arith.constant 0 : i32
      %dma_start3A_108 = arith.constant 0 : i32
      %dma_start3A_109 = tpu.memref_slice %arg8[%dma_start3A_107, %dma_start3A_108] : memref<50128x16xf32, #tpu.memory_space<vmem_shared>> -> memref<50128x16xf32, #tpu.memory_space<vmem_shared>>
      tpu.enqueue_indirect_dma source(%dma_start3A_103 : memref<128x16xf32, #tpu.memory_space<vmem>>) target(%dma_start3A_109 : memref<50128x16xf32, #tpu.memory_space<vmem_shared>>) offsets(%dma_start3A_106 : memref<128xi32, #tpu.memory_space<vmem>>) semaphore(%arg9 : memref<!tpu.dma_semaphore, #tpu.memory_space<semaphore_mem>>) {add = true}
      %dma_start3A_110 = arith.constant 7 : i32
      %dma_start3A_111 = arith.constant 7 : i32
      %dma_start3A_112 = arith.constant 0 : i32
      %dma_start3A_113 = arith.constant 0 : i32
      %dma_start3A_114 = tpu.memref_slice %arg7[%dma_start3A_110, %dma_start3A_112, %dma_start3A_113] : memref<15x128x16xf32, #tpu.memory_space<vmem>> -> memref<1x128x16xf32, #tpu.memory_space<vmem>>
      %dma_start3A_115 = tpu.memref_squeeze %dma_start3A_114 : memref<1x128x16xf32, #tpu.memory_space<vmem>> -> memref<128x16xf32, #tpu.memory_space<vmem>>
      %dma_start3A_116 = arith.constant 0 : i32
      %dma_start3A_117 = tpu.memref_slice %arg6[%dma_start3A_111, %dma_start3A_116] : memref<15x128xi32, #tpu.memory_space<vmem>> -> memref<1x128xi32, #tpu.memory_space<vmem>>
      %dma_start3A_118 = tpu.memref_squeeze %dma_start3A_117 : memref<1x128xi32, #tpu.memory_space<vmem>> -> memref<128xi32, #tpu.memory_space<vmem>>
      %dma_start3A_119 = arith.constant 0 : i32
      %dma_start3A_120 = arith.constant 0 : i32
      %dma_start3A_121 = tpu.memref_slice %arg8[%dma_start3A_119, %dma_start3A_120] : memref<50128x16xf32, #tpu.memory_space<vmem_shared>> -> memref<50128x16xf32, #tpu.memory_space<vmem_shared>>
      tpu.enqueue_indirect_dma source(%dma_start3A_115 : memref<128x16xf32, #tpu.memory_space<vmem>>) target(%dma_start3A_121 : memref<50128x16xf32, #tpu.memory_space<vmem_shared>>) offsets(%dma_start3A_118 : memref<128xi32, #tpu.memory_space<vmem>>) semaphore(%arg9 : memref<!tpu.dma_semaphore, #tpu.memory_space<semaphore_mem>>) {add = true}
      %dma_start3A_122 = arith.constant 8 : i32
      %dma_start3A_123 = arith.constant 8 : i32
      %dma_start3A_124 = arith.constant 0 : i32
      %dma_start3A_125 = arith.constant 0 : i32
      %dma_start3A_126 = tpu.memref_slice %arg7[%dma_start3A_122, %dma_start3A_124, %dma_start3A_125] : memref<15x128x16xf32, #tpu.memory_space<vmem>> -> memref<1x128x16xf32, #tpu.memory_space<vmem>>
      %dma_start3A_127 = tpu.memref_squeeze %dma_start3A_126 : memref<1x128x16xf32, #tpu.memory_space<vmem>> -> memref<128x16xf32, #tpu.memory_space<vmem>>
      %dma_start3A_128 = arith.constant 0 : i32
      %dma_start3A_129 = tpu.memref_slice %arg6[%dma_start3A_123, %dma_start3A_128] : memref<15x128xi32, #tpu.memory_space<vmem>> -> memref<1x128xi32, #tpu.memory_space<vmem>>
      %dma_start3A_130 = tpu.memref_squeeze %dma_start3A_129 : memref<1x128xi32, #tpu.memory_space<vmem>> -> memref<128xi32, #tpu.memory_space<vmem>>
      %dma_start3A_131 = arith.constant 0 : i32
      %dma_start3A_132 = arith.constant 0 : i32
      %dma_start3A_133 = tpu.memref_slice %arg8[%dma_start3A_131, %dma_start3A_132] : memref<50128x16xf32, #tpu.memory_space<vmem_shared>> -> memref<50128x16xf32, #tpu.memory_space<vmem_shared>>
      tpu.enqueue_indirect_dma source(%dma_start3A_127 : memref<128x16xf32, #tpu.memory_space<vmem>>) target(%dma_start3A_133 : memref<50128x16xf32, #tpu.memory_space<vmem_shared>>) offsets(%dma_start3A_130 : memref<128xi32, #tpu.memory_space<vmem>>) semaphore(%arg9 : memref<!tpu.dma_semaphore, #tpu.memory_space<semaphore_mem>>) {add = true}
      %dma_start3A_134 = arith.constant 9 : i32
      %dma_start3A_135 = arith.constant 9 : i32
      %dma_start3A_136 = arith.constant 0 : i32
      %dma_start3A_137 = arith.constant 0 : i32
      %dma_start3A_138 = tpu.memref_slice %arg7[%dma_start3A_134, %dma_start3A_136, %dma_start3A_137] : memref<15x128x16xf32, #tpu.memory_space<vmem>> -> memref<1x128x16xf32, #tpu.memory_space<vmem>>
      %dma_start3A_139 = tpu.memref_squeeze %dma_start3A_138 : memref<1x128x16xf32, #tpu.memory_space<vmem>> -> memref<128x16xf32, #tpu.memory_space<vmem>>
      %dma_start3A_140 = arith.constant 0 : i32
      %dma_start3A_141 = tpu.memref_slice %arg6[%dma_start3A_135, %dma_start3A_140] : memref<15x128xi32, #tpu.memory_space<vmem>> -> memref<1x128xi32, #tpu.memory_space<vmem>>
      %dma_start3A_142 = tpu.memref_squeeze %dma_start3A_141 : memref<1x128xi32, #tpu.memory_space<vmem>> -> memref<128xi32, #tpu.memory_space<vmem>>
      %dma_start3A_143 = arith.constant 0 : i32
      %dma_start3A_144 = arith.constant 0 : i32
      %dma_start3A_145 = tpu.memref_slice %arg8[%dma_start3A_143, %dma_start3A_144] : memref<50128x16xf32, #tpu.memory_space<vmem_shared>> -> memref<50128x16xf32, #tpu.memory_space<vmem_shared>>
      tpu.enqueue_indirect_dma source(%dma_start3A_139 : memref<128x16xf32, #tpu.memory_space<vmem>>) target(%dma_start3A_145 : memref<50128x16xf32, #tpu.memory_space<vmem_shared>>) offsets(%dma_start3A_142 : memref<128xi32, #tpu.memory_space<vmem>>) semaphore(%arg9 : memref<!tpu.dma_semaphore, #tpu.memory_space<semaphore_mem>>) {add = true}
      %dma_start3A_146 = arith.constant 10 : i32
      %dma_start3A_147 = arith.constant 10 : i32
      %dma_start3A_148 = arith.constant 0 : i32
      %dma_start3A_149 = arith.constant 0 : i32
      %dma_start3A_150 = tpu.memref_slice %arg7[%dma_start3A_146, %dma_start3A_148, %dma_start3A_149] : memref<15x128x16xf32, #tpu.memory_space<vmem>> -> memref<1x128x16xf32, #tpu.memory_space<vmem>>
      %dma_start3A_151 = tpu.memref_squeeze %dma_start3A_150 : memref<1x128x16xf32, #tpu.memory_space<vmem>> -> memref<128x16xf32, #tpu.memory_space<vmem>>
      %dma_start3A_152 = arith.constant 0 : i32
      %dma_start3A_153 = tpu.memref_slice %arg6[%dma_start3A_147, %dma_start3A_152] : memref<15x128xi32, #tpu.memory_space<vmem>> -> memref<1x128xi32, #tpu.memory_space<vmem>>
      %dma_start3A_154 = tpu.memref_squeeze %dma_start3A_153 : memref<1x128xi32, #tpu.memory_space<vmem>> -> memref<128xi32, #tpu.memory_space<vmem>>
      %dma_start3A_155 = arith.constant 0 : i32
      %dma_start3A_156 = arith.constant 0 : i32
      %dma_start3A_157 = tpu.memref_slice %arg8[%dma_start3A_155, %dma_start3A_156] : memref<50128x16xf32, #tpu.memory_space<vmem_shared>> -> memref<50128x16xf32, #tpu.memory_space<vmem_shared>>
      tpu.enqueue_indirect_dma source(%dma_start3A_151 : memref<128x16xf32, #tpu.memory_space<vmem>>) target(%dma_start3A_157 : memref<50128x16xf32, #tpu.memory_space<vmem_shared>>) offsets(%dma_start3A_154 : memref<128xi32, #tpu.memory_space<vmem>>) semaphore(%arg9 : memref<!tpu.dma_semaphore, #tpu.memory_space<semaphore_mem>>) {add = true}
      %dma_start3A_158 = arith.constant 11 : i32
      %dma_start3A_159 = arith.constant 11 : i32
      %dma_start3A_160 = arith.constant 0 : i32
      %dma_start3A_161 = arith.constant 0 : i32
      %dma_start3A_162 = tpu.memref_slice %arg7[%dma_start3A_158, %dma_start3A_160, %dma_start3A_161] : memref<15x128x16xf32, #tpu.memory_space<vmem>> -> memref<1x128x16xf32, #tpu.memory_space<vmem>>
      %dma_start3A_163 = tpu.memref_squeeze %dma_start3A_162 : memref<1x128x16xf32, #tpu.memory_space<vmem>> -> memref<128x16xf32, #tpu.memory_space<vmem>>
      %dma_start3A_164 = arith.constant 0 : i32
      %dma_start3A_165 = tpu.memref_slice %arg6[%dma_start3A_159, %dma_start3A_164] : memref<15x128xi32, #tpu.memory_space<vmem>> -> memref<1x128xi32, #tpu.memory_space<vmem>>
      %dma_start3A_166 = tpu.memref_squeeze %dma_start3A_165 : memref<1x128xi32, #tpu.memory_space<vmem>> -> memref<128xi32, #tpu.memory_space<vmem>>
      %dma_start3A_167 = arith.constant 0 : i32
      %dma_start3A_168 = arith.constant 0 : i32
      %dma_start3A_169 = tpu.memref_slice %arg8[%dma_start3A_167, %dma_start3A_168] : memref<50128x16xf32, #tpu.memory_space<vmem_shared>> -> memref<50128x16xf32, #tpu.memory_space<vmem_shared>>
      tpu.enqueue_indirect_dma source(%dma_start3A_163 : memref<128x16xf32, #tpu.memory_space<vmem>>) target(%dma_start3A_169 : memref<50128x16xf32, #tpu.memory_space<vmem_shared>>) offsets(%dma_start3A_166 : memref<128xi32, #tpu.memory_space<vmem>>) semaphore(%arg9 : memref<!tpu.dma_semaphore, #tpu.memory_space<semaphore_mem>>) {add = true}
      %dma_start3A_170 = arith.constant 12 : i32
      %dma_start3A_171 = arith.constant 12 : i32
      %dma_start3A_172 = arith.constant 0 : i32
      %dma_start3A_173 = arith.constant 0 : i32
      %dma_start3A_174 = tpu.memref_slice %arg7[%dma_start3A_170, %dma_start3A_172, %dma_start3A_173] : memref<15x128x16xf32, #tpu.memory_space<vmem>> -> memref<1x128x16xf32, #tpu.memory_space<vmem>>
      %dma_start3A_175 = tpu.memref_squeeze %dma_start3A_174 : memref<1x128x16xf32, #tpu.memory_space<vmem>> -> memref<128x16xf32, #tpu.memory_space<vmem>>
      %dma_start3A_176 = arith.constant 0 : i32
      %dma_start3A_177 = tpu.memref_slice %arg6[%dma_start3A_171, %dma_start3A_176] : memref<15x128xi32, #tpu.memory_space<vmem>> -> memref<1x128xi32, #tpu.memory_space<vmem>>
      %dma_start3A_178 = tpu.memref_squeeze %dma_start3A_177 : memref<1x128xi32, #tpu.memory_space<vmem>> -> memref<128xi32, #tpu.memory_space<vmem>>
      %dma_start3A_179 = arith.constant 0 : i32
      %dma_start3A_180 = arith.constant 0 : i32
      %dma_start3A_181 = tpu.memref_slice %arg8[%dma_start3A_179, %dma_start3A_180] : memref<50128x16xf32, #tpu.memory_space<vmem_shared>> -> memref<50128x16xf32, #tpu.memory_space<vmem_shared>>
      tpu.enqueue_indirect_dma source(%dma_start3A_175 : memref<128x16xf32, #tpu.memory_space<vmem>>) target(%dma_start3A_181 : memref<50128x16xf32, #tpu.memory_space<vmem_shared>>) offsets(%dma_start3A_178 : memref<128xi32, #tpu.memory_space<vmem>>) semaphore(%arg9 : memref<!tpu.dma_semaphore, #tpu.memory_space<semaphore_mem>>) {add = true}
      %dma_start3A_182 = arith.constant 13 : i32
      %dma_start3A_183 = arith.constant 13 : i32
      %dma_start3A_184 = arith.constant 0 : i32
      %dma_start3A_185 = arith.constant 0 : i32
      %dma_start3A_186 = tpu.memref_slice %arg7[%dma_start3A_182, %dma_start3A_184, %dma_start3A_185] : memref<15x128x16xf32, #tpu.memory_space<vmem>> -> memref<1x128x16xf32, #tpu.memory_space<vmem>>
      %dma_start3A_187 = tpu.memref_squeeze %dma_start3A_186 : memref<1x128x16xf32, #tpu.memory_space<vmem>> -> memref<128x16xf32, #tpu.memory_space<vmem>>
      %dma_start3A_188 = arith.constant 0 : i32
      %dma_start3A_189 = tpu.memref_slice %arg6[%dma_start3A_183, %dma_start3A_188] : memref<15x128xi32, #tpu.memory_space<vmem>> -> memref<1x128xi32, #tpu.memory_space<vmem>>
      %dma_start3A_190 = tpu.memref_squeeze %dma_start3A_189 : memref<1x128xi32, #tpu.memory_space<vmem>> -> memref<128xi32, #tpu.memory_space<vmem>>
      %dma_start3A_191 = arith.constant 0 : i32
      %dma_start3A_192 = arith.constant 0 : i32
      %dma_start3A_193 = tpu.memref_slice %arg8[%dma_start3A_191, %dma_start3A_192] : memref<50128x16xf32, #tpu.memory_space<vmem_shared>> -> memref<50128x16xf32, #tpu.memory_space<vmem_shared>>
      tpu.enqueue_indirect_dma source(%dma_start3A_187 : memref<128x16xf32, #tpu.memory_space<vmem>>) target(%dma_start3A_193 : memref<50128x16xf32, #tpu.memory_space<vmem_shared>>) offsets(%dma_start3A_190 : memref<128xi32, #tpu.memory_space<vmem>>) semaphore(%arg9 : memref<!tpu.dma_semaphore, #tpu.memory_space<semaphore_mem>>) {add = true}
      %dma_start3A_194 = arith.constant 14 : i32
      %dma_start3A_195 = arith.constant 14 : i32
      %dma_start3A_196 = arith.constant 0 : i32
      %dma_start3A_197 = arith.constant 0 : i32
      %dma_start3A_198 = tpu.memref_slice %arg7[%dma_start3A_194, %dma_start3A_196, %dma_start3A_197] : memref<15x128x16xf32, #tpu.memory_space<vmem>> -> memref<1x128x16xf32, #tpu.memory_space<vmem>>
      %dma_start3A_199 = tpu.memref_squeeze %dma_start3A_198 : memref<1x128x16xf32, #tpu.memory_space<vmem>> -> memref<128x16xf32, #tpu.memory_space<vmem>>
      %dma_start3A_200 = arith.constant 0 : i32
      %dma_start3A_201 = tpu.memref_slice %arg6[%dma_start3A_195, %dma_start3A_200] : memref<15x128xi32, #tpu.memory_space<vmem>> -> memref<1x128xi32, #tpu.memory_space<vmem>>
      %dma_start3A_202 = tpu.memref_squeeze %dma_start3A_201 : memref<1x128xi32, #tpu.memory_space<vmem>> -> memref<128xi32, #tpu.memory_space<vmem>>
      %dma_start3A_203 = arith.constant 0 : i32
      %dma_start3A_204 = arith.constant 0 : i32
      %dma_start3A_205 = tpu.memref_slice %arg8[%dma_start3A_203, %dma_start3A_204] : memref<50128x16xf32, #tpu.memory_space<vmem_shared>> -> memref<50128x16xf32, #tpu.memory_space<vmem_shared>>
      tpu.enqueue_indirect_dma source(%dma_start3A_199 : memref<128x16xf32, #tpu.memory_space<vmem>>) target(%dma_start3A_205 : memref<50128x16xf32, #tpu.memory_space<vmem_shared>>) offsets(%dma_start3A_202 : memref<128xi32, #tpu.memory_space<vmem>>) semaphore(%arg9 : memref<!tpu.dma_semaphore, #tpu.memory_space<semaphore_mem>>) {add = true}
      %dma_wait3A = arith.constant 0 : i32
      %dma_wait3A_206 = arith.constant 0 : i32
      %dma_wait3A_207 = arith.constant 0 : i32
      %dma_wait3A_208 = arith.constant 0 : i32
      %dma_wait3A_209 = tpu.memref_slice %arg7[%dma_wait3A, %dma_wait3A_207, %dma_wait3A_208] : memref<15x128x16xf32, #tpu.memory_space<vmem>> -> memref<1x128x16xf32, #tpu.memory_space<vmem>>
      %dma_wait3A_210 = tpu.memref_squeeze %dma_wait3A_209 : memref<1x128x16xf32, #tpu.memory_space<vmem>> -> memref<128x16xf32, #tpu.memory_space<vmem>>
      %dma_wait3A_211 = arith.constant 0 : i32
      %dma_wait3A_212 = tpu.memref_slice %arg6[%dma_wait3A_206, %dma_wait3A_211] : memref<15x128xi32, #tpu.memory_space<vmem>> -> memref<1x128xi32, #tpu.memory_space<vmem>>
      %dma_wait3A_213 = tpu.memref_squeeze %dma_wait3A_212 : memref<1x128xi32, #tpu.memory_space<vmem>> -> memref<128xi32, #tpu.memory_space<vmem>>
      %dma_wait3A_214 = arith.constant 0 : i32
      %dma_wait3A_215 = arith.constant 0 : i32
      %dma_wait3A_216 = tpu.memref_slice %arg8[%dma_wait3A_214, %dma_wait3A_215] : memref<50128x16xf32, #tpu.memory_space<vmem_shared>> -> memref<50128x16xf32, #tpu.memory_space<vmem_shared>>
      tpu.wait_indirect_dma semaphore(%arg9 : memref<!tpu.dma_semaphore, #tpu.memory_space<semaphore_mem>>) src(%dma_wait3A_210 : memref<128x16xf32, #tpu.memory_space<vmem>>) dst(%dma_wait3A_216 : memref<50128x16xf32, #tpu.memory_space<vmem_shared>>)
      %dma_wait3A_217 = arith.constant 1 : i32
      %dma_wait3A_218 = arith.constant 1 : i32
      %dma_wait3A_219 = arith.constant 0 : i32
      %dma_wait3A_220 = arith.constant 0 : i32
      %dma_wait3A_221 = tpu.memref_slice %arg7[%dma_wait3A_217, %dma_wait3A_219, %dma_wait3A_220] : memref<15x128x16xf32, #tpu.memory_space<vmem>> -> memref<1x128x16xf32, #tpu.memory_space<vmem>>
      %dma_wait3A_222 = tpu.memref_squeeze %dma_wait3A_221 : memref<1x128x16xf32, #tpu.memory_space<vmem>> -> memref<128x16xf32, #tpu.memory_space<vmem>>
      %dma_wait3A_223 = arith.constant 0 : i32
      %dma_wait3A_224 = tpu.memref_slice %arg6[%dma_wait3A_218, %dma_wait3A_223] : memref<15x128xi32, #tpu.memory_space<vmem>> -> memref<1x128xi32, #tpu.memory_space<vmem>>
      %dma_wait3A_225 = tpu.memref_squeeze %dma_wait3A_224 : memref<1x128xi32, #tpu.memory_space<vmem>> -> memref<128xi32, #tpu.memory_space<vmem>>
      %dma_wait3A_226 = arith.constant 0 : i32
      %dma_wait3A_227 = arith.constant 0 : i32
      %dma_wait3A_228 = tpu.memref_slice %arg8[%dma_wait3A_226, %dma_wait3A_227] : memref<50128x16xf32, #tpu.memory_space<vmem_shared>> -> memref<50128x16xf32, #tpu.memory_space<vmem_shared>>
      tpu.wait_indirect_dma semaphore(%arg9 : memref<!tpu.dma_semaphore, #tpu.memory_space<semaphore_mem>>) src(%dma_wait3A_222 : memref<128x16xf32, #tpu.memory_space<vmem>>) dst(%dma_wait3A_228 : memref<50128x16xf32, #tpu.memory_space<vmem_shared>>)
      %dma_wait3A_229 = arith.constant 2 : i32
      %dma_wait3A_230 = arith.constant 2 : i32
      %dma_wait3A_231 = arith.constant 0 : i32
      %dma_wait3A_232 = arith.constant 0 : i32
      %dma_wait3A_233 = tpu.memref_slice %arg7[%dma_wait3A_229, %dma_wait3A_231, %dma_wait3A_232] : memref<15x128x16xf32, #tpu.memory_space<vmem>> -> memref<1x128x16xf32, #tpu.memory_space<vmem>>
      %dma_wait3A_234 = tpu.memref_squeeze %dma_wait3A_233 : memref<1x128x16xf32, #tpu.memory_space<vmem>> -> memref<128x16xf32, #tpu.memory_space<vmem>>
      %dma_wait3A_235 = arith.constant 0 : i32
      %dma_wait3A_236 = tpu.memref_slice %arg6[%dma_wait3A_230, %dma_wait3A_235] : memref<15x128xi32, #tpu.memory_space<vmem>> -> memref<1x128xi32, #tpu.memory_space<vmem>>
      %dma_wait3A_237 = tpu.memref_squeeze %dma_wait3A_236 : memref<1x128xi32, #tpu.memory_space<vmem>> -> memref<128xi32, #tpu.memory_space<vmem>>
      %dma_wait3A_238 = arith.constant 0 : i32
      %dma_wait3A_239 = arith.constant 0 : i32
      %dma_wait3A_240 = tpu.memref_slice %arg8[%dma_wait3A_238, %dma_wait3A_239] : memref<50128x16xf32, #tpu.memory_space<vmem_shared>> -> memref<50128x16xf32, #tpu.memory_space<vmem_shared>>
      tpu.wait_indirect_dma semaphore(%arg9 : memref<!tpu.dma_semaphore, #tpu.memory_space<semaphore_mem>>) src(%dma_wait3A_234 : memref<128x16xf32, #tpu.memory_space<vmem>>) dst(%dma_wait3A_240 : memref<50128x16xf32, #tpu.memory_space<vmem_shared>>)
      %dma_wait3A_241 = arith.constant 3 : i32
      %dma_wait3A_242 = arith.constant 3 : i32
      %dma_wait3A_243 = arith.constant 0 : i32
      %dma_wait3A_244 = arith.constant 0 : i32
      %dma_wait3A_245 = tpu.memref_slice %arg7[%dma_wait3A_241, %dma_wait3A_243, %dma_wait3A_244] : memref<15x128x16xf32, #tpu.memory_space<vmem>> -> memref<1x128x16xf32, #tpu.memory_space<vmem>>
      %dma_wait3A_246 = tpu.memref_squeeze %dma_wait3A_245 : memref<1x128x16xf32, #tpu.memory_space<vmem>> -> memref<128x16xf32, #tpu.memory_space<vmem>>
      %dma_wait3A_247 = arith.constant 0 : i32
      %dma_wait3A_248 = tpu.memref_slice %arg6[%dma_wait3A_242, %dma_wait3A_247] : memref<15x128xi32, #tpu.memory_space<vmem>> -> memref<1x128xi32, #tpu.memory_space<vmem>>
      %dma_wait3A_249 = tpu.memref_squeeze %dma_wait3A_248 : memref<1x128xi32, #tpu.memory_space<vmem>> -> memref<128xi32, #tpu.memory_space<vmem>>
      %dma_wait3A_250 = arith.constant 0 : i32
      %dma_wait3A_251 = arith.constant 0 : i32
      %dma_wait3A_252 = tpu.memref_slice %arg8[%dma_wait3A_250, %dma_wait3A_251] : memref<50128x16xf32, #tpu.memory_space<vmem_shared>> -> memref<50128x16xf32, #tpu.memory_space<vmem_shared>>
      tpu.wait_indirect_dma semaphore(%arg9 : memref<!tpu.dma_semaphore, #tpu.memory_space<semaphore_mem>>) src(%dma_wait3A_246 : memref<128x16xf32, #tpu.memory_space<vmem>>) dst(%dma_wait3A_252 : memref<50128x16xf32, #tpu.memory_space<vmem_shared>>)
      %dma_wait3A_253 = arith.constant 4 : i32
      %dma_wait3A_254 = arith.constant 4 : i32
      %dma_wait3A_255 = arith.constant 0 : i32
      %dma_wait3A_256 = arith.constant 0 : i32
      %dma_wait3A_257 = tpu.memref_slice %arg7[%dma_wait3A_253, %dma_wait3A_255, %dma_wait3A_256] : memref<15x128x16xf32, #tpu.memory_space<vmem>> -> memref<1x128x16xf32, #tpu.memory_space<vmem>>
      %dma_wait3A_258 = tpu.memref_squeeze %dma_wait3A_257 : memref<1x128x16xf32, #tpu.memory_space<vmem>> -> memref<128x16xf32, #tpu.memory_space<vmem>>
      %dma_wait3A_259 = arith.constant 0 : i32
      %dma_wait3A_260 = tpu.memref_slice %arg6[%dma_wait3A_254, %dma_wait3A_259] : memref<15x128xi32, #tpu.memory_space<vmem>> -> memref<1x128xi32, #tpu.memory_space<vmem>>
      %dma_wait3A_261 = tpu.memref_squeeze %dma_wait3A_260 : memref<1x128xi32, #tpu.memory_space<vmem>> -> memref<128xi32, #tpu.memory_space<vmem>>
      %dma_wait3A_262 = arith.constant 0 : i32
      %dma_wait3A_263 = arith.constant 0 : i32
      %dma_wait3A_264 = tpu.memref_slice %arg8[%dma_wait3A_262, %dma_wait3A_263] : memref<50128x16xf32, #tpu.memory_space<vmem_shared>> -> memref<50128x16xf32, #tpu.memory_space<vmem_shared>>
      tpu.wait_indirect_dma semaphore(%arg9 : memref<!tpu.dma_semaphore, #tpu.memory_space<semaphore_mem>>) src(%dma_wait3A_258 : memref<128x16xf32, #tpu.memory_space<vmem>>) dst(%dma_wait3A_264 : memref<50128x16xf32, #tpu.memory_space<vmem_shared>>)
      %dma_wait3A_265 = arith.constant 5 : i32
      %dma_wait3A_266 = arith.constant 5 : i32
      %dma_wait3A_267 = arith.constant 0 : i32
      %dma_wait3A_268 = arith.constant 0 : i32
      %dma_wait3A_269 = tpu.memref_slice %arg7[%dma_wait3A_265, %dma_wait3A_267, %dma_wait3A_268] : memref<15x128x16xf32, #tpu.memory_space<vmem>> -> memref<1x128x16xf32, #tpu.memory_space<vmem>>
      %dma_wait3A_270 = tpu.memref_squeeze %dma_wait3A_269 : memref<1x128x16xf32, #tpu.memory_space<vmem>> -> memref<128x16xf32, #tpu.memory_space<vmem>>
      %dma_wait3A_271 = arith.constant 0 : i32
      %dma_wait3A_272 = tpu.memref_slice %arg6[%dma_wait3A_266, %dma_wait3A_271] : memref<15x128xi32, #tpu.memory_space<vmem>> -> memref<1x128xi32, #tpu.memory_space<vmem>>
      %dma_wait3A_273 = tpu.memref_squeeze %dma_wait3A_272 : memref<1x128xi32, #tpu.memory_space<vmem>> -> memref<128xi32, #tpu.memory_space<vmem>>
      %dma_wait3A_274 = arith.constant 0 : i32
      %dma_wait3A_275 = arith.constant 0 : i32
      %dma_wait3A_276 = tpu.memref_slice %arg8[%dma_wait3A_274, %dma_wait3A_275] : memref<50128x16xf32, #tpu.memory_space<vmem_shared>> -> memref<50128x16xf32, #tpu.memory_space<vmem_shared>>
      tpu.wait_indirect_dma semaphore(%arg9 : memref<!tpu.dma_semaphore, #tpu.memory_space<semaphore_mem>>) src(%dma_wait3A_270 : memref<128x16xf32, #tpu.memory_space<vmem>>) dst(%dma_wait3A_276 : memref<50128x16xf32, #tpu.memory_space<vmem_shared>>)
      %dma_wait3A_277 = arith.constant 6 : i32
      %dma_wait3A_278 = arith.constant 6 : i32
      %dma_wait3A_279 = arith.constant 0 : i32
      %dma_wait3A_280 = arith.constant 0 : i32
      %dma_wait3A_281 = tpu.memref_slice %arg7[%dma_wait3A_277, %dma_wait3A_279, %dma_wait3A_280] : memref<15x128x16xf32, #tpu.memory_space<vmem>> -> memref<1x128x16xf32, #tpu.memory_space<vmem>>
      %dma_wait3A_282 = tpu.memref_squeeze %dma_wait3A_281 : memref<1x128x16xf32, #tpu.memory_space<vmem>> -> memref<128x16xf32, #tpu.memory_space<vmem>>
      %dma_wait3A_283 = arith.constant 0 : i32
      %dma_wait3A_284 = tpu.memref_slice %arg6[%dma_wait3A_278, %dma_wait3A_283] : memref<15x128xi32, #tpu.memory_space<vmem>> -> memref<1x128xi32, #tpu.memory_space<vmem>>
      %dma_wait3A_285 = tpu.memref_squeeze %dma_wait3A_284 : memref<1x128xi32, #tpu.memory_space<vmem>> -> memref<128xi32, #tpu.memory_space<vmem>>
      %dma_wait3A_286 = arith.constant 0 : i32
      %dma_wait3A_287 = arith.constant 0 : i32
      %dma_wait3A_288 = tpu.memref_slice %arg8[%dma_wait3A_286, %dma_wait3A_287] : memref<50128x16xf32, #tpu.memory_space<vmem_shared>> -> memref<50128x16xf32, #tpu.memory_space<vmem_shared>>
      tpu.wait_indirect_dma semaphore(%arg9 : memref<!tpu.dma_semaphore, #tpu.memory_space<semaphore_mem>>) src(%dma_wait3A_282 : memref<128x16xf32, #tpu.memory_space<vmem>>) dst(%dma_wait3A_288 : memref<50128x16xf32, #tpu.memory_space<vmem_shared>>)
      %dma_wait3A_289 = arith.constant 7 : i32
      %dma_wait3A_290 = arith.constant 7 : i32
      %dma_wait3A_291 = arith.constant 0 : i32
      %dma_wait3A_292 = arith.constant 0 : i32
      %dma_wait3A_293 = tpu.memref_slice %arg7[%dma_wait3A_289, %dma_wait3A_291, %dma_wait3A_292] : memref<15x128x16xf32, #tpu.memory_space<vmem>> -> memref<1x128x16xf32, #tpu.memory_space<vmem>>
      %dma_wait3A_294 = tpu.memref_squeeze %dma_wait3A_293 : memref<1x128x16xf32, #tpu.memory_space<vmem>> -> memref<128x16xf32, #tpu.memory_space<vmem>>
      %dma_wait3A_295 = arith.constant 0 : i32
      %dma_wait3A_296 = tpu.memref_slice %arg6[%dma_wait3A_290, %dma_wait3A_295] : memref<15x128xi32, #tpu.memory_space<vmem>> -> memref<1x128xi32, #tpu.memory_space<vmem>>
      %dma_wait3A_297 = tpu.memref_squeeze %dma_wait3A_296 : memref<1x128xi32, #tpu.memory_space<vmem>> -> memref<128xi32, #tpu.memory_space<vmem>>
      %dma_wait3A_298 = arith.constant 0 : i32
      %dma_wait3A_299 = arith.constant 0 : i32
      %dma_wait3A_300 = tpu.memref_slice %arg8[%dma_wait3A_298, %dma_wait3A_299] : memref<50128x16xf32, #tpu.memory_space<vmem_shared>> -> memref<50128x16xf32, #tpu.memory_space<vmem_shared>>
      tpu.wait_indirect_dma semaphore(%arg9 : memref<!tpu.dma_semaphore, #tpu.memory_space<semaphore_mem>>) src(%dma_wait3A_294 : memref<128x16xf32, #tpu.memory_space<vmem>>) dst(%dma_wait3A_300 : memref<50128x16xf32, #tpu.memory_space<vmem_shared>>)
      %dma_wait3A_301 = arith.constant 8 : i32
      %dma_wait3A_302 = arith.constant 8 : i32
      %dma_wait3A_303 = arith.constant 0 : i32
      %dma_wait3A_304 = arith.constant 0 : i32
      %dma_wait3A_305 = tpu.memref_slice %arg7[%dma_wait3A_301, %dma_wait3A_303, %dma_wait3A_304] : memref<15x128x16xf32, #tpu.memory_space<vmem>> -> memref<1x128x16xf32, #tpu.memory_space<vmem>>
      %dma_wait3A_306 = tpu.memref_squeeze %dma_wait3A_305 : memref<1x128x16xf32, #tpu.memory_space<vmem>> -> memref<128x16xf32, #tpu.memory_space<vmem>>
      %dma_wait3A_307 = arith.constant 0 : i32
      %dma_wait3A_308 = tpu.memref_slice %arg6[%dma_wait3A_302, %dma_wait3A_307] : memref<15x128xi32, #tpu.memory_space<vmem>> -> memref<1x128xi32, #tpu.memory_space<vmem>>
      %dma_wait3A_309 = tpu.memref_squeeze %dma_wait3A_308 : memref<1x128xi32, #tpu.memory_space<vmem>> -> memref<128xi32, #tpu.memory_space<vmem>>
      %dma_wait3A_310 = arith.constant 0 : i32
      %dma_wait3A_311 = arith.constant 0 : i32
      %dma_wait3A_312 = tpu.memref_slice %arg8[%dma_wait3A_310, %dma_wait3A_311] : memref<50128x16xf32, #tpu.memory_space<vmem_shared>> -> memref<50128x16xf32, #tpu.memory_space<vmem_shared>>
      tpu.wait_indirect_dma semaphore(%arg9 : memref<!tpu.dma_semaphore, #tpu.memory_space<semaphore_mem>>) src(%dma_wait3A_306 : memref<128x16xf32, #tpu.memory_space<vmem>>) dst(%dma_wait3A_312 : memref<50128x16xf32, #tpu.memory_space<vmem_shared>>)
      %dma_wait3A_313 = arith.constant 9 : i32
      %dma_wait3A_314 = arith.constant 9 : i32
      %dma_wait3A_315 = arith.constant 0 : i32
      %dma_wait3A_316 = arith.constant 0 : i32
      %dma_wait3A_317 = tpu.memref_slice %arg7[%dma_wait3A_313, %dma_wait3A_315, %dma_wait3A_316] : memref<15x128x16xf32, #tpu.memory_space<vmem>> -> memref<1x128x16xf32, #tpu.memory_space<vmem>>
      %dma_wait3A_318 = tpu.memref_squeeze %dma_wait3A_317 : memref<1x128x16xf32, #tpu.memory_space<vmem>> -> memref<128x16xf32, #tpu.memory_space<vmem>>
      %dma_wait3A_319 = arith.constant 0 : i32
      %dma_wait3A_320 = tpu.memref_slice %arg6[%dma_wait3A_314, %dma_wait3A_319] : memref<15x128xi32, #tpu.memory_space<vmem>> -> memref<1x128xi32, #tpu.memory_space<vmem>>
      %dma_wait3A_321 = tpu.memref_squeeze %dma_wait3A_320 : memref<1x128xi32, #tpu.memory_space<vmem>> -> memref<128xi32, #tpu.memory_space<vmem>>
      %dma_wait3A_322 = arith.constant 0 : i32
      %dma_wait3A_323 = arith.constant 0 : i32
      %dma_wait3A_324 = tpu.memref_slice %arg8[%dma_wait3A_322, %dma_wait3A_323] : memref<50128x16xf32, #tpu.memory_space<vmem_shared>> -> memref<50128x16xf32, #tpu.memory_space<vmem_shared>>
      tpu.wait_indirect_dma semaphore(%arg9 : memref<!tpu.dma_semaphore, #tpu.memory_space<semaphore_mem>>) src(%dma_wait3A_318 : memref<128x16xf32, #tpu.memory_space<vmem>>) dst(%dma_wait3A_324 : memref<50128x16xf32, #tpu.memory_space<vmem_shared>>)
      %dma_wait3A_325 = arith.constant 10 : i32
      %dma_wait3A_326 = arith.constant 10 : i32
      %dma_wait3A_327 = arith.constant 0 : i32
      %dma_wait3A_328 = arith.constant 0 : i32
      %dma_wait3A_329 = tpu.memref_slice %arg7[%dma_wait3A_325, %dma_wait3A_327, %dma_wait3A_328] : memref<15x128x16xf32, #tpu.memory_space<vmem>> -> memref<1x128x16xf32, #tpu.memory_space<vmem>>
      %dma_wait3A_330 = tpu.memref_squeeze %dma_wait3A_329 : memref<1x128x16xf32, #tpu.memory_space<vmem>> -> memref<128x16xf32, #tpu.memory_space<vmem>>
      %dma_wait3A_331 = arith.constant 0 : i32
      %dma_wait3A_332 = tpu.memref_slice %arg6[%dma_wait3A_326, %dma_wait3A_331] : memref<15x128xi32, #tpu.memory_space<vmem>> -> memref<1x128xi32, #tpu.memory_space<vmem>>
      %dma_wait3A_333 = tpu.memref_squeeze %dma_wait3A_332 : memref<1x128xi32, #tpu.memory_space<vmem>> -> memref<128xi32, #tpu.memory_space<vmem>>
      %dma_wait3A_334 = arith.constant 0 : i32
      %dma_wait3A_335 = arith.constant 0 : i32
      %dma_wait3A_336 = tpu.memref_slice %arg8[%dma_wait3A_334, %dma_wait3A_335] : memref<50128x16xf32, #tpu.memory_space<vmem_shared>> -> memref<50128x16xf32, #tpu.memory_space<vmem_shared>>
      tpu.wait_indirect_dma semaphore(%arg9 : memref<!tpu.dma_semaphore, #tpu.memory_space<semaphore_mem>>) src(%dma_wait3A_330 : memref<128x16xf32, #tpu.memory_space<vmem>>) dst(%dma_wait3A_336 : memref<50128x16xf32, #tpu.memory_space<vmem_shared>>)
      %dma_wait3A_337 = arith.constant 11 : i32
      %dma_wait3A_338 = arith.constant 11 : i32
      %dma_wait3A_339 = arith.constant 0 : i32
      %dma_wait3A_340 = arith.constant 0 : i32
      %dma_wait3A_341 = tpu.memref_slice %arg7[%dma_wait3A_337, %dma_wait3A_339, %dma_wait3A_340] : memref<15x128x16xf32, #tpu.memory_space<vmem>> -> memref<1x128x16xf32, #tpu.memory_space<vmem>>
      %dma_wait3A_342 = tpu.memref_squeeze %dma_wait3A_341 : memref<1x128x16xf32, #tpu.memory_space<vmem>> -> memref<128x16xf32, #tpu.memory_space<vmem>>
      %dma_wait3A_343 = arith.constant 0 : i32
      %dma_wait3A_344 = tpu.memref_slice %arg6[%dma_wait3A_338, %dma_wait3A_343] : memref<15x128xi32, #tpu.memory_space<vmem>> -> memref<1x128xi32, #tpu.memory_space<vmem>>
      %dma_wait3A_345 = tpu.memref_squeeze %dma_wait3A_344 : memref<1x128xi32, #tpu.memory_space<vmem>> -> memref<128xi32, #tpu.memory_space<vmem>>
      %dma_wait3A_346 = arith.constant 0 : i32
      %dma_wait3A_347 = arith.constant 0 : i32
      %dma_wait3A_348 = tpu.memref_slice %arg8[%dma_wait3A_346, %dma_wait3A_347] : memref<50128x16xf32, #tpu.memory_space<vmem_shared>> -> memref<50128x16xf32, #tpu.memory_space<vmem_shared>>
      tpu.wait_indirect_dma semaphore(%arg9 : memref<!tpu.dma_semaphore, #tpu.memory_space<semaphore_mem>>) src(%dma_wait3A_342 : memref<128x16xf32, #tpu.memory_space<vmem>>) dst(%dma_wait3A_348 : memref<50128x16xf32, #tpu.memory_space<vmem_shared>>)
      %dma_wait3A_349 = arith.constant 12 : i32
      %dma_wait3A_350 = arith.constant 12 : i32
      %dma_wait3A_351 = arith.constant 0 : i32
      %dma_wait3A_352 = arith.constant 0 : i32
      %dma_wait3A_353 = tpu.memref_slice %arg7[%dma_wait3A_349, %dma_wait3A_351, %dma_wait3A_352] : memref<15x128x16xf32, #tpu.memory_space<vmem>> -> memref<1x128x16xf32, #tpu.memory_space<vmem>>
      %dma_wait3A_354 = tpu.memref_squeeze %dma_wait3A_353 : memref<1x128x16xf32, #tpu.memory_space<vmem>> -> memref<128x16xf32, #tpu.memory_space<vmem>>
      %dma_wait3A_355 = arith.constant 0 : i32
      %dma_wait3A_356 = tpu.memref_slice %arg6[%dma_wait3A_350, %dma_wait3A_355] : memref<15x128xi32, #tpu.memory_space<vmem>> -> memref<1x128xi32, #tpu.memory_space<vmem>>
      %dma_wait3A_357 = tpu.memref_squeeze %dma_wait3A_356 : memref<1x128xi32, #tpu.memory_space<vmem>> -> memref<128xi32, #tpu.memory_space<vmem>>
      %dma_wait3A_358 = arith.constant 0 : i32
      %dma_wait3A_359 = arith.constant 0 : i32
      %dma_wait3A_360 = tpu.memref_slice %arg8[%dma_wait3A_358, %dma_wait3A_359] : memref<50128x16xf32, #tpu.memory_space<vmem_shared>> -> memref<50128x16xf32, #tpu.memory_space<vmem_shared>>
      tpu.wait_indirect_dma semaphore(%arg9 : memref<!tpu.dma_semaphore, #tpu.memory_space<semaphore_mem>>) src(%dma_wait3A_354 : memref<128x16xf32, #tpu.memory_space<vmem>>) dst(%dma_wait3A_360 : memref<50128x16xf32, #tpu.memory_space<vmem_shared>>)
      %dma_wait3A_361 = arith.constant 13 : i32
      %dma_wait3A_362 = arith.constant 13 : i32
      %dma_wait3A_363 = arith.constant 0 : i32
      %dma_wait3A_364 = arith.constant 0 : i32
      %dma_wait3A_365 = tpu.memref_slice %arg7[%dma_wait3A_361, %dma_wait3A_363, %dma_wait3A_364] : memref<15x128x16xf32, #tpu.memory_space<vmem>> -> memref<1x128x16xf32, #tpu.memory_space<vmem>>
      %dma_wait3A_366 = tpu.memref_squeeze %dma_wait3A_365 : memref<1x128x16xf32, #tpu.memory_space<vmem>> -> memref<128x16xf32, #tpu.memory_space<vmem>>
      %dma_wait3A_367 = arith.constant 0 : i32
      %dma_wait3A_368 = tpu.memref_slice %arg6[%dma_wait3A_362, %dma_wait3A_367] : memref<15x128xi32, #tpu.memory_space<vmem>> -> memref<1x128xi32, #tpu.memory_space<vmem>>
      %dma_wait3A_369 = tpu.memref_squeeze %dma_wait3A_368 : memref<1x128xi32, #tpu.memory_space<vmem>> -> memref<128xi32, #tpu.memory_space<vmem>>
      %dma_wait3A_370 = arith.constant 0 : i32
      %dma_wait3A_371 = arith.constant 0 : i32
      %dma_wait3A_372 = tpu.memref_slice %arg8[%dma_wait3A_370, %dma_wait3A_371] : memref<50128x16xf32, #tpu.memory_space<vmem_shared>> -> memref<50128x16xf32, #tpu.memory_space<vmem_shared>>
      tpu.wait_indirect_dma semaphore(%arg9 : memref<!tpu.dma_semaphore, #tpu.memory_space<semaphore_mem>>) src(%dma_wait3A_366 : memref<128x16xf32, #tpu.memory_space<vmem>>) dst(%dma_wait3A_372 : memref<50128x16xf32, #tpu.memory_space<vmem_shared>>)
      %dma_wait3A_373 = arith.constant 14 : i32
      %dma_wait3A_374 = arith.constant 14 : i32
      %dma_wait3A_375 = arith.constant 0 : i32
      %dma_wait3A_376 = arith.constant 0 : i32
      %dma_wait3A_377 = tpu.memref_slice %arg7[%dma_wait3A_373, %dma_wait3A_375, %dma_wait3A_376] : memref<15x128x16xf32, #tpu.memory_space<vmem>> -> memref<1x128x16xf32, #tpu.memory_space<vmem>>
      %dma_wait3A_378 = tpu.memref_squeeze %dma_wait3A_377 : memref<1x128x16xf32, #tpu.memory_space<vmem>> -> memref<128x16xf32, #tpu.memory_space<vmem>>
      %dma_wait3A_379 = arith.constant 0 : i32
      %dma_wait3A_380 = tpu.memref_slice %arg6[%dma_wait3A_374, %dma_wait3A_379] : memref<15x128xi32, #tpu.memory_space<vmem>> -> memref<1x128xi32, #tpu.memory_space<vmem>>
      %dma_wait3A_381 = tpu.memref_squeeze %dma_wait3A_380 : memref<1x128xi32, #tpu.memory_space<vmem>> -> memref<128xi32, #tpu.memory_space<vmem>>
      %dma_wait3A_382 = arith.constant 0 : i32
      %dma_wait3A_383 = arith.constant 0 : i32
      %dma_wait3A_384 = tpu.memref_slice %arg8[%dma_wait3A_382, %dma_wait3A_383] : memref<50128x16xf32, #tpu.memory_space<vmem_shared>> -> memref<50128x16xf32, #tpu.memory_space<vmem_shared>>
      tpu.wait_indirect_dma semaphore(%arg9 : memref<!tpu.dma_semaphore, #tpu.memory_space<semaphore_mem>>) src(%dma_wait3A_378 : memref<128x16xf32, #tpu.memory_space<vmem>>) dst(%dma_wait3A_384 : memref<50128x16xf32, #tpu.memory_space<vmem_shared>>)
    }
    %scan3A_10 = arith.constant 26 : i32
    %lt3A = arith.constant 10 : i32
    %lt3A_11 = arith.cmpi slt, %arg1, %lt3A : i32
    %convert_element_type3A_12 = arith.extui %lt3A_11 : i1 to i32
    %cond3A_13 = arith.constant 0 : i32
    %cond3A_14 = arith.cmpi ne, %convert_element_type3A_12, %cond3A_13 : i32
    scf.if %cond3A_14 {
      %add3A_23 = arith.constant 390 : i32
      %add3A_24 = arith.addi %add3A, %add3A_23 : i32
      "tpu.region"() ({
        %run_scoped3A_26 = tpu.sem_alloc : memref<!tpu.dma_semaphore, #tpu.memory_space<semaphore_mem>>
        %dma_start3A = arith.constant 0 : i32
        %dma_start3A_27 = arith.constant 0 : i32
        %dma_start3A_28 = tpu.memref_slice %arg6[%dma_start3A, %dma_start3A_27] : memref<15x128xi32, #tpu.memory_space<vmem>> -> memref<1x128xi32, #tpu.memory_space<vmem>>
        %dma_start3A_29 = arith.constant 0 : i32
        %dma_start3A_30 = tpu.memref_slice %arg3[%arg0, %add3A_24, %dma_start3A_29] : memref<2x6250x128xi32, #tpu.memory_space<hbm>> -> memref<1x1x128xi32, #tpu.memory_space<hbm>>
        %dma_start3A_31 = tpu.memref_squeeze %dma_start3A_30 : memref<1x1x128xi32, #tpu.memory_space<hbm>> -> memref<1x128xi32, #tpu.memory_space<hbm>>
        %dma_start3A_32 = arith.constant 0 : i32
        %dma_start3A_33 = arith.constant 0 : i32
        %dma_start3A_34 = tpu.memref_slice %arg6[%dma_start3A_32, %dma_start3A_33] : memref<15x128xi32, #tpu.memory_space<vmem>> -> memref<1x128xi32, #tpu.memory_space<vmem>>
        %dma_start3A_35 = arith.constant 0 : i32
        %dma_start3A_36 = tpu.memref_slice %arg3[%arg0, %add3A_24, %dma_start3A_35] : memref<2x6250x128xi32, #tpu.memory_space<hbm>> -> memref<1x1x128xi32, #tpu.memory_space<hbm>>
        %dma_start3A_37 = tpu.memref_squeeze %dma_start3A_36 : memref<1x1x128xi32, #tpu.memory_space<hbm>> -> memref<1x128xi32, #tpu.memory_space<hbm>>
        tpu.enqueue_dma source(%dma_start3A_37 : memref<1x128xi32, #tpu.memory_space<hbm>>) target(%dma_start3A_34 : memref<1x128xi32, #tpu.memory_space<vmem>>) target_semaphore(%run_scoped3A_26 : memref<!tpu.dma_semaphore, #tpu.memory_space<semaphore_mem>>)
        %dma_wait3A = arith.constant 0 : i32
        %dma_wait3A_38 = arith.constant 0 : i32
        %dma_wait3A_39 = tpu.memref_slice %arg6[%dma_wait3A, %dma_wait3A_38] : memref<15x128xi32, #tpu.memory_space<vmem>> -> memref<1x128xi32, #tpu.memory_space<vmem>>
        %dma_wait3A_40 = arith.constant 0 : i32
        %dma_wait3A_41 = tpu.memref_slice %arg3[%arg0, %add3A_24, %dma_wait3A_40] : memref<2x6250x128xi32, #tpu.memory_space<hbm>> -> memref<1x1x128xi32, #tpu.memory_space<hbm>>
        %dma_wait3A_42 = tpu.memref_squeeze %dma_wait3A_41 : memref<1x1x128xi32, #tpu.memory_space<hbm>> -> memref<1x128xi32, #tpu.memory_space<hbm>>
        %dma_wait3A_43 = arith.constant 0 : i32
        %dma_wait3A_44 = arith.constant 0 : i32
        %dma_wait3A_45 = tpu.memref_slice %arg6[%dma_wait3A_43, %dma_wait3A_44] : memref<15x128xi32, #tpu.memory_space<vmem>> -> memref<1x128xi32, #tpu.memory_space<vmem>>
        %dma_wait3A_46 = arith.constant 0 : i32
        %dma_wait3A_47 = tpu.memref_slice %arg3[%arg0, %add3A_24, %dma_wait3A_46] : memref<2x6250x128xi32, #tpu.memory_space<hbm>> -> memref<1x1x128xi32, #tpu.memory_space<hbm>>
        %dma_wait3A_48 = tpu.memref_squeeze %dma_wait3A_47 : memref<1x1x128xi32, #tpu.memory_space<hbm>> -> memref<1x128xi32, #tpu.memory_space<hbm>>
        tpu.wait_dma2 semaphore(%run_scoped3A_26 : memref<!tpu.dma_semaphore, #tpu.memory_space<semaphore_mem>>) src(%dma_wait3A_48 : memref<1x128xi32, #tpu.memory_space<hbm>>) dst(%dma_wait3A_45 : memref<1x128xi32, #tpu.memory_space<vmem>>)
        tpu.yield
      }) : () -> ()
      "tpu.region"() ({
        %run_scoped3A_26 = tpu.sem_alloc : memref<!tpu.dma_semaphore, #tpu.memory_space<semaphore_mem>>
        %dma_start3A = arith.constant 0 : i32
        %dma_start3A_27 = arith.constant 0 : i32
        %dma_start3A_28 = arith.constant 0 : i32
        %dma_start3A_29 = tpu.memref_slice %arg7[%dma_start3A, %dma_start3A_27, %dma_start3A_28] : memref<15x128x16xf32, #tpu.memory_space<vmem>> -> memref<1x128x16xf32, #tpu.memory_space<vmem>>
        %dma_start3A_30 = arith.constant 0 : i32
        %dma_start3A_31 = arith.constant 0 : i32
        %dma_start3A_32 = tpu.memref_slice %arg2[%add3A_24, %dma_start3A_30, %dma_start3A_31] : memref<6250x128x16xf32, #tpu.memory_space<hbm>> -> memref<1x128x16xf32, #tpu.memory_space<hbm>>
        %dma_start3A_33 = arith.constant 0 : i32
        %dma_start3A_34 = arith.constant 0 : i32
        %dma_start3A_35 = arith.constant 0 : i32
        %dma_start3A_36 = tpu.memref_slice %arg7[%dma_start3A_33, %dma_start3A_34, %dma_start3A_35] : memref<15x128x16xf32, #tpu.memory_space<vmem>> -> memref<1x128x16xf32, #tpu.memory_space<vmem>>
        %dma_start3A_37 = arith.constant 0 : i32
        %dma_start3A_38 = arith.constant 0 : i32
        %dma_start3A_39 = tpu.memref_slice %arg2[%add3A_24, %dma_start3A_37, %dma_start3A_38] : memref<6250x128x16xf32, #tpu.memory_space<hbm>> -> memref<1x128x16xf32, #tpu.memory_space<hbm>>
        tpu.enqueue_dma source(%dma_start3A_39 : memref<1x128x16xf32, #tpu.memory_space<hbm>>) target(%dma_start3A_36 : memref<1x128x16xf32, #tpu.memory_space<vmem>>) target_semaphore(%run_scoped3A_26 : memref<!tpu.dma_semaphore, #tpu.memory_space<semaphore_mem>>)
        %dma_wait3A = arith.constant 0 : i32
        %dma_wait3A_40 = arith.constant 0 : i32
        %dma_wait3A_41 = arith.constant 0 : i32
        %dma_wait3A_42 = tpu.memref_slice %arg7[%dma_wait3A, %dma_wait3A_40, %dma_wait3A_41] : memref<15x128x16xf32, #tpu.memory_space<vmem>> -> memref<1x128x16xf32, #tpu.memory_space<vmem>>
        %dma_wait3A_43 = arith.constant 0 : i32
        %dma_wait3A_44 = arith.constant 0 : i32
        %dma_wait3A_45 = tpu.memref_slice %arg2[%add3A_24, %dma_wait3A_43, %dma_wait3A_44] : memref<6250x128x16xf32, #tpu.memory_space<hbm>> -> memref<1x128x16xf32, #tpu.memory_space<hbm>>
        %dma_wait3A_46 = arith.constant 0 : i32
        %dma_wait3A_47 = arith.constant 0 : i32
        %dma_wait3A_48 = arith.constant 0 : i32
        %dma_wait3A_49 = tpu.memref_slice %arg7[%dma_wait3A_46, %dma_wait3A_47, %dma_wait3A_48] : memref<15x128x16xf32, #tpu.memory_space<vmem>> -> memref<1x128x16xf32, #tpu.memory_space<vmem>>
        %dma_wait3A_50 = arith.constant 0 : i32
        %dma_wait3A_51 = arith.constant 0 : i32
        %dma_wait3A_52 = tpu.memref_slice %arg2[%add3A_24, %dma_wait3A_50, %dma_wait3A_51] : memref<6250x128x16xf32, #tpu.memory_space<hbm>> -> memref<1x128x16xf32, #tpu.memory_space<hbm>>
        tpu.wait_dma2 semaphore(%run_scoped3A_26 : memref<!tpu.dma_semaphore, #tpu.memory_space<semaphore_mem>>) src(%dma_wait3A_52 : memref<1x128x16xf32, #tpu.memory_space<hbm>>) dst(%dma_wait3A_49 : memref<1x128x16xf32, #tpu.memory_space<vmem>>)
        tpu.yield
      }) : () -> ()
      %run_scoped3A = arith.constant 0 : i32
      %run_scoped3A_25 = arith.constant 0 : i32
      "tpu.region"() ({
        %run_scoped3A_26 = tpu.sem_alloc : memref<!tpu.dma_semaphore, #tpu.memory_space<semaphore_mem>>
        %dma_start3A = arith.constant 0 : i32
        %dma_start3A_27 = arith.constant 0 : i32
        %dma_start3A_28 = tpu.memref_slice %arg7[%run_scoped3A, %dma_start3A, %dma_start3A_27] : memref<15x128x16xf32, #tpu.memory_space<vmem>> -> memref<1x128x16xf32, #tpu.memory_space<vmem>>
        %dma_start3A_29 = tpu.memref_squeeze %dma_start3A_28 : memref<1x128x16xf32, #tpu.memory_space<vmem>> -> memref<128x16xf32, #tpu.memory_space<vmem>>
        %dma_start3A_30 = arith.constant 0 : i32
        %dma_start3A_31 = tpu.memref_slice %arg6[%run_scoped3A_25, %dma_start3A_30] : memref<15x128xi32, #tpu.memory_space<vmem>> -> memref<1x128xi32, #tpu.memory_space<vmem>>
        %dma_start3A_32 = tpu.memref_squeeze %dma_start3A_31 : memref<1x128xi32, #tpu.memory_space<vmem>> -> memref<128xi32, #tpu.memory_space<vmem>>
        %dma_start3A_33 = arith.constant 0 : i32
        %dma_start3A_34 = arith.constant 0 : i32
        %dma_start3A_35 = tpu.memref_slice %arg8[%dma_start3A_33, %dma_start3A_34] : memref<50128x16xf32, #tpu.memory_space<vmem_shared>> -> memref<50128x16xf32, #tpu.memory_space<vmem_shared>>
        tpu.enqueue_indirect_dma source(%dma_start3A_29 : memref<128x16xf32, #tpu.memory_space<vmem>>) target(%dma_start3A_35 : memref<50128x16xf32, #tpu.memory_space<vmem_shared>>) offsets(%dma_start3A_32 : memref<128xi32, #tpu.memory_space<vmem>>) semaphore(%run_scoped3A_26 : memref<!tpu.dma_semaphore, #tpu.memory_space<semaphore_mem>>) {add = true}
        %dma_wait3A = arith.constant 0 : i32
        %dma_wait3A_36 = arith.constant 0 : i32
        %dma_wait3A_37 = tpu.memref_slice %arg7[%run_scoped3A, %dma_wait3A, %dma_wait3A_36] : memref<15x128x16xf32, #tpu.memory_space<vmem>> -> memref<1x128x16xf32, #tpu.memory_space<vmem>>
        %dma_wait3A_38 = tpu.memref_squeeze %dma_wait3A_37 : memref<1x128x16xf32, #tpu.memory_space<vmem>> -> memref<128x16xf32, #tpu.memory_space<vmem>>
        %dma_wait3A_39 = arith.constant 0 : i32
        %dma_wait3A_40 = tpu.memref_slice %arg6[%run_scoped3A_25, %dma_wait3A_39] : memref<15x128xi32, #tpu.memory_space<vmem>> -> memref<1x128xi32, #tpu.memory_space<vmem>>
        %dma_wait3A_41 = tpu.memref_squeeze %dma_wait3A_40 : memref<1x128xi32, #tpu.memory_space<vmem>> -> memref<128xi32, #tpu.memory_space<vmem>>
        %dma_wait3A_42 = arith.constant 0 : i32
        %dma_wait3A_43 = arith.constant 0 : i32
        %dma_wait3A_44 = tpu.memref_slice %arg8[%dma_wait3A_42, %dma_wait3A_43] : memref<50128x16xf32, #tpu.memory_space<vmem_shared>> -> memref<50128x16xf32, #tpu.memory_space<vmem_shared>>
        tpu.wait_indirect_dma semaphore(%run_scoped3A_26 : memref<!tpu.dma_semaphore, #tpu.memory_space<semaphore_mem>>) src(%dma_wait3A_38 : memref<128x16xf32, #tpu.memory_space<vmem>>) dst(%dma_wait3A_44 : memref<50128x16xf32, #tpu.memory_space<vmem_shared>>)
        tpu.yield
      }) : () -> ()
    } else {
    }
    %barrier3A_15 = arith.constant 0 : index
    tpu.barrier barrier_id(%barrier3A_15)
    %mul3A_16 = arith.constant 3125 : i32
    %mul3A_17 = arith.muli %arg1, %mul3A_16 : i32
    %mul3A_18 = arith.constant 50000 : i32
    %mul3A_19 = arith.muli %arg0, %mul3A_18 : i32
    %mul3A_20 = arith.constant 3125 : i32
    %mul3A_21 = arith.muli %arg1, %mul3A_20 : i32
    %add3A_22 = arith.addi %mul3A_19, %mul3A_21 : i32
    "tpu.region"() ({
      %run_scoped3A = tpu.sem_alloc : memref<!tpu.dma_semaphore, #tpu.memory_space<semaphore_mem>>
      %dma_start3A = arith.constant 0 : i32
      %dma_start3A_23 = tpu.memref_slice %arg5[%add3A_22, %dma_start3A] : memref<100000x16xf32, #tpu.memory_space<hbm>> -> memref<3125x16xf32, #tpu.memory_space<hbm>>
      %dma_start3A_24 = arith.constant 0 : i32
      %dma_start3A_25 = tpu.memref_slice %arg8[%mul3A_17, %dma_start3A_24] : memref<50128x16xf32, #tpu.memory_space<vmem_shared>> -> memref<3125x16xf32, #tpu.memory_space<vmem_shared>>
      tpu.enqueue_dma source(%dma_start3A_25 : memref<3125x16xf32, #tpu.memory_space<vmem_shared>>) target(%dma_start3A_23 : memref<3125x16xf32, #tpu.memory_space<hbm>>) target_semaphore(%run_scoped3A : memref<!tpu.dma_semaphore, #tpu.memory_space<semaphore_mem>>)
      %dma_wait3A = arith.constant 0 : i32
      %dma_wait3A_26 = tpu.memref_slice %arg5[%add3A_22, %dma_wait3A] : memref<100000x16xf32, #tpu.memory_space<hbm>> -> memref<3125x16xf32, #tpu.memory_space<hbm>>
      %dma_wait3A_27 = arith.constant 0 : i32
      %dma_wait3A_28 = tpu.memref_slice %arg8[%mul3A_17, %dma_wait3A_27] : memref<50128x16xf32, #tpu.memory_space<vmem_shared>> -> memref<3125x16xf32, #tpu.memory_space<vmem_shared>>
      tpu.wait_dma2 semaphore(%run_scoped3A : memref<!tpu.dma_semaphore, #tpu.memory_space<semaphore_mem>>) src(%dma_wait3A_28 : memref<3125x16xf32, #tpu.memory_space<vmem_shared>>) dst(%dma_wait3A_26 : memref<3125x16xf32, #tpu.memory_space<hbm>>)
      tpu.yield
    }) : () -> ()
    return
  }
}

module attributes {stable_mosaic.version = 14 : i64} {
  func.func @_tc_bilinear_body(%arg0: i32, %arg1: memref<8x6400xf32, #tpu.memory_space<vmem>>, %arg2: memref<16x6400xf32, #tpu.memory_space<vmem>>, %arg3: memref<8x128xf32, #tpu.memory_space<vmem>>, %arg4: memref<16x128xf32, #tpu.memory_space<vmem>>, %arg5: memref<128x16xf32, #tpu.memory_space<vmem>>, %arg6: memref<16x16xf32, #tpu.memory_space<vmem>>, %arg7: memref<16x6400xf32, #tpu.memory_space<vmem>>) attributes {dimension_semantics = [#tpu.dimension_semantics<arbitrary>], iteration_bounds = array<i64: 125>, scalar_prefetch = 0 : i64, scratch_operands = 0 : i64, tpu.core_type = #tpu.core_type<tc>, window_params = [{transform_indices = @transform_0, window_bounds = array<i64: 8, 6400>}, {transform_indices = @transform_1, window_bounds = array<i64: 16, 6400>}, {pipeline_mode = #tpu.pipeline_mode<synchronous>, transform_indices = @transform_2, window_bounds = array<i64: 8, 128>}, {pipeline_mode = #tpu.pipeline_mode<synchronous>, transform_indices = @transform_3, window_bounds = array<i64: 16, 128>}, {pipeline_mode = #tpu.pipeline_mode<synchronous>, transform_indices = @transform_4, window_bounds = array<i64: 128, 16>}, {pipeline_mode = #tpu.pipeline_mode<synchronous>, transform_indices = @transform_5, window_bounds = array<i64: 16, 16>}, {transform_indices = @transform_6, window_bounds = array<i64: 16, 6400>}]} {
    %get3A = arith.constant 0 : index
    %get3A_0 = arith.constant 0 : index
    %get3A_1 = vector.load %arg3[%get3A, %get3A_0] : memref<8x128xf32, #tpu.memory_space<vmem>>, vector<8x128xf32>
    %get3A_2 = arith.constant 0 : index
    %get3A_3 = arith.constant 0 : index
    %get3A_4 = vector.load %arg1[%get3A_2, %get3A_3] : memref<8x6400xf32, #tpu.memory_space<vmem>>, vector<8x6400xf32>
    %dot_general3A = arith.constant dense<0.000000e+00> : vector<128x6400xf32>
    %dot_general3A_5 = tpu.matmul %get3A_1, %get3A_4, %dot_general3A {dimension_numbers = #tpu.dot_dimension_numbers<[0], [0], [1], [1], [0, 1, 1, 1], [], []>, transpose_lhs_hint = false} : vector<8x128xf32>, vector<8x6400xf32>, vector<128x6400xf32> -> vector<128x6400xf32>
    %get3A_6 = arith.constant 0 : index
    %get3A_7 = arith.constant 0 : index
    %get3A_8 = vector.load %arg4[%get3A_6, %get3A_7] : memref<16x128xf32, #tpu.memory_space<vmem>>, vector<16x128xf32>
    %get3A_9 = arith.constant 0 : index
    %get3A_10 = arith.constant 0 : index
    %get3A_11 = vector.load %arg2[%get3A_9, %get3A_10] : memref<16x6400xf32, #tpu.memory_space<vmem>>, vector<16x6400xf32>
    %dot_general3A_12 = arith.constant dense<0.000000e+00> : vector<128x6400xf32>
    %dot_general3A_13 = tpu.matmul %get3A_8, %get3A_11, %dot_general3A_12 {dimension_numbers = #tpu.dot_dimension_numbers<[0], [0], [1], [1], [0, 1, 1, 1], [], []>, transpose_lhs_hint = false} : vector<16x128xf32>, vector<16x6400xf32>, vector<128x6400xf32> -> vector<128x6400xf32>
    %mul3A = arith.mulf %dot_general3A_5, %dot_general3A_13 : vector<128x6400xf32>
    %get3A_14 = arith.constant 0 : index
    %get3A_15 = arith.constant 0 : index
    %get3A_16 = vector.load %arg5[%get3A_14, %get3A_15] : memref<128x16xf32, #tpu.memory_space<vmem>>, vector<128x16xf32>
    %dot_general3A_17 = arith.constant dense<0.000000e+00> : vector<16x6400xf32>
    %dot_general3A_18 = tpu.matmul %get3A_16, %mul3A, %dot_general3A_17 {dimension_numbers = #tpu.dot_dimension_numbers<[0], [0], [1], [1], [0, 1, 1, 1], [], []>, transpose_lhs_hint = false} : vector<128x16xf32>, vector<128x6400xf32>, vector<16x6400xf32> -> vector<16x6400xf32>
    %get3A_19 = arith.constant 0 : index
    %get3A_20 = arith.constant 0 : index
    %get3A_21 = vector.load %arg6[%get3A_19, %get3A_20] : memref<16x16xf32, #tpu.memory_space<vmem>>, vector<16x16xf32>
    %get3A_22 = arith.constant 0 : index
    %get3A_23 = arith.constant 0 : index
    %get3A_24 = vector.load %arg2[%get3A_22, %get3A_23] : memref<16x6400xf32, #tpu.memory_space<vmem>>, vector<16x6400xf32>
    %dot_general3A_25 = arith.constant dense<0.000000e+00> : vector<16x6400xf32>
    %dot_general3A_26 = tpu.matmul %get3A_21, %get3A_24, %dot_general3A_25 {dimension_numbers = #tpu.dot_dimension_numbers<[0], [0], [1], [1], [0, 1, 1, 1], [], []>, transpose_lhs_hint = false} : vector<16x16xf32>, vector<16x6400xf32>, vector<16x6400xf32> -> vector<16x6400xf32>
    %add3A = arith.addf %dot_general3A_18, %dot_general3A_26 : vector<16x6400xf32>
    %swap3A = arith.constant 0 : index
    %swap3A_27 = arith.constant 0 : index
    %swap3A_28 = vector.load %arg7[%swap3A, %swap3A_27] : memref<16x6400xf32, #tpu.memory_space<vmem>>, vector<16x6400xf32>
    tpu.vector_store %arg7[%swap3A, %swap3A_27], %add3A {strides = array<i32>} : memref<16x6400xf32, #tpu.memory_space<vmem>>, vector<16x6400xf32>,
    return
  }
  func.func @transform_0(%arg0: i32) -> (i32, i32) {
    %c0_i32 = arith.constant 0 : i32
    %c0_i32_0 = arith.constant 0 : i32
    return %c0_i32, %arg0 : i32, i32
  }
  func.func @transform_1(%arg0: i32) -> (i32, i32) {
    %c0_i32 = arith.constant 0 : i32
    %c0_i32_0 = arith.constant 0 : i32
    return %c0_i32, %arg0 : i32, i32
  }
  func.func @transform_2(%arg0: i32) -> (i32, i32) {
    %c0_i32 = arith.constant 0 : i32
    %c0_i32_0 = arith.constant 0 : i32
    %c0_i32_1 = arith.constant 0 : i32
    return %c0_i32, %c0_i32_0 : i32, i32
  }
  func.func @transform_3(%arg0: i32) -> (i32, i32) {
    %c0_i32 = arith.constant 0 : i32
    %c0_i32_0 = arith.constant 0 : i32
    %c0_i32_1 = arith.constant 0 : i32
    return %c0_i32, %c0_i32_0 : i32, i32
  }
  func.func @transform_4(%arg0: i32) -> (i32, i32) {
    %c0_i32 = arith.constant 0 : i32
    %c0_i32_0 = arith.constant 0 : i32
    %c0_i32_1 = arith.constant 0 : i32
    return %c0_i32, %c0_i32_0 : i32, i32
  }
  func.func @transform_5(%arg0: i32) -> (i32, i32) {
    %c0_i32 = arith.constant 0 : i32
    %c0_i32_0 = arith.constant 0 : i32
    %c0_i32_1 = arith.constant 0 : i32
    return %c0_i32, %c0_i32_0 : i32, i32
  }
  func.func @transform_6(%arg0: i32) -> (i32, i32) {
    %c0_i32 = arith.constant 0 : i32
    %c0_i32_0 = arith.constant 0 : i32
    return %c0_i32, %arg0 : i32, i32
  }
}

module attributes {stable_mosaic.version = 14 : i64} {
  func.func @_tc_idx_body(%arg0: i32, %arg1: memref<6250x128xi32, #tpu.memory_space<vmem>>, %arg2: memref<1x6250x128xi32, #tpu.memory_space<vmem>>) attributes {dimension_semantics = [#tpu.dimension_semantics<arbitrary>], iteration_bounds = array<i64: 2>, scalar_prefetch = 0 : i64, scratch_operands = 0 : i64, tpu.core_type = #tpu.core_type<tc>, window_params = [{pipeline_mode = #tpu.pipeline_mode<synchronous>, transform_indices = @transform_0, window_bounds = array<i64: 6250, 128>}, {transform_indices = @transform_1, window_bounds = array<i64: 1, 6250, 128>}]} {
    %mul3A = arith.constant 50000 : i32
    %mul3A_0 = arith.muli %arg0, %mul3A : i32
    %get3A = arith.constant 0 : index
    %get3A_1 = arith.constant 0 : index
    %get3A_2 = vector.load %arg1[%get3A, %get3A_1] : memref<6250x128xi32, #tpu.memory_space<vmem>>, vector<6250x128xi32>
    %ge3A = vector.broadcast %mul3A_0 : i32 to vector<6250x128xi32>
    %ge3A_3 = arith.cmpi sge, %get3A_2, %ge3A : vector<6250x128xi32>
    %add3A = arith.constant 50000 : i32
    %add3A_4 = arith.addi %mul3A_0, %add3A : i32
    %lt3A = vector.broadcast %add3A_4 : i32 to vector<6250x128xi32>
    %lt3A_5 = arith.cmpi slt, %get3A_2, %lt3A : vector<6250x128xi32>
    %and3A = arith.andi %ge3A_3, %lt3A_5 : vector<6250x128xi1>
    %iota3A = tpu.iota {dimensions = array<i32: 1>} : vector<6250x128xi32>
    %sub3A = vector.broadcast %mul3A_0 : i32 to vector<6250x128xi32>
    %sub3A_6 = arith.subi %get3A_2, %sub3A : vector<6250x128xi32>
    %add3A_7 = arith.constant 50000 : i32
    %add3A_8 = vector.broadcast %add3A_7 : i32 to vector<6250x128xi32>
    %add3A_9 = arith.addi %add3A_8, %iota3A : vector<6250x128xi32>
    %select_n3A = arith.select %and3A, %sub3A_6, %add3A_9 : vector<6250x128xi1>, vector<6250x128xi32>
    %swap3A = arith.constant 0 : index
    %swap3A_10 = arith.constant 0 : index
    %swap3A_11 = arith.constant 0 : index
    %swap3A_12 = vector.load %arg2[%swap3A, %swap3A_10, %swap3A_11] : memref<1x6250x128xi32, #tpu.memory_space<vmem>>, vector<1x6250x128xi32>
    %swap3A_13 = vector.shape_cast %swap3A_12 : vector<1x6250x128xi32> to vector<6250x128xi32>
    %swap3A_14 = vector.shape_cast %select_n3A : vector<6250x128xi32> to vector<1x6250x128xi32>
    tpu.vector_store %arg2[%swap3A, %swap3A_10, %swap3A_11], %swap3A_14 {strides = array<i32>} : memref<1x6250x128xi32, #tpu.memory_space<vmem>>, vector<1x6250x128xi32>,
    return
  }
  func.func @transform_0(%arg0: i32) -> (i32, i32) {
    %c0_i32 = arith.constant 0 : i32
    %c0_i32_0 = arith.constant 0 : i32
    %c0_i32_1 = arith.constant 0 : i32
    return %c0_i32, %c0_i32_0 : i32, i32
  }
  func.func @transform_1(%arg0: i32) -> (i32, i32, i32) {
    %c0_i32 = arith.constant 0 : i32
    %c0_i32_0 = arith.constant 0 : i32
    %c0_i32_1 = arith.constant 0 : i32
    return %arg0, %c0_i32, %c0_i32_0 : i32, i32, i32
  }
}

</mosaic_0001>

<sc_bundles>
// kernel: kernel.10.cloned.1.call-start
scs
__scs_entry_jumppad:
0x0: {  	(pc) =	sbr.rel $0x88, $3  }
0x1: {  	(tag) =	ssettag $0x0;
	lr =	simm.s32 $0x1  }
0x2: {  	[smem:$0x3F9C] =	sst lr;
	_ =	strace $0xD0000000  }
0x3: {  	_ = 	snop  }
0x4: {  	_ = 	snop  }
0x5: {  	_ = 	snop  }
0x6: {  	_ = 	snop  }
0x7: {  	_ = 	snop  }
__scs_overlays_trampoline_lowered:
0x8: {  	[smem:$0x3FAB] =	sst s0  }
0x9: {  	[smem:$0x3FAC] =	sst s1  }
0xa: {  	[smem:$0x3FAD] =	sst s2  }
0xb: {  	[smem:$0x3FAE] =	sst s3  }
0xc: {  	[smem:$0x3FAF] =	sst s4  }
0xd: {  	[smem:$0x3FB0] =	sst s5  }
0xe: {  	[smem:$0x3FB1] =	sst s6  }
0xf: {  	[smem:$0x3FB2] =	sst s7  }
0x10: {  	[smem:$0x3FB3] =	sst s8  }
0x11: {  	[smem:$0x3FB4] =	sst s9;
	s0 =	simm.s32 @!p0 $0x0  }
0x12: {  	s1 =	sld [smem:$0x3F9A];
	s0 =	simm.s32 @p0 $0x1  }
0x13: {  	[smem:$0x3FB5] =	sst s0;
	s0 =	simm.s32 @!p1 $0x0  }
0x14: {  	s2 =	sld [smem:$0x3F99];
	s0 =	simm.s32 @p1 $0x1  }
0x15: {  	[smem:$0x3FB6] =	sst s0;
	s0 =	simm.s32 @!p2 $0x0  }
0x16: {  	s3 =	sld [smem:$0x3FDB];
	s0 =	simm.s32 @p2 $0x1  }
0x17: {  	s4 =	simm.s32 $0x1BF5;
	[smem:$0x3FB8] =	sst s0  }
0x18: {  	s0 =	sld [smem:$0x3F9B];
	_ =	swait.ge [sflag:s4], $0x0  }
0x19: {  	s7 =	sld [smem:$0x3F9C]  }
0x1a: {  	s8 =	sadd.s32 $0xFFFFE003, lr  }
0x1b: {  	s9 =	sadd.s32 $0xFFFFFEF7, lr;
	s5 =	simm.s32 $0xFFFFFFFF;
	p2 =	slt.u32 s8, $0xFFFFF086  }
0x1c: {  	p1 =	slt.u32 s9, $0xF7A;
	s5 =	simm.s32 @!p2 $0x0  }
0x1d: {  	s5 =	simm.s32 @p1 $0x1;
	p0 =	seq.s32 s7, s2  }
0x1e: {  	s7 =	smul.u32 @!p0 $0xF7A, s2;
	p2 =	seq.s32 @!p0 s5, $0x0  }
0x1f: {  	s9 =	smul.u32 $0xF7A, s1;
	s8 =	simm.s32 @!p0 $0x1BF5;
	p2 =	por !p2, p0  }
0x20: {  	[sflag:s8] =	ssyncset.s32 @!p0 $0xFFFFF086;
	s6 =	sadd.s32 @!p0 s3, s7;
	s7 =	simm.s32 @!p0 $0x108  }
0x21: {  	s3 =	sadd.s32 s3, s9;
	s6 =	sadd.s32 @!p0 $0x88, s6;
	s7 =	simm.s32 @p2 $0x1082  }
0x22: {  	[simem:s7], [sflag:s8] =	dma.local @!p0 [hbm:s6], $0xF7A  }
0x23: {  	s9 =	sor.u32 $0xD0000000, s2;
	s6 =	simm.s32 $0x108;
	_ =	swait.ge @!p0 [sflag:s8], $0x0  }
0x24: {  	s3 =	sadd.s32 $0x88, s3;
	s6 =	simm.s32 @!p1 $0x1082;
	[sflag:s4] =	ssyncset.s32 $0xFFFFF086  }
0x25: {  	[simem:s6], [sflag:s4] =	dma.local [hbm:s3], $0xF7A  }
0x26: {  	[smem:$0x3F9C] =	sst s1;
	(tag) =	ssettag s2;
	_ =	strace s9  }
0x27: {  	s1 =	sld [smem:$0x3FAC]  }
0x28: {  	s2 =	sld [smem:$0x3FAD]  }
0x29: {  	s4 =	sld [smem:$0x3FAF]  }
0x2a: {  	p0 =	seq.s32 s5, $0x0;
	s5 =	sld [smem:$0x3FB0]  }
0x2b: {  	s6 =	sld [smem:$0x3FB1]  }
0x2c: {  	s7 =	sld [smem:$0x3FB2]  }
0x2d: {  	s3 =	simm.s32 $0x108;
	s8 =	sld [smem:$0x3FB3]  }
0x2e: {  	s3 =	simm.s32 @!p0 $0x1082;
	s9 =	sld [smem:$0x3FB4]  }
0x2f: {  	lr =	sadd.s32 s0, s3;
	s0 =	sld [smem:$0x3FAB]  }
0x30: {  	s3 =	sld [smem:$0x3FAE]  }
0x31: {  	[smem:$0x3FB7] =	sst s10  }
0x32: {  	s10 =	sld [smem:$0x3FB5];
	_ =	sdelay $0x3  }
0x33: {  	p0 =	seq.s32 s10, $0x1;
	s10 =	sld [smem:$0x3FB7];
	_ =	sdelay $0x3  }
0x34: {  	[smem:$0x3FB7] =	sst s10  }
0x35: {  	s10 =	sld [smem:$0x3FB6];
	_ =	sdelay $0x3  }
0x36: {  	p1 =	seq.s32 s10, $0x1;
	s10 =	sld [smem:$0x3FB7];
	_ =	sdelay $0x3  }
0x37: {  	[smem:$0x3FB7] =	sst s10  }
0x38: {  	s10 =	sld [smem:$0x3FB8]  }
0x39: {  	_ = 	snop;
	(pc) =	sbr.ind lr, $3  }
0x3a: {  	_ = 	snop  }
0x3b: {  	_ = 	snop  }
0x3c: {  	p2 =	seq.s32 s10, $0x1;
	s10 =	sld [smem:$0x3FB7]  }
0x3d: {  	_ =	shalt  }
0x3e: {  	_ =	shalt  }
0x3f: {  	_ =	shalt  }
0x40: {  	_ =	shalt  }
0x41: {  	_ =	shalt  }
0x42: {  	_ =	shalt  }
0x43: {  	_ =	shalt  }
0x44: {  	_ =	shalt  }
0x45: {  	_ =	shalt  }
0x46: {  	_ =	shalt  }
0x47: {  	_ =	shalt  }
0x48: {  	_ =	shalt  }
0x49: {  	_ =	shalt  }
0x4a: {  	_ =	shalt  }
0x4b: {  	_ =	shalt  }
0x4c: {  	_ =	shalt  }
0x4d: {  	_ =	shalt  }
0x4e: {  	_ =	shalt  }
0x4f: {  	_ =	shalt  }
0x50: {  	_ =	shalt  }
0x51: {  	_ =	shalt  }
0x52: {  	_ =	shalt  }
0x53: {  	_ =	shalt  }
0x54: {  	_ =	shalt  }
0x55: {  	_ =	shalt  }
0x56: {  	_ =	shalt  }
0x57: {  	_ =	shalt  }
0x58: {  	_ =	shalt  }
0x59: {  	_ =	shalt  }
0x5a: {  	_ =	shalt  }
0x5b: {  	_ =	shalt  }
0x5c: {  	_ =	shalt  }
0x5d: {  	_ =	shalt  }
0x5e: {  	_ =	shalt  }
0x5f: {  	_ =	shalt  }
0x60: {  	_ =	shalt  }
0x61: {  	_ =	shalt  }
0x62: {  	_ =	shalt  }
0x63: {  	_ =	shalt  }
0x64: {  	_ =	shalt  }
0x65: {  	_ =	shalt  }
0x66: {  	_ =	shalt  }
0x67: {  	_ =	shalt  }
0x68: {  	_ =	shalt  }
0x69: {  	_ =	shalt  }
0x6a: {  	_ =	shalt  }
0x6b: {  	_ =	shalt  }
0x6c: {  	_ =	shalt  }
0x6d: {  	_ =	shalt  }
0x6e: {  	_ =	shalt  }
0x6f: {  	_ =	shalt  }
0x70: {  	_ =	shalt  }
0x71: {  	_ =	shalt  }
0x72: {  	_ =	shalt  }
0x73: {  	_ =	shalt  }
0x74: {  	_ =	shalt  }
0x75: {  	_ =	shalt  }
0x76: {  	_ =	shalt  }
0x77: {  	_ =	shalt  }
0x78: {  	_ =	shalt  }
0x79: {  	_ =	shalt  }
0x7a: {  	_ =	shalt  }
0x7b: {  	_ =	shalt  }
0x7c: {  	_ =	shalt  }
0x7d: {  	_ =	shalt  }
0x7e: {  	_ =	shalt  }
0x7f: {  	_ =	shalt  }
0x80: {  	_ =	shalt  }
0x81: {  	_ =	shalt  }
0x82: {  	_ =	shalt  }
0x83: {  	_ =	shalt  }
0x84: {  	_ =	shalt  }
0x85: {  	_ =	shalt  }
0x86: {  	_ =	shalt  }
0x87: {  	_ =	shalt  }
.Lfunc_end0:
.L_simem_size_0:
called_computation.3_lowered:
.L_overlay_start_0:
0x88: {  	s2 =	sld [smem:$0x3FD9]  }
0x89: {  	s3 =	sld [smem:$0x3FFE];
	_ =	sdelay $0x1  }
0x8a: {  	s1 =	srdreg.scid  }
0x8b: {  	s0 =	sand.u32 $0x1, s1  }
0x8c: {  	s17 =	sshll.u32 s0, $0xA;
	s2 =	sadd.s32 s3, s2  }
0x8d: {  	s2 =	sadd.s32 s2, s17  }
0x8e: {  	[smem:$0x3FC3] =	sst s2  }
0x8f: {  	_ = 	snop  }
0x90: {  	s2 =	sld [smem:$0x3FD0];
	(tm) =	ssettm $0x1  }
0x91: {  	s18 =	sld [smem:$0x3FFB];
	_ =	sdelay $0x3  }
0x92: {  	_ =	strace s18  }
0x93: {  	s3 =	sld [smem:$0x3FFC];
	_ =	sdelay $0x3  }
0x94: {  	_ =	strace s3  }
0x95: {  	s3 =	sld [smem:$0x3FFD];
	_ =	sdelay $0x3  }
0x96: {  	_ =	strace s3  }
0x97: {  	_ =	strace $0x8FFFFFFF  }
0x98: {  	s19 =	sld [smem:$0x3FDB];
	_ =	sdelay $0x1  }
0x99: {  	s4 =	simm.s32 $_scs_section_size  }
0x9a: {  	s5 =	simm.s32 $_size__tile_overlayer_lowered;
	s6 =	simm.s32 $_tile_overlayer_lowered  }
0x9b: {  	s22 =	simm.s32 $0x1BFF;
	s21 =	sshll.u32 s6, $0x1;
	s3 =	sadd.s32 s4, s19  }
0x9c: {  	s7 =	simm.s32 $0x0;
	s20 =	sshll.u32 s5, $0x1;
	s5 =	sadd.s32 s21, s3  }
0x9d: {  	[timem:s7], [sflag:s22] =	dma.local [hbm:s5], s20  }
0x9e: {  	_ =	swait.ge [sflag:s22], s20  }
0x9f: {  	s4 =	ssub.s32 $0x0, s20;
	[sflag:s22] =	ssyncset.done $0x0  }
0xa0: {  	[sflag:s22] =	ssyncadd.s32 s4;
	_ =	sdelay $0x1  }
0xa1: {  	s23 =	simm.s32 $0x1B8B  }
0xa2: {  	_ =	swait.ge [sflag:s23], $0x1  }
0xa3: {  	[sflag:s23] =	ssyncset.done $0x0  }
0xa4: {  	s25 =	simm.s32 $0x1B8E;
	s24 =	sld [smem:$0x3FFE];
	[sflag:s23] =	ssyncadd.s32 $0xFFFFFFFF  }
0xa5: {  	s26 =	simm.s32 $execute0_lowered;
	[smem:$0x3FD2] =	sst s25  }
0xa6: {  	s5 =	sshll.u32 s26, $0x1;
	_ =	strace $0x8000004F;
	[dreg:$0x1] =	wrdreg $0xFFFFFFFF  }
0xa7: {  	s28 =	simm.s32 $_size_execute0_lowered;
	s3 =	sadd.s32 s3, s5;
	[dreg:$0x0] =	wrdreg $0x0  }
0xa8: {  	s5 =	sshll.u32 s28, $0x1;
	[dreg:$0x2] =	wrdreg s3  }
0xa9: {  	[dreg:$0x3] =	wrdreg s5  }
0xaa: {  	[dreg:$0x4] =	wrdreg $0xC0  }
0xab: {  	_ =	task [dreg:s7], $0x5FFFF  }
0xac: {  	[dreg:$0x1] =	wrdreg $0xFFFFFFFF  }
0xad: {  	[dreg:$0x0] =	wrdreg $0x60  }
0xae: {  	[dreg:$0x2] =	wrdreg s24  }
0xaf: {  	[dreg:$0x3] =	wrdreg s2  }
0xb0: {  	[dreg:$0x4] =	wrdreg $0x7F800  }
0xb1: {  	[dreg:$0x5] =	wrdreg $0x9  }
0xb2: {  	_ =	task.clear_ibuf [dreg:s7], $0x6FFFF;
	_ =	strace $0x9000004F  }
0xb3: {  	s29 =	simm.s32 $0x9;
	_ =	strace $0x80000051  }
0xb4: {  	_ =	swait.ge [sflag:s29], $0x1  }
0xb5: {  	[sflag:s29] =	ssyncadd.s32 $0xFFFFFFFF  }
0xb6: {  	_ =	strace $0x90000051  }
0xb7: {  	_ =	sfence  }
0xb8: {  	s30 =	sld [smem:$0x0];
	_ =	sdelay $0x2  }
0xb9: {  	s31 =	sshll.u32 s1, $0xD;
	s1 =	sshrl.u32 s1, $0x2  }
0xba: {  	s3 =	sand.u32 $0x4000, s31;
	s1 =	sadd.s32 s1, s30  }
0xbb: {  	s0 =	sor.u32 s3, s0;
	s1 =	sshll.u32 s1, $0x11  }
0xbc: {  	s0 =	sor.u32 s1, s0  }
0xbd: {  	s0 =	sadd.s32 $0x8F2B, s0  }
0xbe: {  	[sflag:s0] =	ssyncadd.remote.s32 $0x1  }
0xbf: {  	_ =	sfence.sel $0xFFFF  }
0xc0: {  	[dreg:$0x0] =	wrdreg $0xFFFFFFFF;
	(pc) =	sbr.abs _section_cstart, $3  }
0xc1: {  	[dreg:$0x1] =	wrdreg $0xFFFFFFFF  }
0xc2: {  	_ =	task.clear_ibuf [dreg:s7], $0x2FFFF;
	_ =	strace $0x9FFFFFFF  }
0xc3: {  	(tm) =	ssettm $0x7FFFFFFF  }
tec
execute0_lowered:
.L_overlay_start_1:
0x0: {  	(tag) =	ssettag $0x1  }
0x1: {  	s3 =	rddreg [dreg:$0x0]  }
0x2: {  	s5 =	rddreg [dreg:$0x1]  }
0x3: {  	s1 =	rddreg [dreg:$0x2];
	s4 =	srdreg.scid  }
0x4: {  	s0 =	stileid.u32;
	s2 =	simm.s32 $0x0;
	s20 =	simm.s32 $0xF80  }
0x5: {  	s28 =	simm.s32 $0x580;
	s29 =	simm.s32 $0x5F80;
	s6 =	smul.u32 $0x186A, s0  }
0x6: {  	s30 =	simm.s32 $0x600;
	s31 =	simm.s32 $0x6780;
	s9 =	smul.u32 $0x186, s0  }
0x7: {  	s4 =	sand.u32 $0x1, s4;
	[smem:$0x7FF] =	sst s2;
	s22 =	smul.u32 $0x30D40, s0  }
0x8: {  	s8 =	sadd.s32 $0x1600, s3;
	s10 =	sadd.s32 $0x188000, s3;
	s14 =	smul.u32 $0xC300, s0  }
0x9: {  	s21 =	smin.u32 s0, $0xA;
	s26 =	sshll.u32 s0, $0x6;
	s16 =	smul.u32 $0x18600, s0  }
0xa: {  	p0 =	sne.s32 s0, $0x0;
	p1 =	sgt.u32 s0, $0x9;
	s0 =	simm.s32 $0x680  }
0xb: {  	s7 =	smul.u32 $0x186A0, s4;
	_ =	strace $0x80000050;
	[dreg:$0xc] =	wrdreg s10  }
0xc: {  	s23 =	ssub.s32 $0x2, s4;
	s11 =	smul.u32 $0xC3500, s4;
	s4 =	sor.u32 $0x1C02, s26  }
0xd: {  	s15 =	sshll.u32 s21, $0x7;
	[dreg:$0x5] =	wrdreg s20;
	s26 =	simm.s32 $0x2780  }
0xe: {  	s20 =	simm.s32 $0x3F80;
	s9 =	sadd.s32 s21, s9;
	[dreg:$0xb] =	wrdreg s26  }
0xf: {  	s24 =	sshrl.u32 s23, $0x1;
	s26 =	simm.s32 $0x5780;
	[dreg:$0xd] =	wrdreg s4  }
0x10: {  	s6 =	sadd.s32 s6, s7;
	s9 =	sadd.s32 $0x186, s9;
	s10 =	ssub.s32 s23, s24  }
0x11: {  	s7 =	sshll.u32 s21, $0x8;
	s21 =	simm.s32 $0x100;
	s23 =	simm.s32 $0x180  }
0x12: {  	s24 =	simm.s32 $0x1F80;
	s3 =	sadd.s32 s6, s3;
	s6 =	sshrl.u32 s22, $0x2  }
0x13: {  	s12 =	sshll.u32 s9, $0x7;
	s9 =	sshll.u32 s9, $0x8;
	[dreg:$0x6] =	wrdreg s21  }
0x14: {  	s17 =	smax.u32 s10, $0x1;
	s22 =	simm.s32 $0x1780;
	[dreg:$0x8] =	wrdreg s23  }
0x15: {  	[dreg:$0x9] =	wrdreg s24;
	s21 =	simm.s32 $0x400;
	s23 =	simm.s32 $0x480  }
0x16: {  	s24 =	simm.s32 $0x4F80;
	s10 =	simm.s32 $0x0;
	s6 =	sadd.s32 s6, s1  }
0x17: {  	s25 =	sadd.s32 s11, s12;
	s12 =	sadd.s32 $0xC3500, s1;
	s11 =	sadd.s32 s14, s11  }
0x18: {  	s9 =	sadd.s32 s8, s9;
	s3 =	sadd.s32 $0x189A00, s3;
	[dreg:$0x11] =	wrdreg s17  }
0x19: {  	s8 =	sadd.s32 s16, s8;
	[dreg:$0x7] =	wrdreg s22;
	s14 =	simm.s32 $0x80  }
0x1a: {  	s16 =	simm.s32 $0x2F80;
	s17 =	simm.s32 $0x300;
	s22 =	simm.s32 $0x4780  }
0x1b: {  	s13 =	sshrl.u32 s25, $0x3;
	[dreg:$0xf] =	wrdreg s9;
	s11 =	sadd.s32 s15, s11  }
0x1c: {  	[dreg:$0x10] =	wrdreg s3;
	s19 =	sadd.s32 s7, s8;
	s9 =	sshrl.u32 s6, $0x3  }
0x1d: {  	s25 =	simm.s32 $0x200;
	s15 =	simm.s32 $0x280;
	s6 =	simm.s32 $0x700  }
0x1e: {  	s7 =	simm.s32 $0x7780;
	s8 =	simm.s32 $0x1;
	[dreg:$0x12] =	wrdreg s19  }
0x1f: {  	s13 =	sadd.s32 s5, s13;
	s18 =	sshrl.u32 s11, $0x3;
	[dreg:$0xa] =	wrdreg s25  }
0x20: {  	s11 =	simm.s32 $0x2;
	s19 =	simm.s32 $0x380;
	[dreg:$0x13] =	wrdreg s9  }
0x21: {  	s25 =	simm.s32 $0x500;
	[dreg:$0xe] =	wrdreg s13;
	s3 =	sadd.s32 s18, s5  }
0x22: {  	s5 =	sshrl.u32 @!p0 s12, $0x3;
	s13 =	simm.s32 $0x780;
	[dreg:$0x4] =	wrdreg s3  }
0x23: {  	s18 =	simm.s32 $0x3780;
	[dreg:$0x14] =	wrdreg s5;
	s5 =	simm.s32 $0x6F80  }
.LBB2_1:
0x24: {  	[dreg:$0x15] =	wrdreg s10  }
0x25: {  	s3 =	rddreg [dreg:$0xc]  }
0x26: {  	[spmem:s9], [sflag:s4] =	dma.local [hbm:s3], $0x186A  }
0x27: {  	_ =	swait.ge [sflag:s11], $0x186A  }
0x28: {  	[sflag:s11] =	ssyncset.done $0x0  }
0x29: {  	s9 =	rddreg [dreg:$0x14];
	[sflag:s11] =	ssyncadd.s32 $0xFFFFE796  }
0x2a: {  	[spmem:s9], [sflag:s4] =	dma.local @!p0 [hbm:s3], $0x100  }
0x2b: {  	s3 =	simm.s32 @!p0 $0x2  }
0x2c: {  	_ =	swait.ge @!p0 [sflag:s3], $0x100  }
0x2d: {  	[sflag:s3] =	ssyncset.done @!p0 $0x0  }
0x2e: {  	[sflag:s3] =	ssyncadd.s32 @!p0 $0xFFFFFF00  }
0x2f: {  	[bflag:$0x0] =	sbarrier.arrive $0xFFFF  }
0x30: {  	s12 =	rddreg [dreg:$0x4]  }
0x31: {  	s3 =	sadd.s32 $0x0, s12  }
0x32: {  	[tilespmem:s2], [sflag:$0x2] =	stream.linear.gather [hbm4b:s3+s2], $0x780, $0x38;
	[tilespmem:$0x14350] =	vst v63  }
0x33: {  	_ =	swait.ge [sflag:s11], $0x780  }
0x34: {  	[sflag:s11] =	ssyncset.done $0x0  }
0x35: {  	s12 =	rddreg [dreg:$0x12];
	[sflag:s11] =	ssyncadd.s32 $0xFFFFF880  }
0x36: {  	[tilespmem:s13], [sflag:$0x2] =	stream.linear.gather [hbm4b:s12+s2], $0x7800, $0x38;
	[tilespmem:$0x14350] =	vst v63  }
0x37: {  	_ =	swait.ge [sflag:s11], $0x7800  }
0x38: {  	s3 =	rddreg [dreg:$0x6]  }
0x39: {  	[sflag:s11] =	ssyncset.done $0x0;
	s9 =	rddreg [dreg:$0x5]  }
0x3a: {  	s10 =	rddreg [dreg:$0x7];
	[sflag:s11] =	ssyncadd.s32 $0xFFFF8800  }
0x3b: {  	[spmem:s1] =	stream.indirect.scatter.add.f32 [tilespmem:s13], [sflag:$0x1], $0x10, s2, s14, $0xb8;
	[tilespmem:$0x14350] =	vst v63  }
0x3c: {  	s4 =	rddreg [dreg:$0x9]  }
0x3d: {  	[spmem:s1] =	stream.indirect.scatter.add.f32 [tilespmem:s9], [sflag:$0x1], $0x10, s14, s14, $0xb8;
	[tilespmem:$0x14350] =	vst v63  }
0x3e: {  	s9 =	rddreg [dreg:$0x8]  }
0x3f: {  	[spmem:s1] =	stream.indirect.scatter.add.f32 [tilespmem:s10], [sflag:$0x1], $0x10, s3, s14, $0xb8;
	[tilespmem:$0x14350] =	vst v63  }
0x40: {  	s3 =	rddreg [dreg:$0xb]  }
0x41: {  	[spmem:s1] =	stream.indirect.scatter.add.f32 [tilespmem:s4], [sflag:$0x1], $0x10, s9, s14, $0xb8;
	[tilespmem:$0x14350] =	vst v63  }
0x42: {  	s10 =	rddreg [dreg:$0xa]  }
0x43: {  	[spmem:s1] =	stream.indirect.scatter.add.f32 [tilespmem:s3], [sflag:$0x1], $0x10, s10, s14, $0xb8;
	[tilespmem:$0x14350] =	vst v63  }
0x44: {  	_ = 	snop  }
0x45: {  	[spmem:s1] =	stream.indirect.scatter.add.f32 [tilespmem:s16], [sflag:$0x1], $0x10, s15, s14, $0xb8;
	[tilespmem:$0x14350] =	vst v63  }
0x46: {  	_ = 	snop  }
0x47: {  	[spmem:s1] =	stream.indirect.scatter.add.f32 [tilespmem:s18], [sflag:$0x1], $0x10, s17, s14, $0xb8;
	[tilespmem:$0x14350] =	vst v63  }
0x48: {  	_ = 	snop  }
0x49: {  	[spmem:s1] =	stream.indirect.scatter.add.f32 [tilespmem:s20], [sflag:$0x1], $0x10, s19, s14, $0xb8;
	[tilespmem:$0x14350] =	vst v63  }
0x4a: {  	_ = 	snop  }
0x4b: {  	[spmem:s1] =	stream.indirect.scatter.add.f32 [tilespmem:s22], [sflag:$0x1], $0x10, s21, s14, $0xb8;
	[tilespmem:$0x14350] =	vst v63  }
0x4c: {  	_ = 	snop  }
0x4d: {  	[spmem:s1] =	stream.indirect.scatter.add.f32 [tilespmem:s24], [sflag:$0x1], $0x10, s23, s14, $0xb8;
	[tilespmem:$0x14350] =	vst v63  }
0x4e: {  	_ = 	snop  }
0x4f: {  	[spmem:s1] =	stream.indirect.scatter.add.f32 [tilespmem:s26], [sflag:$0x1], $0x10, s25, s14, $0xb8;
	[tilespmem:$0x14350] =	vst v63  }
0x50: {  	_ = 	snop  }
0x51: {  	[spmem:s1] =	stream.indirect.scatter.add.f32 [tilespmem:s29], [sflag:$0x1], $0x10, s28, s14, $0xb8;
	[tilespmem:$0x14350] =	vst v63  }
0x52: {  	_ = 	snop  }
0x53: {  	[spmem:s1] =	stream.indirect.scatter.add.f32 [tilespmem:s31], [sflag:$0x1], $0x10, s30, s14, $0xb8;
	[tilespmem:$0x14350] =	vst v63  }
0x54: {  	_ = 	snop  }
0x55: {  	[spmem:s1] =	stream.indirect.scatter.add.f32 [tilespmem:s5], [sflag:$0x1], $0x10, s0, s14, $0xb8;
	[tilespmem:$0x14350] =	vst v63  }
0x56: {  	_ = 	snop  }
0x57: {  	[spmem:s1] =	stream.indirect.scatter.add.f32 [tilespmem:s7], [sflag:$0x1], $0x10, s6, s14, $0xb8;
	[tilespmem:$0x14350] =	vst v63  }
0x58: {  	_ =	swait.ge [sflag:s8], $0x800  }
0x59: {  	[sflag:s8] =	ssyncset.done $0x0  }
0x5a: {  	[sflag:s8] =	ssyncadd.s32 $0xFFFFF800  }
0x5b: {  	_ =	swait.ge [sflag:s8], $0x800  }
0x5c: {  	[sflag:s8] =	ssyncset.done $0x0  }
0x5d: {  	[sflag:s8] =	ssyncadd.s32 $0xFFFFF800  }
0x5e: {  	_ =	swait.ge [sflag:s8], $0x800  }
0x5f: {  	[sflag:s8] =	ssyncset.done $0x0  }
0x60: {  	[sflag:s8] =	ssyncadd.s32 $0xFFFFF800  }
0x61: {  	_ =	swait.ge [sflag:s8], $0x800  }
0x62: {  	[sflag:s8] =	ssyncset.done $0x0  }
0x63: {  	[sflag:s8] =	ssyncadd.s32 $0xFFFFF800  }
0x64: {  	_ =	swait.ge [sflag:s8], $0x800  }
0x65: {  	[sflag:s8] =	ssyncset.done $0x0  }
0x66: {  	[sflag:s8] =	ssyncadd.s32 $0xFFFFF800  }
0x67: {  	_ =	swait.ge [sflag:s8], $0x800  }
0x68: {  	[sflag:s8] =	ssyncset.done $0x0  }
0x69: {  	[sflag:s8] =	ssyncadd.s32 $0xFFFFF800  }
0x6a: {  	_ =	swait.ge [sflag:s8], $0x800  }
0x6b: {  	[sflag:s8] =	ssyncset.done $0x0  }
0x6c: {  	[sflag:s8] =	ssyncadd.s32 $0xFFFFF800  }
0x6d: {  	_ =	swait.ge [sflag:s8], $0x800  }
0x6e: {  	[sflag:s8] =	ssyncset.done $0x0  }
0x6f: {  	[sflag:s8] =	ssyncadd.s32 $0xFFFFF800  }
0x70: {  	_ =	swait.ge [sflag:s8], $0x800  }
0x71: {  	[sflag:s8] =	ssyncset.done $0x0  }
0x72: {  	[sflag:s8] =	ssyncadd.s32 $0xFFFFF800  }
0x73: {  	_ =	swait.ge [sflag:s8], $0x800  }
0x74: {  	[sflag:s8] =	ssyncset.done $0x0  }
0x75: {  	[sflag:s8] =	ssyncadd.s32 $0xFFFFF800  }
0x76: {  	_ =	swait.ge [sflag:s8], $0x800  }
0x77: {  	[sflag:s8] =	ssyncset.done $0x0  }
0x78: {  	[sflag:s8] =	ssyncadd.s32 $0xFFFFF800  }
0x79: {  	_ =	swait.ge [sflag:s8], $0x800  }
0x7a: {  	[sflag:s8] =	ssyncset.done $0x0  }
0x7b: {  	[sflag:s8] =	ssyncadd.s32 $0xFFFFF800  }
0x7c: {  	_ =	swait.ge [sflag:s8], $0x800  }
0x7d: {  	[sflag:s8] =	ssyncset.done $0x0  }
0x7e: {  	[sflag:s8] =	ssyncadd.s32 $0xFFFFF800  }
0x7f: {  	_ =	swait.ge [sflag:s8], $0x800  }
0x80: {  	[sflag:s8] =	ssyncset.done $0x0  }
0x81: {  	s9 =	smov.u32 s12;
	s3 =	simm.s32 $0xF0;
	[sflag:s8] =	ssyncadd.s32 $0xFFFFF800  }
.LBB2_2:
0x82: {  	_ =	swait.ge [sflag:s8], $0x800  }
0x83: {  	s4 =	smov.u32 s3;
	s10 =	rddreg [dreg:$0x4];
	[sflag:s8] =	ssyncset.done $0x0  }
0x84: {  	[sflag:s8] =	ssyncadd.s32 $0xFFFFF800;
	s4 =	sadd.s32 s4, s10  }
0x85: {  	[tilespmem:s2], [sflag:$0x2] =	stream.linear.gather [hbm4b:s4+s2], $0x780, $0x38;
	[tilespmem:$0x14350] =	vst v63  }
0x86: {  	_ =	swait.ge [sflag:s11], $0x780  }
0x87: {  	[sflag:s11] =	ssyncset.done $0x0  }
0x88: {  	s9 =	sadd.s32 $0xF00, s9;
	[sflag:s11] =	ssyncadd.s32 $0xFFFFF880  }
0x89: {  	[tilespmem:s13], [sflag:$0x2] =	stream.linear.gather [hbm4b:s9+s2], $0x7800, $0x38;
	[tilespmem:$0x14350] =	vst v63  }
0x8a: {  	_ =	swait.ge [sflag:s11], $0x7800  }
0x8b: {  	s4 =	rddreg [dreg:$0xb]  }
0x8c: {  	[sflag:s11] =	ssyncset.done $0x0;
	s10 =	rddreg [dreg:$0x6]  }
0x8d: {  	s12 =	rddreg [dreg:$0x5];
	[sflag:s11] =	ssyncadd.s32 $0xFFFF8800  }
0x8e: {  	[spmem:s1] =	stream.indirect.scatter.add.f32 [tilespmem:s13], [sflag:$0x1], $0x10, s2, s14, $0xb8;
	[tilespmem:$0x14350] =	vst v63  }
0x8f: {  	s15 =	rddreg [dreg:$0x7]  }
0x90: {  	[spmem:s1] =	stream.indirect.scatter.add.f32 [tilespmem:s12], [sflag:$0x1], $0x10, s14, s14, $0xb8;
	[tilespmem:$0x14350] =	vst v63  }
0x91: {  	s16 =	rddreg [dreg:$0x9]  }
0x92: {  	[spmem:s1] =	stream.indirect.scatter.add.f32 [tilespmem:s15], [sflag:$0x1], $0x10, s10, s14, $0xb8;
	[tilespmem:$0x14350] =	vst v63  }
0x93: {  	s12 =	rddreg [dreg:$0x8]  }
0x94: {  	[spmem:s1] =	stream.indirect.scatter.add.f32 [tilespmem:s16], [sflag:$0x1], $0x10, s12, s14, $0xb8;
	[tilespmem:$0x14350] =	vst v63  }
0x95: {  	s10 =	rddreg [dreg:$0xa]  }
0x96: {  	[spmem:s1] =	stream.indirect.scatter.add.f32 [tilespmem:s4], [sflag:$0x1], $0x10, s10, s14, $0xb8;
	[tilespmem:$0x14350] =	vst v63  }
0x97: {  	s15 =	simm.s32 $0x280;
	s16 =	simm.s32 $0x2F80  }
0x98: {  	[spmem:s1] =	stream.indirect.scatter.add.f32 [tilespmem:s16], [sflag:$0x1], $0x10, s15, s14, $0xb8;
	[tilespmem:$0x14350] =	vst v63  }
0x99: {  	_ = 	snop  }
0x9a: {  	[spmem:s1] =	stream.indirect.scatter.add.f32 [tilespmem:s18], [sflag:$0x1], $0x10, s17, s14, $0xb8;
	[tilespmem:$0x14350] =	vst v63  }
0x9b: {  	_ = 	snop  }
0x9c: {  	[spmem:s1] =	stream.indirect.scatter.add.f32 [tilespmem:s20], [sflag:$0x1], $0x10, s19, s14, $0xb8;
	[tilespmem:$0x14350] =	vst v63  }
0x9d: {  	_ = 	snop  }
0x9e: {  	[spmem:s1] =	stream.indirect.scatter.add.f32 [tilespmem:s22], [sflag:$0x1], $0x10, s21, s14, $0xb8;
	[tilespmem:$0x14350] =	vst v63  }
0x9f: {  	_ = 	snop  }
0xa0: {  	[spmem:s1] =	stream.indirect.scatter.add.f32 [tilespmem:s24], [sflag:$0x1], $0x10, s23, s14, $0xb8;
	[tilespmem:$0x14350] =	vst v63  }
0xa1: {  	_ = 	snop  }
0xa2: {  	[spmem:s1] =	stream.indirect.scatter.add.f32 [tilespmem:s26], [sflag:$0x1], $0x10, s25, s14, $0xb8;
	[tilespmem:$0x14350] =	vst v63  }
0xa3: {  	_ = 	snop  }
0xa4: {  	[spmem:s1] =	stream.indirect.scatter.add.f32 [tilespmem:s29], [sflag:$0x1], $0x10, s28, s14, $0xb8;
	[tilespmem:$0x14350] =	vst v63  }
0xa5: {  	_ = 	snop  }
0xa6: {  	[spmem:s1] =	stream.indirect.scatter.add.f32 [tilespmem:s31], [sflag:$0x1], $0x10, s30, s14, $0xb8;
	[tilespmem:$0x14350] =	vst v63  }
0xa7: {  	_ = 	snop  }
0xa8: {  	[spmem:s1] =	stream.indirect.scatter.add.f32 [tilespmem:s5], [sflag:$0x1], $0x10, s0, s14, $0xb8;
	[tilespmem:$0x14350] =	vst v63  }
0xa9: {  	_ = 	snop  }
0xaa: {  	[spmem:s1] =	stream.indirect.scatter.add.f32 [tilespmem:s7], [sflag:$0x1], $0x10, s6, s14, $0xb8;
	[tilespmem:$0x14350] =	vst v63  }
0xab: {  	_ =	swait.ge [sflag:s8], $0x800  }
0xac: {  	[sflag:s8] =	ssyncset.done $0x0  }
0xad: {  	[sflag:s8] =	ssyncadd.s32 $0xFFFFF800  }
0xae: {  	_ =	swait.ge [sflag:s8], $0x800  }
0xaf: {  	[sflag:s8] =	ssyncset.done $0x0  }
0xb0: {  	[sflag:s8] =	ssyncadd.s32 $0xFFFFF800  }
0xb1: {  	_ =	swait.ge [sflag:s8], $0x800  }
0xb2: {  	[sflag:s8] =	ssyncset.done $0x0  }
0xb3: {  	[sflag:s8] =	ssyncadd.s32 $0xFFFFF800  }
0xb4: {  	_ =	swait.ge [sflag:s8], $0x800  }
0xb5: {  	[sflag:s8] =	ssyncset.done $0x0  }
0xb6: {  	[sflag:s8] =	ssyncadd.s32 $0xFFFFF800  }
0xb7: {  	_ =	swait.ge [sflag:s8], $0x800  }
0xb8: {  	[sflag:s8] =	ssyncset.done $0x0  }
0xb9: {  	[sflag:s8] =	ssyncadd.s32 $0xFFFFF800  }
0xba: {  	_ =	swait.ge [sflag:s8], $0x800  }
0xbb: {  	[sflag:s8] =	ssyncset.done $0x0  }
0xbc: {  	[sflag:s8] =	ssyncadd.s32 $0xFFFFF800  }
0xbd: {  	_ =	swait.ge [sflag:s8], $0x800  }
0xbe: {  	[sflag:s8] =	ssyncset.done $0x0  }
0xbf: {  	[sflag:s8] =	ssyncadd.s32 $0xFFFFF800  }
0xc0: {  	_ =	swait.ge [sflag:s8], $0x800  }
0xc1: {  	[sflag:s8] =	ssyncset.done $0x0  }
0xc2: {  	[sflag:s8] =	ssyncadd.s32 $0xFFFFF800  }
0xc3: {  	_ =	swait.ge [sflag:s8], $0x800  }
0xc4: {  	[sflag:s8] =	ssyncset.done $0x0  }
0xc5: {  	[sflag:s8] =	ssyncadd.s32 $0xFFFFF800  }
0xc6: {  	_ =	swait.ge [sflag:s8], $0x800  }
0xc7: {  	[sflag:s8] =	ssyncset.done $0x0  }
0xc8: {  	[sflag:s8] =	ssyncadd.s32 $0xFFFFF800  }
0xc9: {  	_ =	swait.ge [sflag:s8], $0x800  }
0xca: {  	[sflag:s8] =	ssyncset.done $0x0  }
0xcb: {  	[sflag:s8] =	ssyncadd.s32 $0xFFFFF800  }
0xcc: {  	_ =	swait.ge [sflag:s8], $0x800  }
0xcd: {  	[sflag:s8] =	ssyncset.done $0x0  }
0xce: {  	[sflag:s8] =	ssyncadd.s32 $0xFFFFF800  }
0xcf: {  	p2 =	sne.s32 s3, $0x1770;
	_ =	swait.ge [sflag:s8], $0x800  }
.Ltmp0:
0xd0: {  	[sflag:s8] =	ssyncset.done $0x0;
	(pc) =	sbr.rel @p2 .LBB2_2-.Ltmp0, $4  }
0xd1: {  	[sflag:s8] =	ssyncadd.s32 $0xFFFFF800  }
0xd2: {  	_ =	swait.ge [sflag:s8], $0x800  }
0xd3: {  	[sflag:s8] =	ssyncset.done $0x0  }
0xd4: {  	s3 =	sadd.s32 $0xF0, s3;
	[sflag:s8] =	ssyncadd.s32 $0xFFFFF800  }
0xd5: {  	_ =	swait.ge [sflag:s8], $0x800  }
0xd6: {  	[sflag:s8] =	ssyncset.done $0x0  }
0xd7: {  	s3 =	simm.s32 @!p1 $0x0;
	s4 =	rddreg [dreg:$0xe];
	[sflag:s8] =	ssyncadd.s32 $0xFFFFF800  }
0xd8: {  	[tilespmem:s3], [sflag:$0x2] =	stream.linear.gather @!p1 [hbm4b:s4+s3], $0x80, $0x38;
	[tilespmem:$0x14350] =	vst v63  }
0xd9: {  	s4 =	simm.s32 @!p1 $0x2  }
0xda: {  	_ =	swait.ge @!p1 [sflag:s4], $0x80  }
0xdb: {  	[sflag:s4] =	ssyncset.done @!p1 $0x0  }
0xdc: {  	s9 =	simm.s32 @!p1 $0x780;
	s10 =	rddreg [dreg:$0xf];
	[sflag:s4] =	ssyncadd.s32 @!p1 $0xFFFFFF80  }
0xdd: {  	[tilespmem:s9], [sflag:$0x2] =	stream.linear.gather @!p1 [hbm4b:s10+s3], $0x800, $0x38;
	[tilespmem:$0x14350] =	vst v63  }
0xde: {  	_ =	swait.ge @!p1 [sflag:s4], $0x800  }
0xdf: {  	[sflag:s4] =	ssyncset.done @!p1 $0x0  }
0xe0: {  	s10 =	simm.s32 @!p1 $0x80;
	[sflag:s4] =	ssyncadd.s32 @!p1 $0xFFFFF800  }
0xe1: {  	[spmem:s1] =	stream.indirect.scatter.add.f32 @!p1 [tilespmem:s9], [sflag:$0x2], $0x10, s3, s10, $0xb8;
	[tilespmem:$0x14350] =	vst v63  }
0xe2: {  	_ =	swait.ge @!p1 [sflag:s4], $0x800  }
0xe3: {  	[sflag:s4] =	ssyncset.done @!p1 $0x0  }
0xe4: {  	[sflag:s4] =	ssyncadd.s32 @!p1 $0xFFFFF800  }
0xe5: {  	[bflag:$0x0] =	sbarrier.arrive $0xFFFF  }
0xe6: {  	s4 =	rddreg [dreg:$0xd]  }
0xe7: {  	s12 =	rddreg [dreg:$0x10]  }
0xe8: {  	s9 =	rddreg [dreg:$0x13]  }
0xe9: {  	[hbm:s12], [sflag:s4] =	dma.local [spmem:s9], $0x186A  }
0xea: {  	_ =	swait.ge [sflag:s11], $0x186A  }
0xeb: {  	s3 =	rddreg [dreg:$0x15]  }
0xec: {  	s12 =	rddreg [dreg:$0x11];
	s10 =	sadd.s32 $0x1, s3  }
0xed: {  	p2 =	sne.s32 s10, s12  }
.Ltmp1:
0xee: {  	_ = 	snop;
	(pc) =	sbr.rel @p2 .LBB2_1-.Ltmp1, $3  }
0xef: {  	_ =	sdelay $0x1  }
0xf0: {  	[sflag:s11] =	ssyncset.done $0x0  }
0xf1: {  	[sflag:s11] =	ssyncadd.s32 $0xFFFFE796  }
0xf2: {  	_ =	sfence.sel $0x180000  }
0xf3: {  	[bflag:$0x0] =	sbarrier.arrive $0xFFFF  }
0xf4: {  	_ =	strace $0x90000050  }
0xf5: {  	[bflag:$0x2] =	sbarrier.arrive $0xFFFF  }
0xf6: {  	s0 =	rddreg [dreg:$0x3]  }
0xf7: {  	s0 =	sadd.s32 @!p0 $0x100000, s0  }
0xf8: {  	[sflag:s0] =	ssyncadd.tile.s32 @!p0 $0x1;
	_ =	shalt  }
.Lfunc_end2:
_tile_overlayer_lowered:
.L_overlay_start_2:
0xf9: {  	(tag) =	ssettag $0x2  }
0xfa: {  	s0 =	rddreg [dreg:$0x0];
	s2 =	stileid.u32  }
0xfb: {  	s1 =	rddreg [dreg:$0x1];
	p0 =	sne.s32 s2, $0x0  }
0xfc: {  	s3 =	rddreg [dreg:$0x2];
	[bflag:$0x3] =	sbarrier.arrive $0xFFFF;
	s2 =	simm.s32 @!p0 $0x1C02  }
0xfd: {  	[timem:s3], [sflag:s2] =	dma.local @!p0 [hbm:s0], s1  }
0xfe: {  	s0 =	simm.s32 @!p0 $0x2  }
0xff: {  	_ =	swait.ge @!p0 [sflag:s0], s1  }
0x100: {  	s1 =	ssub.s32 @!p0 $0x0, s1;
	[sflag:s0] =	ssyncset.done @!p0 $0x0  }
0x101: {  	[sflag:s0] =	ssyncadd.s32 @!p0 s1  }
0x102: {  	[bflag:$0x3] =	sbarrier.arrive $0xFFFF  }
0x103: {  	_ =	shalt  }

// kernel: kernel.7.cloned.1.call-start
scs
__scs_entry_jumppad:
0x0: {  	(pc) =	sbr.rel $0x88, $3  }
0x1: {  	(tag) =	ssettag $0x0;
	lr =	simm.s32 $0x1  }
0x2: {  	[smem:$0x3F9C] =	sst lr;
	_ =	strace $0xD0000000  }
0x3: {  	_ = 	snop  }
0x4: {  	_ = 	snop  }
0x5: {  	_ = 	snop  }
0x6: {  	_ = 	snop  }
0x7: {  	_ = 	snop  }
__scs_overlays_trampoline_lowered:
0x8: {  	[smem:$0x3FAB] =	sst s0  }
0x9: {  	[smem:$0x3FAC] =	sst s1  }
0xa: {  	[smem:$0x3FAD] =	sst s2  }
0xb: {  	[smem:$0x3FAE] =	sst s3  }
0xc: {  	[smem:$0x3FAF] =	sst s4  }
0xd: {  	[smem:$0x3FB0] =	sst s5  }
0xe: {  	[smem:$0x3FB1] =	sst s6  }
0xf: {  	[smem:$0x3FB2] =	sst s7  }
0x10: {  	[smem:$0x3FB3] =	sst s8  }
0x11: {  	[smem:$0x3FB4] =	sst s9;
	s0 =	simm.s32 @!p0 $0x0  }
0x12: {  	s1 =	sld [smem:$0x3F9A];
	s0 =	simm.s32 @p0 $0x1  }
0x13: {  	[smem:$0x3FB5] =	sst s0;
	s0 =	simm.s32 @!p1 $0x0  }
0x14: {  	s2 =	sld [smem:$0x3F99];
	s0 =	simm.s32 @p1 $0x1  }
0x15: {  	[smem:$0x3FB6] =	sst s0;
	s0 =	simm.s32 @!p2 $0x0  }
0x16: {  	s3 =	sld [smem:$0x3FDB];
	s0 =	simm.s32 @p2 $0x1  }
0x17: {  	s4 =	simm.s32 $0x1BF5;
	[smem:$0x3FB8] =	sst s0  }
0x18: {  	s0 =	sld [smem:$0x3F9B];
	_ =	swait.ge [sflag:s4], $0x0  }
0x19: {  	s7 =	sld [smem:$0x3F9C]  }
0x1a: {  	s8 =	sadd.s32 $0xFFFFE003, lr  }
0x1b: {  	s9 =	sadd.s32 $0xFFFFFEF7, lr;
	s5 =	simm.s32 $0xFFFFFFFF;
	p2 =	slt.u32 s8, $0xFFFFF086  }
0x1c: {  	p1 =	slt.u32 s9, $0xF7A;
	s5 =	simm.s32 @!p2 $0x0  }
0x1d: {  	s5 =	simm.s32 @p1 $0x1;
	p0 =	seq.s32 s7, s2  }
0x1e: {  	s7 =	smul.u32 @!p0 $0xF7A, s2;
	p2 =	seq.s32 @!p0 s5, $0x0  }
0x1f: {  	s9 =	smul.u32 $0xF7A, s1;
	s8 =	simm.s32 @!p0 $0x1BF5;
	p2 =	por !p2, p0  }
0x20: {  	[sflag:s8] =	ssyncset.s32 @!p0 $0xFFFFF086;
	s6 =	sadd.s32 @!p0 s3, s7;
	s7 =	simm.s32 @!p0 $0x108  }
0x21: {  	s3 =	sadd.s32 s3, s9;
	s6 =	sadd.s32 @!p0 $0x88, s6;
	s7 =	simm.s32 @p2 $0x1082  }
0x22: {  	[simem:s7], [sflag:s8] =	dma.local @!p0 [hbm:s6], $0xF7A  }
0x23: {  	s9 =	sor.u32 $0xD0000000, s2;
	s6 =	simm.s32 $0x108;
	_ =	swait.ge @!p0 [sflag:s8], $0x0  }
0x24: {  	s3 =	sadd.s32 $0x88, s3;
	s6 =	simm.s32 @!p1 $0x1082;
	[sflag:s4] =	ssyncset.s32 $0xFFFFF086  }
0x25: {  	[simem:s6], [sflag:s4] =	dma.local [hbm:s3], $0xF7A  }
0x26: {  	[smem:$0x3F9C] =	sst s1;
	(tag) =	ssettag s2;
	_ =	strace s9  }
0x27: {  	s1 =	sld [smem:$0x3FAC]  }
0x28: {  	s2 =	sld [smem:$0x3FAD]  }
0x29: {  	s4 =	sld [smem:$0x3FAF]  }
0x2a: {  	p0 =	seq.s32 s5, $0x0;
	s5 =	sld [smem:$0x3FB0]  }
0x2b: {  	s6 =	sld [smem:$0x3FB1]  }
0x2c: {  	s7 =	sld [smem:$0x3FB2]  }
0x2d: {  	s3 =	simm.s32 $0x108;
	s8 =	sld [smem:$0x3FB3]  }
0x2e: {  	s3 =	simm.s32 @!p0 $0x1082;
	s9 =	sld [smem:$0x3FB4]  }
0x2f: {  	lr =	sadd.s32 s0, s3;
	s0 =	sld [smem:$0x3FAB]  }
0x30: {  	s3 =	sld [smem:$0x3FAE]  }
0x31: {  	[smem:$0x3FB7] =	sst s10  }
0x32: {  	s10 =	sld [smem:$0x3FB5];
	_ =	sdelay $0x3  }
0x33: {  	p0 =	seq.s32 s10, $0x1;
	s10 =	sld [smem:$0x3FB7];
	_ =	sdelay $0x3  }
0x34: {  	[smem:$0x3FB7] =	sst s10  }
0x35: {  	s10 =	sld [smem:$0x3FB6];
	_ =	sdelay $0x3  }
0x36: {  	p1 =	seq.s32 s10, $0x1;
	s10 =	sld [smem:$0x3FB7];
	_ =	sdelay $0x3  }
0x37: {  	[smem:$0x3FB7] =	sst s10  }
0x38: {  	s10 =	sld [smem:$0x3FB8]  }
0x39: {  	_ = 	snop;
	(pc) =	sbr.ind lr, $3  }
0x3a: {  	_ = 	snop  }
0x3b: {  	_ = 	snop  }
0x3c: {  	p2 =	seq.s32 s10, $0x1;
	s10 =	sld [smem:$0x3FB7]  }
0x3d: {  	_ =	shalt  }
0x3e: {  	_ =	shalt  }
0x3f: {  	_ =	shalt  }
0x40: {  	_ =	shalt  }
0x41: {  	_ =	shalt  }
0x42: {  	_ =	shalt  }
0x43: {  	_ =	shalt  }
0x44: {  	_ =	shalt  }
0x45: {  	_ =	shalt  }
0x46: {  	_ =	shalt  }
0x47: {  	_ =	shalt  }
0x48: {  	_ =	shalt  }
0x49: {  	_ =	shalt  }
0x4a: {  	_ =	shalt  }
0x4b: {  	_ =	shalt  }
0x4c: {  	_ =	shalt  }
0x4d: {  	_ =	shalt  }
0x4e: {  	_ =	shalt  }
0x4f: {  	_ =	shalt  }
0x50: {  	_ =	shalt  }
0x51: {  	_ =	shalt  }
0x52: {  	_ =	shalt  }
0x53: {  	_ =	shalt  }
0x54: {  	_ =	shalt  }
0x55: {  	_ =	shalt  }
0x56: {  	_ =	shalt  }
0x57: {  	_ =	shalt  }
0x58: {  	_ =	shalt  }
0x59: {  	_ =	shalt  }
0x5a: {  	_ =	shalt  }
0x5b: {  	_ =	shalt  }
0x5c: {  	_ =	shalt  }
0x5d: {  	_ =	shalt  }
0x5e: {  	_ =	shalt  }
0x5f: {  	_ =	shalt  }
0x60: {  	_ =	shalt  }
0x61: {  	_ =	shalt  }
0x62: {  	_ =	shalt  }
0x63: {  	_ =	shalt  }
0x64: {  	_ =	shalt  }
0x65: {  	_ =	shalt  }
0x66: {  	_ =	shalt  }
0x67: {  	_ =	shalt  }
0x68: {  	_ =	shalt  }
0x69: {  	_ =	shalt  }
0x6a: {  	_ =	shalt  }
0x6b: {  	_ =	shalt  }
0x6c: {  	_ =	shalt  }
0x6d: {  	_ =	shalt  }
0x6e: {  	_ =	shalt  }
0x6f: {  	_ =	shalt  }
0x70: {  	_ =	shalt  }
0x71: {  	_ =	shalt  }
0x72: {  	_ =	shalt  }
0x73: {  	_ =	shalt  }
0x74: {  	_ =	shalt  }
0x75: {  	_ =	shalt  }
0x76: {  	_ =	shalt  }
0x77: {  	_ =	shalt  }
0x78: {  	_ =	shalt  }
0x79: {  	_ =	shalt  }
0x7a: {  	_ =	shalt  }
0x7b: {  	_ =	shalt  }
0x7c: {  	_ =	shalt  }
0x7d: {  	_ =	shalt  }
0x7e: {  	_ =	shalt  }
0x7f: {  	_ =	shalt  }
0x80: {  	_ =	shalt  }
0x81: {  	_ =	shalt  }
0x82: {  	_ =	shalt  }
0x83: {  	_ =	shalt  }
0x84: {  	_ =	shalt  }
0x85: {  	_ =	shalt  }
0x86: {  	_ =	shalt  }
0x87: {  	_ =	shalt  }
.Lfunc_end0:
.L_simem_size_0:
called_computation.2_lowered:
.L_overlay_start_0:
0x88: {  	s2 =	sld [smem:$0x3FD9]  }
0x89: {  	s3 =	sld [smem:$0x3FFE];
	_ =	sdelay $0x1  }
0x8a: {  	s1 =	srdreg.scid  }
0x8b: {  	s0 =	sand.u32 $0x1, s1  }
0x8c: {  	s17 =	sshll.u32 s0, $0xA;
	s2 =	sadd.s32 s3, s2  }
0x8d: {  	s2 =	sadd.s32 s2, s17  }
0x8e: {  	[smem:$0x3FC3] =	sst s2  }
0x8f: {  	_ = 	snop  }
0x90: {  	s2 =	sld [smem:$0x3FD0];
	(tm) =	ssettm $0x1  }
0x91: {  	s18 =	sld [smem:$0x3FFB];
	_ =	sdelay $0x3  }
0x92: {  	_ =	strace s18  }
0x93: {  	s3 =	sld [smem:$0x3FFC];
	_ =	sdelay $0x3  }
0x94: {  	_ =	strace s3  }
0x95: {  	s3 =	sld [smem:$0x3FFD];
	_ =	sdelay $0x3  }
0x96: {  	_ =	strace s3  }
0x97: {  	_ =	strace $0x8FFFFFFF  }
0x98: {  	s19 =	sld [smem:$0x3FDB];
	_ =	sdelay $0x1  }
0x99: {  	s4 =	simm.s32 $_scs_section_size  }
0x9a: {  	s5 =	simm.s32 $_size__tile_overlayer_lowered;
	s6 =	simm.s32 $_tile_overlayer_lowered  }
0x9b: {  	s22 =	simm.s32 $0x1BFF;
	s21 =	sshll.u32 s6, $0x1;
	s3 =	sadd.s32 s4, s19  }
0x9c: {  	s7 =	simm.s32 $0x0;
	s20 =	sshll.u32 s5, $0x1;
	s5 =	sadd.s32 s21, s3  }
0x9d: {  	[timem:s7], [sflag:s22] =	dma.local [hbm:s5], s20  }
0x9e: {  	_ =	swait.ge [sflag:s22], s20  }
0x9f: {  	s4 =	ssub.s32 $0x0, s20;
	[sflag:s22] =	ssyncset.done $0x0  }
0xa0: {  	[sflag:s22] =	ssyncadd.s32 s4;
	_ =	sdelay $0x1  }
0xa1: {  	s23 =	simm.s32 $0x1B8B  }
0xa2: {  	_ =	swait.ge [sflag:s23], $0x1  }
0xa3: {  	[sflag:s23] =	ssyncset.done $0x0  }
0xa4: {  	s25 =	simm.s32 $0x1B8E;
	s24 =	sld [smem:$0x3FFE];
	[sflag:s23] =	ssyncadd.s32 $0xFFFFFFFF  }
0xa5: {  	s26 =	simm.s32 $execute0_lowered;
	[smem:$0x3FD2] =	sst s25  }
0xa6: {  	s5 =	sshll.u32 s26, $0x1;
	_ =	strace $0x80000046;
	[dreg:$0x1] =	wrdreg $0xFFFFFFFF  }
0xa7: {  	s28 =	simm.s32 $_size_execute0_lowered;
	s3 =	sadd.s32 s3, s5;
	[dreg:$0x0] =	wrdreg $0x0  }
0xa8: {  	s5 =	sshll.u32 s28, $0x1;
	[dreg:$0x2] =	wrdreg s3  }
0xa9: {  	[dreg:$0x3] =	wrdreg s5  }
0xaa: {  	[dreg:$0x4] =	wrdreg $0xC0  }
0xab: {  	_ =	task [dreg:s7], $0x5FFFF  }
0xac: {  	[dreg:$0x1] =	wrdreg $0xFFFFFFFF  }
0xad: {  	[dreg:$0x0] =	wrdreg $0x60  }
0xae: {  	[dreg:$0x2] =	wrdreg s2  }
0xaf: {  	[dreg:$0x3] =	wrdreg s24  }
0xb0: {  	[dreg:$0x4] =	wrdreg $0x9  }
0xb1: {  	_ =	task.clear_ibuf [dreg:s7], $0x5FFFF;
	_ =	strace $0x90000046  }
0xb2: {  	s29 =	simm.s32 $0x9;
	_ =	strace $0x80000048  }
0xb3: {  	_ =	swait.ge [sflag:s29], $0x1  }
0xb4: {  	[sflag:s29] =	ssyncadd.s32 $0xFFFFFFFF  }
0xb5: {  	_ =	strace $0x90000048  }
0xb6: {  	_ =	sfence  }
0xb7: {  	s30 =	sld [smem:$0x0];
	_ =	sdelay $0x2  }
0xb8: {  	s31 =	sshll.u32 s1, $0xD;
	s1 =	sshrl.u32 s1, $0x2  }
0xb9: {  	s3 =	sand.u32 $0x4000, s31;
	s1 =	sadd.s32 s1, s30  }
0xba: {  	s0 =	sor.u32 s3, s0;
	s1 =	sshll.u32 s1, $0x11  }
0xbb: {  	s0 =	sor.u32 s1, s0  }
0xbc: {  	s0 =	sadd.s32 $0x8F2B, s0  }
0xbd: {  	[sflag:s0] =	ssyncadd.remote.s32 $0x1  }
0xbe: {  	_ =	sfence.sel $0xFFFF  }
0xbf: {  	[dreg:$0x0] =	wrdreg $0xFFFFFFFF;
	(pc) =	sbr.abs _section_cstart, $3  }
0xc0: {  	[dreg:$0x1] =	wrdreg $0xFFFFFFFF  }
0xc1: {  	_ =	task.clear_ibuf [dreg:s7], $0x2FFFF;
	_ =	strace $0x9FFFFFFF  }
0xc2: {  	(tm) =	ssettm $0x7FFFFFFF  }
0xc3: {  	_ =	shalt  }
tec
execute0_lowered:
.L_overlay_start_1:
0x0: {  	(tag) =	ssettag $0x1  }
0x1: {  	s2 =	rddreg [dreg:$0x0]  }
0x2: {  	s0 =	srdreg.scid;
	s10 =	stileid.u32  }
0x3: {  	s1 =	rddreg [dreg:$0x1];
	s3 =	simm.s32 $0x0;
	s20 =	simm.s32 $0xF80  }
0x4: {  	s21 =	simm.s32 $0x100;
	s22 =	simm.s32 $0x1780;
	s23 =	simm.s32 $0x180  }
0x5: {  	s24 =	simm.s32 $0x1F80;
	s25 =	simm.s32 $0x200;
	s26 =	simm.s32 $0x2780  }
0x6: {  	s11 =	simm.s32 $0x280;
	s12 =	simm.s32 $0x2F80;
	s13 =	simm.s32 $0x300  }
0x7: {  	s14 =	simm.s32 $0x3780;
	s28 =	simm.s32 $0x680;
	s29 =	simm.s32 $0x6F80  }
0x8: {  	s30 =	simm.s32 $0x700;
	s31 =	simm.s32 $0x7780;
	[smem:$0x7FF] =	sst s3  }
0x9: {  	s0 =	sand.u32 $0x1, s0;
	_ =	strace $0x80000047;
	[dreg:$0x4] =	wrdreg s20  }
0xa: {  	s4 =	sshll.u32 s10, $0x1;
	s5 =	smul.u32 $0xC350, s10;
	[dreg:$0x5] =	wrdreg s21  }
0xb: {  	s7 =	sadd.s32 $0x1600, s1;
	s1 =	sadd.s32 $0x32600, s1;
	[dreg:$0x6] =	wrdreg s22  }
0xc: {  	s19 =	smul.u32 $0x186A0, s10;
	s10 =	simm.s32 $0x780;
	[dreg:$0x7] =	wrdreg s23  }
0xd: {  	s4 =	sor.u32 s0, s4;
	s8 =	smul.u32 $0x61A8, s0;
	[dreg:$0x8] =	wrdreg s24  }
0xe: {  	s6 =	ssub.s32 $0x2, s0;
	s0 =	smul.u32 $0xC350, s0;
	[dreg:$0x9] =	wrdreg s25  }
0xf: {  	[dreg:$0xa] =	wrdreg s26;
	s20 =	simm.s32 $0x4F80;
	s21 =	simm.s32 $0x500  }
0x10: {  	s22 =	simm.s32 $0x5780;
	s23 =	simm.s32 $0x580;
	s24 =	simm.s32 $0x5F80  }
0x11: {  	s25 =	simm.s32 $0x600;
	s4 =	smul.u32 $0x61A8, s4;
	s9 =	sshrl.u32 s6, $0x1  }
0x12: {  	s26 =	simm.s32 $0x6780;
	s6 =	ssub.s32 s6, s9;
	s5 =	sadd.s32 s8, s5  }
0x13: {  	s8 =	simm.s32 $0x2;
	s9 =	simm.s32 $0x80;
	s4 =	sadd.s32 $0x6180, s4  }
0x14: {  	s5 =	sshrl.u32 s5, $0x3;
	s17 =	smax.u32 s6, $0x1;
	s15 =	sshrl.u32 s4, $0x3  }
0x15: {  	s4 =	sshll.u32 s4, $0x1;
	[dreg:$0xd] =	wrdreg s17;
	s18 =	sadd.s32 s5, s7  }
0x16: {  	s17 =	simm.s32 $0x400;
	s16 =	sadd.s32 s7, s15;
	s4 =	sadd.s32 s1, s4  }
0x17: {  	[dreg:$0x3] =	wrdreg s18;
	s1 =	sadd.s32 s19, s1;
	s15 =	simm.s32 $0x380  }
0x18: {  	s18 =	simm.s32 $0x4780;
	s19 =	simm.s32 $0x480;
	[dreg:$0xb] =	wrdreg s16  }
0x19: {  	[dreg:$0xc] =	wrdreg s4;
	s0 =	sadd.s32 s0, s1;
	s16 =	simm.s32 $0x3F80  }
0x1a: {  	s1 =	simm.s32 $0x1;
	s4 =	simm.s32 $0x0;
	[dreg:$0xe] =	wrdreg s0  }
.LBB2_1:
0x1b: {  	s7 =	rddreg [dreg:$0x3]  }
0x1c: {  	[dreg:$0xf] =	wrdreg s4;
	s4 =	sadd.s32 $0x0, s7  }
0x1d: {  	[tilespmem:s3], [sflag:$0x2] =	stream.linear.gather [hbm4b:s4+s3], $0x780, $0x38;
	[tilespmem:$0x7F80] =	vst v63  }
0x1e: {  	_ =	swait.ge [sflag:s8], $0x780  }
0x1f: {  	s0 =	rddreg [dreg:$0x5]  }
0x20: {  	[sflag:s8] =	ssyncset.done $0x0;
	s7 =	rddreg [dreg:$0x4]  }
0x21: {  	s6 =	rddreg [dreg:$0x6];
	[sflag:s8] =	ssyncadd.s32 $0xFFFFF880  }
0x22: {  	[tilespmem:s10], [sflag:$0x1] =	stream.indirect.gather [hbm4b:s2+s9], $0x10, s3, s9, $0xb8;
	[tilespmem:$0x7F80] =	vst v63  }
0x23: {  	s5 =	rddreg [dreg:$0x8]  }
0x24: {  	[tilespmem:s7], [sflag:$0x1] =	stream.indirect.gather [hbm4b:s2+s9], $0x10, s9, s9, $0xb8;
	[tilespmem:$0x7F80] =	vst v63  }
0x25: {  	s7 =	rddreg [dreg:$0x7]  }
0x26: {  	[tilespmem:s6], [sflag:$0x1] =	stream.indirect.gather [hbm4b:s2+s9], $0x10, s0, s9, $0xb8;
	[tilespmem:$0x7F80] =	vst v63  }
0x27: {  	s6 =	rddreg [dreg:$0xa]  }
0x28: {  	[tilespmem:s5], [sflag:$0x1] =	stream.indirect.gather [hbm4b:s2+s9], $0x10, s7, s9, $0xb8;
	[tilespmem:$0x7F80] =	vst v63  }
0x29: {  	s0 =	rddreg [dreg:$0x9]  }
0x2a: {  	[tilespmem:s6], [sflag:$0x1] =	stream.indirect.gather [hbm4b:s2+s9], $0x10, s0, s9, $0xb8;
	[tilespmem:$0x7F80] =	vst v63  }
0x2b: {  	_ = 	snop  }
0x2c: {  	[tilespmem:s12], [sflag:$0x1] =	stream.indirect.gather [hbm4b:s2+s9], $0x10, s11, s9, $0xb8;
	[tilespmem:$0x7F80] =	vst v63  }
0x2d: {  	_ = 	snop  }
0x2e: {  	[tilespmem:s14], [sflag:$0x1] =	stream.indirect.gather [hbm4b:s2+s9], $0x10, s13, s9, $0xb8;
	[tilespmem:$0x7F80] =	vst v63  }
0x2f: {  	_ = 	snop  }
0x30: {  	[tilespmem:s16], [sflag:$0x1] =	stream.indirect.gather [hbm4b:s2+s9], $0x10, s15, s9, $0xb8;
	[tilespmem:$0x7F80] =	vst v63  }
0x31: {  	_ = 	snop  }
0x32: {  	[tilespmem:s18], [sflag:$0x1] =	stream.indirect.gather [hbm4b:s2+s9], $0x10, s17, s9, $0xb8;
	[tilespmem:$0x7F80] =	vst v63  }
0x33: {  	_ = 	snop  }
0x34: {  	[tilespmem:s20], [sflag:$0x1] =	stream.indirect.gather [hbm4b:s2+s9], $0x10, s19, s9, $0xb8;
	[tilespmem:$0x7F80] =	vst v63  }
0x35: {  	_ = 	snop  }
0x36: {  	[tilespmem:s22], [sflag:$0x1] =	stream.indirect.gather [hbm4b:s2+s9], $0x10, s21, s9, $0xb8;
	[tilespmem:$0x7F80] =	vst v63  }
0x37: {  	_ = 	snop  }
0x38: {  	[tilespmem:s24], [sflag:$0x1] =	stream.indirect.gather [hbm4b:s2+s9], $0x10, s23, s9, $0xb8;
	[tilespmem:$0x7F80] =	vst v63  }
0x39: {  	_ = 	snop  }
0x3a: {  	[tilespmem:s26], [sflag:$0x1] =	stream.indirect.gather [hbm4b:s2+s9], $0x10, s25, s9, $0xb8;
	[tilespmem:$0x7F80] =	vst v63  }
0x3b: {  	_ = 	snop  }
0x3c: {  	[tilespmem:s29], [sflag:$0x1] =	stream.indirect.gather [hbm4b:s2+s9], $0x10, s28, s9, $0xb8;
	[tilespmem:$0x7F80] =	vst v63  }
0x3d: {  	_ = 	snop  }
0x3e: {  	[tilespmem:s31], [sflag:$0x1] =	stream.indirect.gather [hbm4b:s2+s9], $0x10, s30, s9, $0xb8;
	[tilespmem:$0x7F80] =	vst v63  }
0x3f: {  	_ =	swait.ge [sflag:s1], $0x800  }
0x40: {  	[sflag:s1] =	ssyncset.done $0x0  }
0x41: {  	[sflag:s1] =	ssyncadd.s32 $0xFFFFF800  }
0x42: {  	_ =	swait.ge [sflag:s1], $0x800  }
0x43: {  	[sflag:s1] =	ssyncset.done $0x0  }
0x44: {  	[sflag:s1] =	ssyncadd.s32 $0xFFFFF800  }
0x45: {  	_ =	swait.ge [sflag:s1], $0x800  }
0x46: {  	[sflag:s1] =	ssyncset.done $0x0  }
0x47: {  	[sflag:s1] =	ssyncadd.s32 $0xFFFFF800  }
0x48: {  	_ =	swait.ge [sflag:s1], $0x800  }
0x49: {  	[sflag:s1] =	ssyncset.done $0x0  }
0x4a: {  	[sflag:s1] =	ssyncadd.s32 $0xFFFFF800  }
0x4b: {  	_ =	swait.ge [sflag:s1], $0x800  }
0x4c: {  	[sflag:s1] =	ssyncset.done $0x0  }
0x4d: {  	[sflag:s1] =	ssyncadd.s32 $0xFFFFF800  }
0x4e: {  	_ =	swait.ge [sflag:s1], $0x800  }
0x4f: {  	[sflag:s1] =	ssyncset.done $0x0  }
0x50: {  	[sflag:s1] =	ssyncadd.s32 $0xFFFFF800  }
0x51: {  	_ =	swait.ge [sflag:s1], $0x800  }
0x52: {  	[sflag:s1] =	ssyncset.done $0x0  }
0x53: {  	[sflag:s1] =	ssyncadd.s32 $0xFFFFF800  }
0x54: {  	_ =	swait.ge [sflag:s1], $0x800  }
0x55: {  	[sflag:s1] =	ssyncset.done $0x0  }
0x56: {  	[sflag:s1] =	ssyncadd.s32 $0xFFFFF800  }
0x57: {  	_ =	swait.ge [sflag:s1], $0x800  }
0x58: {  	[sflag:s1] =	ssyncset.done $0x0  }
0x59: {  	[sflag:s1] =	ssyncadd.s32 $0xFFFFF800  }
0x5a: {  	_ =	swait.ge [sflag:s1], $0x800  }
0x5b: {  	[sflag:s1] =	ssyncset.done $0x0  }
0x5c: {  	[sflag:s1] =	ssyncadd.s32 $0xFFFFF800  }
0x5d: {  	_ =	swait.ge [sflag:s1], $0x800  }
0x5e: {  	[sflag:s1] =	ssyncset.done $0x0  }
0x5f: {  	[sflag:s1] =	ssyncadd.s32 $0xFFFFF800  }
0x60: {  	_ =	swait.ge [sflag:s1], $0x800  }
0x61: {  	[sflag:s1] =	ssyncset.done $0x0  }
0x62: {  	[sflag:s1] =	ssyncadd.s32 $0xFFFFF800  }
0x63: {  	_ =	swait.ge [sflag:s1], $0x800  }
0x64: {  	[sflag:s1] =	ssyncset.done $0x0  }
0x65: {  	[sflag:s1] =	ssyncadd.s32 $0xFFFFF800  }
0x66: {  	_ =	swait.ge [sflag:s1], $0x800  }
0x67: {  	[sflag:s1] =	ssyncset.done $0x0  }
0x68: {  	[sflag:s1] =	ssyncadd.s32 $0xFFFFF800  }
0x69: {  	_ =	swait.ge [sflag:s1], $0x800  }
0x6a: {  	[sflag:s1] =	ssyncset.done $0x0  }
0x6b: {  	s4 =	simm.s32 $0xF0;
	s7 =	rddreg [dreg:$0xe];
	[sflag:s1] =	ssyncadd.s32 $0xFFFFF800  }
0x6c: {  	[hbm4b:s7+s3] =	stream.linear.scatter [tilespmem:s10], [sflag:$0x2], $0x7800, $0x38;
	[tilespmem:$0x7F80] =	vst v63  }
.LBB2_2:
0x6d: {  	_ =	swait.ge [sflag:s8], $0x7800  }
0x6e: {  	s5 =	smov.u32 s4;
	s6 =	rddreg [dreg:$0x3];
	[sflag:s8] =	ssyncset.done $0x0  }
0x6f: {  	[sflag:s8] =	ssyncadd.s32 $0xFFFF8800;
	s5 =	sadd.s32 s5, s6  }
0x70: {  	[tilespmem:s3], [sflag:$0x2] =	stream.linear.gather [hbm4b:s5+s3], $0x780, $0x38;
	[tilespmem:$0x7F80] =	vst v63  }
0x71: {  	_ =	swait.ge [sflag:s8], $0x780  }
0x72: {  	s5 =	rddreg [dreg:$0xa]  }
0x73: {  	[sflag:s8] =	ssyncset.done $0x0;
	s6 =	rddreg [dreg:$0x5]  }
0x74: {  	s0 =	rddreg [dreg:$0x4];
	[sflag:s8] =	ssyncadd.s32 $0xFFFFF880  }
0x75: {  	[tilespmem:s10], [sflag:$0x1] =	stream.indirect.gather [hbm4b:s2+s9], $0x10, s3, s9, $0xb8;
	[tilespmem:$0x7F80] =	vst v63  }
0x76: {  	s11 =	rddreg [dreg:$0x6]  }
0x77: {  	[tilespmem:s0], [sflag:$0x1] =	stream.indirect.gather [hbm4b:s2+s9], $0x10, s9, s9, $0xb8;
	[tilespmem:$0x7F80] =	vst v63  }
0x78: {  	s12 =	rddreg [dreg:$0x8]  }
0x79: {  	[tilespmem:s11], [sflag:$0x1] =	stream.indirect.gather [hbm4b:s2+s9], $0x10, s6, s9, $0xb8;
	[tilespmem:$0x7F80] =	vst v63  }
0x7a: {  	s0 =	rddreg [dreg:$0x7]  }
0x7b: {  	[tilespmem:s12], [sflag:$0x1] =	stream.indirect.gather [hbm4b:s2+s9], $0x10, s0, s9, $0xb8;
	[tilespmem:$0x7F80] =	vst v63  }
0x7c: {  	s6 =	rddreg [dreg:$0x9]  }
0x7d: {  	[tilespmem:s5], [sflag:$0x1] =	stream.indirect.gather [hbm4b:s2+s9], $0x10, s6, s9, $0xb8;
	[tilespmem:$0x7F80] =	vst v63  }
0x7e: {  	s11 =	simm.s32 $0x280;
	s12 =	simm.s32 $0x2F80  }
0x7f: {  	[tilespmem:s12], [sflag:$0x1] =	stream.indirect.gather [hbm4b:s2+s9], $0x10, s11, s9, $0xb8;
	[tilespmem:$0x7F80] =	vst v63  }
0x80: {  	_ = 	snop  }
0x81: {  	[tilespmem:s14], [sflag:$0x1] =	stream.indirect.gather [hbm4b:s2+s9], $0x10, s13, s9, $0xb8;
	[tilespmem:$0x7F80] =	vst v63  }
0x82: {  	_ = 	snop  }
0x83: {  	[tilespmem:s16], [sflag:$0x1] =	stream.indirect.gather [hbm4b:s2+s9], $0x10, s15, s9, $0xb8;
	[tilespmem:$0x7F80] =	vst v63  }
0x84: {  	_ = 	snop  }
0x85: {  	[tilespmem:s18], [sflag:$0x1] =	stream.indirect.gather [hbm4b:s2+s9], $0x10, s17, s9, $0xb8;
	[tilespmem:$0x7F80] =	vst v63  }
0x86: {  	_ = 	snop  }
0x87: {  	[tilespmem:s20], [sflag:$0x1] =	stream.indirect.gather [hbm4b:s2+s9], $0x10, s19, s9, $0xb8;
	[tilespmem:$0x7F80] =	vst v63  }
0x88: {  	_ = 	snop  }
0x89: {  	[tilespmem:s22], [sflag:$0x1] =	stream.indirect.gather [hbm4b:s2+s9], $0x10, s21, s9, $0xb8;
	[tilespmem:$0x7F80] =	vst v63  }
0x8a: {  	_ = 	snop  }
0x8b: {  	[tilespmem:s24], [sflag:$0x1] =	stream.indirect.gather [hbm4b:s2+s9], $0x10, s23, s9, $0xb8;
	[tilespmem:$0x7F80] =	vst v63  }
0x8c: {  	_ = 	snop  }
0x8d: {  	[tilespmem:s26], [sflag:$0x1] =	stream.indirect.gather [hbm4b:s2+s9], $0x10, s25, s9, $0xb8;
	[tilespmem:$0x7F80] =	vst v63  }
0x8e: {  	_ = 	snop  }
0x8f: {  	[tilespmem:s29], [sflag:$0x1] =	stream.indirect.gather [hbm4b:s2+s9], $0x10, s28, s9, $0xb8;
	[tilespmem:$0x7F80] =	vst v63  }
0x90: {  	_ = 	snop  }
0x91: {  	[tilespmem:s31], [sflag:$0x1] =	stream.indirect.gather [hbm4b:s2+s9], $0x10, s30, s9, $0xb8;
	[tilespmem:$0x7F80] =	vst v63  }
0x92: {  	_ =	swait.ge [sflag:s1], $0x800  }
0x93: {  	[sflag:s1] =	ssyncset.done $0x0  }
0x94: {  	[sflag:s1] =	ssyncadd.s32 $0xFFFFF800  }
0x95: {  	_ =	swait.ge [sflag:s1], $0x800  }
0x96: {  	[sflag:s1] =	ssyncset.done $0x0  }
0x97: {  	[sflag:s1] =	ssyncadd.s32 $0xFFFFF800  }
0x98: {  	_ =	swait.ge [sflag:s1], $0x800  }
0x99: {  	[sflag:s1] =	ssyncset.done $0x0  }
0x9a: {  	[sflag:s1] =	ssyncadd.s32 $0xFFFFF800  }
0x9b: {  	_ =	swait.ge [sflag:s1], $0x800  }
0x9c: {  	[sflag:s1] =	ssyncset.done $0x0  }
0x9d: {  	[sflag:s1] =	ssyncadd.s32 $0xFFFFF800  }
0x9e: {  	_ =	swait.ge [sflag:s1], $0x800  }
0x9f: {  	[sflag:s1] =	ssyncset.done $0x0  }
0xa0: {  	[sflag:s1] =	ssyncadd.s32 $0xFFFFF800  }
0xa1: {  	_ =	swait.ge [sflag:s1], $0x800  }
0xa2: {  	[sflag:s1] =	ssyncset.done $0x0  }
0xa3: {  	[sflag:s1] =	ssyncadd.s32 $0xFFFFF800  }
0xa4: {  	_ =	swait.ge [sflag:s1], $0x800  }
0xa5: {  	[sflag:s1] =	ssyncset.done $0x0  }
0xa6: {  	[sflag:s1] =	ssyncadd.s32 $0xFFFFF800  }
0xa7: {  	_ =	swait.ge [sflag:s1], $0x800  }
0xa8: {  	[sflag:s1] =	ssyncset.done $0x0  }
0xa9: {  	[sflag:s1] =	ssyncadd.s32 $0xFFFFF800  }
0xaa: {  	_ =	swait.ge [sflag:s1], $0x800  }
0xab: {  	[sflag:s1] =	ssyncset.done $0x0  }
0xac: {  	[sflag:s1] =	ssyncadd.s32 $0xFFFFF800  }
0xad: {  	_ =	swait.ge [sflag:s1], $0x800  }
0xae: {  	[sflag:s1] =	ssyncset.done $0x0  }
0xaf: {  	[sflag:s1] =	ssyncadd.s32 $0xFFFFF800  }
0xb0: {  	_ =	swait.ge [sflag:s1], $0x800  }
0xb1: {  	[sflag:s1] =	ssyncset.done $0x0  }
0xb2: {  	[sflag:s1] =	ssyncadd.s32 $0xFFFFF800  }
0xb3: {  	_ =	swait.ge [sflag:s1], $0x800  }
0xb4: {  	[sflag:s1] =	ssyncset.done $0x0  }
0xb5: {  	[sflag:s1] =	ssyncadd.s32 $0xFFFFF800  }
0xb6: {  	_ =	swait.ge [sflag:s1], $0x800  }
0xb7: {  	[sflag:s1] =	ssyncset.done $0x0  }
0xb8: {  	[sflag:s1] =	ssyncadd.s32 $0xFFFFF800  }
0xb9: {  	_ =	swait.ge [sflag:s1], $0x800  }
0xba: {  	p0 =	sne.s32 s4, $0xB40;
	[sflag:s1] =	ssyncset.done $0x0  }
.Ltmp0:
0xbb: {  	[sflag:s1] =	ssyncadd.s32 $0xFFFFF800;
	(pc) =	sbr.rel @p0 .LBB2_2-.Ltmp0, $4  }
0xbc: {  	_ =	swait.ge [sflag:s1], $0x800  }
0xbd: {  	[sflag:s1] =	ssyncset.done $0x0  }
0xbe: {  	s7 =	sadd.s32 $0xF00, s7;
	s4 =	sadd.s32 $0xF0, s4;
	[sflag:s1] =	ssyncadd.s32 $0xFFFFF800  }
0xbf: {  	[hbm4b:s7+s3] =	stream.linear.scatter [tilespmem:s10], [sflag:$0x2], $0x7800, $0x38;
	[tilespmem:$0x7F80] =	vst v63  }
0xc0: {  	_ =	swait.ge [sflag:s8], $0x7800  }
0xc1: {  	[sflag:s8] =	ssyncset.done $0x0  }
0xc2: {  	s0 =	rddreg [dreg:$0xb];
	[sflag:s8] =	ssyncadd.s32 $0xFFFF8800  }
0xc3: {  	[tilespmem:s3], [sflag:$0x2] =	stream.linear.gather [hbm4b:s0+s3], $0x28, $0x38;
	[tilespmem:$0x7F80] =	vst v63  }
0xc4: {  	_ =	swait.ge [sflag:s8], $0x28  }
0xc5: {  	[sflag:s8] =	ssyncset.done $0x0  }
0xc6: {  	s5 =	simm.s32 $0x28;
	[sflag:s8] =	ssyncadd.s32 $0xFFFFFFD8  }
0xc7: {  	[tilespmem:s10], [sflag:$0x1] =	stream.indirect.gather [hbm4b:s2+s5], $0x10, s3, s5, $0xb8;
	[tilespmem:$0x7F80] =	vst v63  }
0xc8: {  	_ =	swait.ge [sflag:s1], $0x280  }
0xc9: {  	[sflag:s1] =	ssyncset.done $0x0  }
0xca: {  	s6 =	rddreg [dreg:$0xc];
	[sflag:s1] =	ssyncadd.s32 $0xFFFFFD80  }
0xcb: {  	[hbm4b:s6+s3] =	stream.linear.scatter [tilespmem:s10], [sflag:$0x2], $0x280, $0x38;
	[tilespmem:$0x7F80] =	vst v63  }
0xcc: {  	_ =	swait.ge [sflag:s8], $0x280  }
0xcd: {  	s4 =	rddreg [dreg:$0xf]  }
0xce: {  	s7 =	rddreg [dreg:$0xd];
	s4 =	sadd.s32 $0x1, s4  }
0xcf: {  	p0 =	sne.s32 s4, s7  }
.Ltmp1:
0xd0: {  	_ = 	snop;
	(pc) =	sbr.rel @p0 .LBB2_1-.Ltmp1, $3  }
0xd1: {  	_ =	sdelay $0x1  }
0xd2: {  	[sflag:s8] =	ssyncset.done $0x0  }
0xd3: {  	[sflag:s8] =	ssyncadd.s32 $0xFFFFFD80  }
0xd4: {  	_ =	sfence.sel $0x180000  }
0xd5: {  	[bflag:$0x0] =	sbarrier.arrive $0xFFFF  }
0xd6: {  	_ =	strace $0x90000047  }
0xd7: {  	s0 =	stileid.u32;
	[bflag:$0x2] =	sbarrier.arrive $0xFFFF  }
0xd8: {  	p0 =	sne.s32 s0, $0x0;
	s0 =	rddreg [dreg:$0x2]  }
0xd9: {  	s0 =	sadd.s32 @!p0 $0x100000, s0  }
0xda: {  	[sflag:s0] =	ssyncadd.tile.s32 @!p0 $0x1;
	_ =	shalt  }
.Lfunc_end2:
_tile_overlayer_lowered:
.L_overlay_start_2:
0xdb: {  	(tag) =	ssettag $0x2  }
0xdc: {  	s0 =	rddreg [dreg:$0x0];
	s2 =	stileid.u32  }
0xdd: {  	s1 =	rddreg [dreg:$0x1];
	p0 =	sne.s32 s2, $0x0  }
0xde: {  	s3 =	rddreg [dreg:$0x2];
	[bflag:$0x3] =	sbarrier.arrive $0xFFFF;
	s2 =	simm.s32 @!p0 $0x1C02  }
0xdf: {  	[timem:s3], [sflag:s2] =	dma.local @!p0 [hbm:s0], s1  }
0xe0: {  	s0 =	simm.s32 @!p0 $0x2  }
0xe1: {  	_ =	swait.ge @!p0 [sflag:s0], s1  }
0xe2: {  	s1 =	ssub.s32 @!p0 $0x0, s1;
	[sflag:s0] =	ssyncset.done @!p0 $0x0  }
0xe3: {  	[sflag:s0] =	ssyncadd.s32 @!p0 s1  }
0xe4: {  	[bflag:$0x3] =	sbarrier.arrive $0xFFFF  }
0xe5: {  	_ =	shalt  }

// kernel: sparse-core-data-format-call.1.cloned.1.call-start
scs
called_computation.1_lowered:
.L_overlay_start_0:
0x0: {  	s1 =	sld [smem:$0x3FD9]  }
0x1: {  	s2 =	sld [smem:$0x3FFE];
	_ =	sdelay $0x1  }
0x2: {  	s3 =	srdreg.scid  }
0x3: {  	s0 =	sand.u32 $0x1, s3  }
0x4: {  	s17 =	sshll.u32 s0, $0xA;
	s1 =	sadd.s32 s2, s1  }
0x5: {  	s1 =	sadd.s32 s1, s17  }
0x6: {  	[smem:$0x3FC3] =	sst s1  }
0x7: {  	_ = 	snop  }
0x8: {  	(tm) =	ssettm $0x1  }
0x9: {  	s18 =	sld [smem:$0x3FFB];
	_ =	sdelay $0x3  }
0xa: {  	_ =	strace s18  }
0xb: {  	s1 =	sld [smem:$0x3FFC];
	_ =	sdelay $0x3  }
0xc: {  	_ =	strace s1  }
0xd: {  	s1 =	sld [smem:$0x3FFD];
	_ =	sdelay $0x3  }
0xe: {  	_ =	strace s1  }
0xf: {  	_ =	strace $0x8FFFFFFF  }
0x10: {  	s19 =	sld [smem:$0x3FDB];
	_ =	sdelay $0x1  }
0x11: {  	s20 =	simm.s32 $_scs_section_size  }
0x12: {  	s4 =	simm.s32 $_size__tile_overlayer_lowered;
	s5 =	simm.s32 $_tile_overlayer_lowered  }
0x13: {  	s23 =	simm.s32 $0x1BFF;
	s22 =	sshll.u32 s5, $0x1;
	s1 =	sadd.s32 s20, s19  }
0x14: {  	s6 =	simm.s32 $0x0;
	s21 =	sshll.u32 s4, $0x1;
	s4 =	sadd.s32 s22, s1  }
0x15: {  	[timem:s6], [sflag:s23] =	dma.local [hbm:s4], s21  }
0x16: {  	_ =	swait.ge [sflag:s23], s21  }
0x17: {  	s2 =	ssub.s32 $0x0, s21;
	[sflag:s23] =	ssyncset.done $0x0  }
0x18: {  	[sflag:s23] =	ssyncadd.s32 s2;
	_ =	sdelay $0x1  }
0x19: {  	s24 =	simm.s32 $0x1B8B  }
0x1a: {  	_ =	swait.ge [sflag:s24], $0x1  }
0x1b: {  	[sflag:s24] =	ssyncset.done $0x0  }
0x1c: {  	s26 =	simm.s32 $0x1B8E;
	s25 =	sld [smem:$0x3FFE];
	[sflag:s24] =	ssyncadd.s32 $0xFFFFFFFF  }
0x1d: {  	s27 =	simm.s32 $execute0_lowered;
	[smem:$0x3FD2] =	sst s26  }
0x1e: {  	s4 =	sshll.u32 s27, $0x1;
	_ =	strace $0x80000049;
	[dreg:$0x1] =	wrdreg $0xFFFFFFFF  }
0x1f: {  	s28 =	simm.s32 $_size_execute0_lowered;
	s1 =	sadd.s32 s1, s4;
	[dreg:$0x0] =	wrdreg $0x0  }
0x20: {  	s4 =	sshll.u32 s28, $0x1;
	[dreg:$0x2] =	wrdreg s1  }
0x21: {  	[dreg:$0x3] =	wrdreg s4  }
0x22: {  	[dreg:$0x4] =	wrdreg $0xC0  }
0x23: {  	_ =	task [dreg:s6], $0x5FFFF  }
0x24: {  	[dreg:$0x1] =	wrdreg $0xFFFFFFFF  }
0x25: {  	[dreg:$0x0] =	wrdreg $0x60  }
0x26: {  	[dreg:$0x2] =	wrdreg s25  }
0x27: {  	[dreg:$0x3] =	wrdreg $0x9  }
0x28: {  	_ =	task.clear_ibuf [dreg:s6], $0x4FFFF;
	_ =	strace $0x90000049  }
0x29: {  	s29 =	simm.s32 $0x9;
	_ =	strace $0x8000004B  }
0x2a: {  	_ =	swait.ge [sflag:s29], $0x1  }
0x2b: {  	[sflag:s29] =	ssyncadd.s32 $0xFFFFFFFF  }
0x2c: {  	_ =	strace $0x9000004B  }
0x2d: {  	_ =	sfence  }
0x2e: {  	s30 =	sld [smem:$0x0];
	_ =	sdelay $0x2  }
0x2f: {  	s31 =	sshll.u32 s3, $0xD;
	s3 =	sshrl.u32 s3, $0x2  }
0x30: {  	s2 =	sand.u32 $0x4000, s31;
	s1 =	sadd.s32 s3, s30  }
0x31: {  	s0 =	sor.u32 s2, s0;
	s1 =	sshll.u32 s1, $0x11  }
0x32: {  	s0 =	sor.u32 s1, s0  }
0x33: {  	s0 =	sadd.s32 $0x8F2B, s0  }
0x34: {  	[sflag:s0] =	ssyncadd.remote.s32 $0x1  }
0x35: {  	_ =	sfence.sel $0xFFFF  }
0x36: {  	[dreg:$0x0] =	wrdreg $0xFFFFFFFF;
	(pc) =	sbr.abs _section_cstart, $3  }
0x37: {  	[dreg:$0x1] =	wrdreg $0xFFFFFFFF  }
0x38: {  	_ =	task.clear_ibuf [dreg:s6], $0x2FFFF;
	_ =	strace $0x9FFFFFFF  }
0x39: {  	(tm) =	ssettm $0x7FFFFFFF  }
tec
execute0_lowered:
.L_overlay_start_1:
0x0: {  	(tag) =	ssettag $0x1  }
0x1: {  	s0 =	srdreg.scid  }
0x2: {  	s1 =	sshll.u32 s0, $0x4  }
0x3: {  	s4 =	rddreg [dreg:$0x0];
	s0 =	stileid.u32;
	s1 =	sand.u32 $0x10, s1  }
0x4: {  	s7 =	simm.s32 $0x1;
	s8 =	simm.s32 $0x2;
	s1 =	sor.u32 s0, s1  }
0x5: {  	s11 =	simm.s32 $0x0;
	s10 =	simm.s32 $0x0;
	s2 =	sshll.u32 s1, $0x7  }
0x6: {  	s3 =	sadd.s32 $0x1B9000, s4;
	s4 =	sadd.s32 $0x32600, s4;
	s6 =	ssub.s32 $0xC3500, s2  }
.Ltmp0:
0x7: {  	s1 =	rddreg [dreg:$0x1];
	s5 =	sand.u32 $0xF80, s6;
	(pc) =	sbr.rel .LBB1_1-.Ltmp0, $4  }
0x8: {  	_ =	strace $0x8000004A;
	s9 =	smov.u32 s2;
	p0 =	sne.s32 s5, $0x0  }
0x9: {  	s6 =	sshrl.u32 s6, $0xC;
	s5 =	simm.s32 $0x1;
	s7 =	simm.s32 @!p0 $0x0  }
0xa: {  	[sflag:s5] =	ssyncpa.u1 $0x0;
	p0 =	por $0x0, $0x0;
	s6 =	sadd.s32 s7, s6  }
0xb: {  	[sflag:s8] =	ssyncpa.u1 $0x0;
	s8 =	simm.s32 $0x61A800;
	s7 =	sadd.s32 $0x1, s6  }
.LBB1_4:
0xc: {  	s14 =	sshll.u32 s11, $0x3  }
0xd: {  	s14 =	sand.u32 $0xFFFFFC00, s14  }
0xe: {  	s15 =	sshrl.u32 s14, $0x8  }
0xf: {  	s15 =	smulhi.u32 $0x14F8B59, s15;
	_ =	sdelay $0x1  }
0x10: {  	s15 =	sshrl.u32 s15, $0x4  }
0x11: {  	s28 =	sand.u32 $0x7F, s11;
	s16 =	smul.u32 $0xC3500, s15  }
0x12: {  	[tilespmem:s12+$0xFFFFFFFC ss:$0x81] =	vst.msk $0xffff, v0;
	s11 =	sor.u32 s28, s14  }
0x13: {  	[tilespmem:s12+$0xFFFFFFFD ss:$0x81] =	vst.msk $0xffff, v3;
	s29 =	sand.u32 $0xF, s15;
	s11 =	ssub.s32 s11, s16  }
0x14: {  	[tilespmem:s12+$0xFFFFFFFE ss:$0x81] =	vst.msk $0xffff, v1;
	s14 =	smul.u32 $0x186A0, s29;
	s30 =	sshrl.u32 s11, $0x3;
	s11 =	sand.u32 $0x7, s11  }
0x15: {  	[tilespmem:s12+$0xFFFFFFFF ss:$0x81] =	vst.msk $0xffff, v4;
	s15 =	sadd.s32 s4, s30;
	s11 =	sshll.u32 s11, $0x12  }
0x16: {  	[tilespmem:s12+$0xFFFFFFF9 ss:$0x81] =	vst.msk $0xffff, v2;
	s31 =	sadd.s32 s14, s15;
	s11 =	sor.u32 $0x400, s11  }
0x17: {  	[hbm4b:s31+s11] =	stream.strided.scatter [tilespmem:s13], [sflag:$0x2], $0x800, s8, s11, $0x20;
	[tilespmem:$0x2020] =	vst v63  }
.LBB1_5:
0x18: {  	s13 =	sadd.s32 $0x1000, s9  }
0x19: {  	p2 =	sgt.s32 s13, $0xC34FF  }
0x1a: {  	s13 =	smov.u32 @p2 s2;
	p2 =	sne.s32 s10, s7  }
.Ltmp1:
0x1b: {  	p1 =	slt.u32 s10, $0x2;
	(pc) =	sbr.rel @!p2 .LBB1_6-.Ltmp1, $4  }
0x1c: {  	s12 =	simm.s32 @!p1 $0x2  }
0x1d: {  	s14 =	sadd.s32 $0x1, s10;
	_ =	swait.ge @!p1 [sflag:s12], $0x800  }
0x1e: {  	s11 =	smov.u32 s9;
	p0 =	por !p0, !p0;
	[sflag:s12] =	ssyncset.done @!p1 $0x0  }
0x1f: {  	s10 =	smov.u32 s14;
	s9 =	smov.u32 s13;
	[sflag:s12] =	ssyncadd.s32 @!p1 $0xFFFFF800  }
.LBB1_1:
0x20: {  	p1 =	sge.u32 s10, s6  }
0x21: {  	s12 =	sand.u32 @!p1 $0x1FFFFFF, s9  }
0x22: {  	s13 =	smulhi.u32 @!p1 $0x14F8B59, s12;
	_ =	sdelay $0x1  }
0x23: {  	s13 =	sshrl.u32 @!p1 s13, $0xC  }
0x24: {  	s13 =	smul.u32 @!p1 $0xC3500, s13;
	_ =	sdelay $0x1  }
0x25: {  	s31 =	sadd.s32 $0xFFFFFFFF, s10;
	s14 =	sxor.u32 @!p1 $0xFFFFFFFF, s10;
	s12 =	ssub.s32 @!p1 s12, s13  }
0x26: {  	s15 =	simm.s32 @!p1 $0x80;
	s14 =	sshll.u32 @!p1 s14, $0xB;
	s12 =	sshll.u32 @!p1 s12, $0x4  }
0x27: {  	s13 =	sand.u32 @!p1 $0x800, s14;
	s14 =	simm.s32 @!p1 $0x10;
	s12 =	sadd.s32 @!p1 s3, s12  }
0x28: {  	[tilespmem:s13], [sflag:$0x1] =	stream.strided.gather @!p1 [hbm4b:s12+s14], $0x800, s15, s14, $0x38;
	[tilespmem:$0x2020] =	vst v63  }
0x29: {  	p1 =	sge.u32 s31, s6  }
.Ltmp2:
0x2a: {  	_ = 	snop;
	(pc) =	sbr.rel @p1 .LBB1_5-.Ltmp2, $1  }
0x2b: {  	_ =	sdelay $0x3  }
0x2c: {  	s12 =	simm.s32 $0x1  }
0x2d: {  	_ =	swait.ge [sflag:s5], $0x800;
	s12 =	simm.s32 @!p0 $0x0  }
0x2e: {  	[sflag:s5] =	ssyncset.done $0x0;
	s13 =	sshll.u32 s12, $0xB  }
0x2f: {  	[sflag:s5] =	ssyncadd.s32 $0xFFFFF800;
	s15 =	sor.u32 $0x40, s13  }
0x30: {  	v2 =	vld [tilespmem:s15+$0x30]  }
0x31: {  	s12 =	smul.u32 $0x2040, s12;
	v4 =	vld [tilespmem:s15+$0xFFFFFFD0]  }
0x32: {  	v5 =	vld [tilespmem:s15+$0xFFFFFFE0]  }
0x33: {  	s31 =	sand.u32 $0x1, s10;
	s12 =	sshrl.u32 s12, $0x2;
	v0 =	vld [tilespmem:s15+$0xFFFFFFF0]  }
0x34: {  	s13 =	smul.u32 $0x2040, s31;
	v3 =	vld [tilespmem:s15+$0x0];
	s12 =	sor.u32 $0x1007, s12  }
0x35: {  	v1 =	vld [tilespmem:s15+$0x10];
	[tilespmem:s12+$0x0 ss:$0x81] =	vst.msk $0xffff, v2  }
0x36: {  	s13 =	sshrl.u32 s13, $0x2;
	[tilespmem:s12+$0xFFFFFFFA ss:$0x81] =	vst.msk $0xffff, v4;
	v4 =	vld [tilespmem:s15+$0x20]  }
0x37: {  	s14 =	simm.s32 $0x0;
	s13 =	sor.u32 $0x1000, s13;
	v2 =	vld [tilespmem:s15+$0xFFFFFFC0];
	[tilespmem:s12+$0xFFFFFFFB ss:$0x81] =	vst.msk $0xffff, v5;
	s15 =	sadd.s32 $0x80, s15  }
.LBB1_3:
0x38: {  	v5 =	vld [tilespmem:s15+$0x30];
	s14 =	sadd.s32 $0x8, s14;
	[tilespmem:s12+$0xFFFFFFFC ss:$0x81] =	vst.msk $0xffff, v0  }
0x39: {  	v6 =	vld [tilespmem:s15+$0xFFFFFFD0];
	p1 =	slt.u32 s14, $0x78;
	[tilespmem:s12+$0xFFFFFFFD ss:$0x81] =	vst.msk $0xffff, v3  }
0x3a: {  	v7 =	vld [tilespmem:s15+$0xFFFFFFE0];
	[tilespmem:s12+$0xFFFFFFFE ss:$0x81] =	vst.msk $0xffff, v1  }
.Ltmp3:
0x3b: {  	v0 =	vld [tilespmem:s15+$0xFFFFFFF0];
	[tilespmem:s12+$0xFFFFFFFF ss:$0x81] =	vst.msk $0xffff, v4;
	(pc) =	sbr.rel @p1 .LBB1_3-.Ltmp3, $4  }
0x3c: {  	v3 =	vld [tilespmem:s15+$0x0];
	[tilespmem:s12+$0xFFFFFFF9 ss:$0x81] =	vst.msk $0xffff, v2;
	s12 =	sadd.s32 $0x8, s12  }
0x3d: {  	v1 =	vld [tilespmem:s15+$0x10];
	[tilespmem:s12+$0x0 ss:$0x81] =	vst.msk $0xffff, v5  }
0x3e: {  	[tilespmem:s12+$0xFFFFFFFA ss:$0x81] =	vst.msk $0xffff, v6;
	v4 =	vld [tilespmem:s15+$0x20]  }
0x3f: {  	v2 =	vld [tilespmem:s15+$0xFFFFFFC0];
	[tilespmem:s12+$0xFFFFFFFB ss:$0x81] =	vst.msk $0xffff, v7;
	s15 =	sadd.s32 $0x80, s15  }
.Ltmp4:
0x40: {  	_ = 	snop;
	(pc) =	sbr.rel .LBB1_4-.Ltmp4, $1  }
0x41: {  	_ =	sdelay $0x3  }
.LBB1_6:
0x42: {  	_ =	sfence.sel $0x180000  }
0x43: {  	s2 =	simm.s32 $0x1;
	[bflag:$0x0] =	sbarrier.arrive $0xFFFF  }
0x44: {  	s31 =	simm.s32 $0x2;
	[sflag:s2] =	ssyncpa.u1 $0x1  }
0x45: {  	[sflag:s31] =	ssyncpa.u1 $0x1  }
0x46: {  	p0 =	sne.s32 s0, $0x0;
	_ =	strace $0x9000004A  }
0x47: {  	s0 =	sadd.s32 @!p0 $0x100000, s1;
	[bflag:$0x2] =	sbarrier.arrive $0xFFFF  }
0x48: {  	[sflag:s0] =	ssyncadd.tile.s32 @!p0 $0x1;
	_ =	shalt  }
.Lfunc_end1:
_tile_overlayer_lowered:
.L_overlay_start_2:
0x49: {  	(tag) =	ssettag $0x2  }
0x4a: {  	s0 =	rddreg [dreg:$0x0];
	s2 =	stileid.u32  }
0x4b: {  	s1 =	rddreg [dreg:$0x1];
	p0 =	sne.s32 s2, $0x0  }
0x4c: {  	s3 =	rddreg [dreg:$0x2];
	[bflag:$0x3] =	sbarrier.arrive $0xFFFF;
	s2 =	simm.s32 @!p0 $0x1C01  }
0x4d: {  	[timem:s3], [sflag:s2] =	dma.local @!p0 [hbm:s0], s1  }
0x4e: {  	s0 =	simm.s32 @!p0 $0x1  }
0x4f: {  	_ =	swait.ge @!p0 [sflag:s0], s1  }
0x50: {  	s1 =	ssub.s32 @!p0 $0x0, s1;
	[sflag:s0] =	ssyncset.done @!p0 $0x0  }
0x51: {  	[sflag:s0] =	ssyncadd.s32 @!p0 s1  }
0x52: {  	[bflag:$0x3] =	sbarrier.arrive $0xFFFF  }
0x53: {  	_ =	shalt  }

// kernel: sparse-core-data-format-call.cloned.1.call-start
scs
called_computation_lowered:
.L_overlay_start_0:
0x0: {  	s1 =	sld [smem:$0x3FD9]  }
0x1: {  	s2 =	sld [smem:$0x3FFE];
	_ =	sdelay $0x1  }
0x2: {  	s3 =	srdreg.scid  }
0x3: {  	s0 =	sand.u32 $0x1, s3  }
0x4: {  	s17 =	sshll.u32 s0, $0xA;
	s1 =	sadd.s32 s2, s1  }
0x5: {  	s1 =	sadd.s32 s1, s17  }
0x6: {  	[smem:$0x3FC3] =	sst s1  }
0x7: {  	_ = 	snop  }
0x8: {  	(tm) =	ssettm $0x1  }
0x9: {  	s18 =	sld [smem:$0x3FFB];
	_ =	sdelay $0x3  }
0xa: {  	_ =	strace s18  }
0xb: {  	s1 =	sld [smem:$0x3FFC];
	_ =	sdelay $0x3  }
0xc: {  	_ =	strace s1  }
0xd: {  	s1 =	sld [smem:$0x3FFD];
	_ =	sdelay $0x3  }
0xe: {  	_ =	strace s1  }
0xf: {  	_ =	strace $0x8FFFFFFF  }
0x10: {  	s19 =	sld [smem:$0x3FDB];
	_ =	sdelay $0x1  }
0x11: {  	s20 =	simm.s32 $_scs_section_size  }
0x12: {  	s4 =	simm.s32 $_size__tile_overlayer_lowered;
	s5 =	simm.s32 $_tile_overlayer_lowered  }
0x13: {  	s23 =	simm.s32 $0x1BFF;
	s22 =	sshll.u32 s5, $0x1;
	s1 =	sadd.s32 s20, s19  }
0x14: {  	s6 =	simm.s32 $0x0;
	s21 =	sshll.u32 s4, $0x1;
	s4 =	sadd.s32 s22, s1  }
0x15: {  	[timem:s6], [sflag:s23] =	dma.local [hbm:s4], s21  }
0x16: {  	_ =	swait.ge [sflag:s23], s21  }
0x17: {  	s2 =	ssub.s32 $0x0, s21;
	[sflag:s23] =	ssyncset.done $0x0  }
0x18: {  	[sflag:s23] =	ssyncadd.s32 s2;
	_ =	sdelay $0x1  }
0x19: {  	s24 =	simm.s32 $0x1B8B  }
0x1a: {  	_ =	swait.ge [sflag:s24], $0x1  }
0x1b: {  	[sflag:s24] =	ssyncset.done $0x0  }
0x1c: {  	s26 =	simm.s32 $0x1B8E;
	s25 =	sld [smem:$0x3FFE];
	[sflag:s24] =	ssyncadd.s32 $0xFFFFFFFF  }
0x1d: {  	s27 =	simm.s32 $execute0_lowered;
	[smem:$0x3FD2] =	sst s26  }
0x1e: {  	s4 =	sshll.u32 s27, $0x1;
	_ =	strace $0x8000004C;
	[dreg:$0x1] =	wrdreg $0xFFFFFFFF  }
0x1f: {  	s28 =	simm.s32 $_size_execute0_lowered;
	s1 =	sadd.s32 s1, s4;
	[dreg:$0x0] =	wrdreg $0x0  }
0x20: {  	s4 =	sshll.u32 s28, $0x1;
	[dreg:$0x2] =	wrdreg s1  }
0x21: {  	[dreg:$0x3] =	wrdreg s4  }
0x22: {  	[dreg:$0x4] =	wrdreg $0xC0  }
0x23: {  	_ =	task [dreg:s6], $0x5FFFF  }
0x24: {  	[dreg:$0x1] =	wrdreg $0xFFFFFFFF  }
0x25: {  	[dreg:$0x0] =	wrdreg $0x60  }
0x26: {  	[dreg:$0x2] =	wrdreg s25  }
0x27: {  	[dreg:$0x3] =	wrdreg $0x9  }
0x28: {  	_ =	task.clear_ibuf [dreg:s6], $0x4FFFF;
	_ =	strace $0x9000004C  }
0x29: {  	s29 =	simm.s32 $0x9;
	_ =	strace $0x8000004E  }
0x2a: {  	_ =	swait.ge [sflag:s29], $0x1  }
0x2b: {  	[sflag:s29] =	ssyncadd.s32 $0xFFFFFFFF  }
0x2c: {  	_ =	strace $0x9000004E  }
0x2d: {  	_ =	sfence  }
0x2e: {  	s30 =	sld [smem:$0x0];
	_ =	sdelay $0x2  }
0x2f: {  	s31 =	sshll.u32 s3, $0xD;
	s3 =	sshrl.u32 s3, $0x2  }
0x30: {  	s2 =	sand.u32 $0x4000, s31;
	s1 =	sadd.s32 s3, s30  }
0x31: {  	s0 =	sor.u32 s2, s0;
	s1 =	sshll.u32 s1, $0x11  }
0x32: {  	s0 =	sor.u32 s1, s0  }
0x33: {  	s0 =	sadd.s32 $0x8F2B, s0  }
0x34: {  	[sflag:s0] =	ssyncadd.remote.s32 $0x1  }
0x35: {  	_ =	sfence.sel $0xFFFF  }
0x36: {  	[dreg:$0x0] =	wrdreg $0xFFFFFFFF;
	(pc) =	sbr.abs _section_cstart, $3  }
0x37: {  	[dreg:$0x1] =	wrdreg $0xFFFFFFFF  }
0x38: {  	_ =	task.clear_ibuf [dreg:s6], $0x2FFFF;
	_ =	strace $0x9FFFFFFF  }
0x39: {  	(tm) =	ssettm $0x7FFFFFFF  }
tec
execute0_lowered:
.L_overlay_start_1:
0x0: {  	(tag) =	ssettag $0x1  }
0x1: {  	s0 =	srdreg.scid  }
0x2: {  	s6 =	rddreg [dreg:$0x0];
	s7 =	simm.s32 $0x1;
	s1 =	sshll.u32 s0, $0x4  }
0x3: {  	s8 =	simm.s32 $0x2;
	s0 =	stileid.u32;
	s1 =	sand.u32 $0x10, s1  }
0x4: {  	s13 =	simm.s32 $0x0;
	s12 =	simm.s32 $0x0;
	s1 =	sor.u32 s0, s1  }
0x5: {  	s10 =	simm.s32 $0x0;
	s11 =	simm.s32 $0x0;
	s2 =	sshll.u32 s1, $0x8  }
0x6: {  	s3 =	sadd.s32 $0x1B9000, s6;
	s6 =	sadd.s32 $0x33FA00, s6;
	s5 =	ssub.s32 $0xC3500, s2  }
.Ltmp0:
0x7: {  	s1 =	rddreg [dreg:$0x1];
	s4 =	sand.u32 $0x1F00, s5;
	(pc) =	sbr.rel .LBB1_1-.Ltmp0, $4  }
0x8: {  	_ =	strace $0x8000004D;
	s9 =	smov.u32 s2;
	p0 =	sne.s32 s4, $0x0  }
0x9: {  	s5 =	sshrl.u32 s5, $0xD;
	s4 =	simm.s32 $0x1;
	s7 =	simm.s32 @!p0 $0x0  }
0xa: {  	[sflag:s4] =	ssyncpa.u1 $0x0;
	p0 =	por $0x0, $0x0;
	s5 =	sadd.s32 s7, s5  }
0xb: {  	[sflag:s8] =	ssyncpa.u1 $0x0;
	s8 =	simm.s32 $0x80;
	s7 =	sadd.s32 $0x1, s5  }
.LBB1_4:
0xc: {  	_ =	sdelay $0x3  }
0xd: {  	s21 =	sor.u32 s24, s23;
	v47 =	vld.idx.msk [tilespmem:v0+s16+$0x470 ss:$0x1], $0xffff  }
0xe: {  	v57 =	vld.idx.msk [tilespmem:v0+s21+$0x410 ss:$0x1], $0xffff  }
0xf: {  	v58 =	vld.idx.msk [tilespmem:v0+s21+$0x420 ss:$0x1], $0xffff  }
0x10: {  	[tilespmem:s18+$0x660 ss:$0x11] =	vst.msk $0xffff, v8;
	v59 =	vld.idx.msk [tilespmem:v0+s21+$0x430 ss:$0x1], $0xffff  }
0x11: {  	[tilespmem:s18+$0x770 ss:$0x11] =	vst.msk $0xffff, v7;
	v60 =	vld.idx.msk [tilespmem:v0+s21+$0x440 ss:$0x1], $0xffff  }
0x12: {  	[tilespmem:s18+$0x990 ss:$0x11] =	vst.msk $0xffff, v1;
	s22 =	sand.u32 $0xB00, s21;
	v61 =	vld.idx.msk [tilespmem:v0+s21+$0x450 ss:$0x1], $0xffff  }
0x13: {  	s20 =	sand.u32 $0x80, s20;
	[tilespmem:s18+$0xAA0 ss:$0x11] =	vst.msk $0xffff, v2;
	v62 =	vld.idx.msk [tilespmem:v0+s21+$0x460 ss:$0x1], $0xffff;
	s15 =	sadd.s32 s22, s15  }
0x14: {  	[tilespmem:s18+$0xBB0 ss:$0x11] =	vst.msk $0xffff, v3;
	v63 =	vld.idx.msk [tilespmem:v0+s21+$0x470 ss:$0x1], $0xffff;
	s15 =	sadd.s32 s20, s15  }
0x15: {  	[tilespmem:s18+$0xCC0 ss:$0x11] =	vst.msk $0xffff, v4;
	v48 =	vld [tilespmem:s15+$0x400]  }
0x16: {  	[tilespmem:s18+$0xDD0 ss:$0x11] =	vst.msk $0xffff, v5;
	v49 =	vld [tilespmem:s15+$0x0]  }
0x17: {  	s25 =	sshra.s32 s19, $0x2;
	[tilespmem:s18+$0xEE0 ss:$0x11] =	vst.msk $0xffff, v6;
	v50 =	vld [tilespmem:s15+$0x10]  }
0x18: {  	s16 =	sadd.s32 s25, s17;
	v51 =	vld [tilespmem:s15+$0x20];
	[tilespmem:s18+$0xFF0 ss:$0x11] =	vst.msk $0xffff, v47  }
0x19: {  	v52 =	vld [tilespmem:s15+$0x30];
	[tilespmem:s16+$0x990 ss:$0x11] =	vst.msk $0xffff, v57  }
0x1a: {  	v53 =	vld [tilespmem:s15+$0x40];
	[tilespmem:s16+$0xAA0 ss:$0x11] =	vst.msk $0xffff, v58  }
0x1b: {  	v54 =	vld [tilespmem:s15+$0x50];
	[tilespmem:s16+$0xBB0 ss:$0x11] =	vst.msk $0xffff, v59  }
0x1c: {  	s13 =	sshll.u32 s13, $0x7;
	s26 =	sshll.u32 s12, $0x3;
	v55 =	vld [tilespmem:s15+$0x60];
	[tilespmem:s16+$0xCC0 ss:$0x11] =	vst.msk $0xffff, v60  }
0x1d: {  	s27 =	sand.u32 $0xFFFFFC00, s13;
	v56 =	vld [tilespmem:s15+$0x70];
	s15 =	sand.u32 $0xFFFFFC00, s26;
	[tilespmem:s16+$0xDD0 ss:$0x11] =	vst.msk $0xffff, v61  }
0x1e: {  	s13 =	sand.u32 $0x380, s13;
	s15 =	sadd.s32 s15, s27;
	[tilespmem:s16+$0xEE0 ss:$0x11] =	vst.msk $0xffff, v62  }
0x1f: {  	s13 =	sor.u32 s13, s15;
	[tilespmem:s16+$0xFF0 ss:$0x11] =	vst.msk $0xffff, v63  }
0x20: {  	s13 =	sshrl.u32 s13, $0x7;
	[tilespmem:s16+$0x880 ss:$0x11] =	vst.msk $0xffff, v48  }
0x21: {  	s28 =	smulhi.u32 $0x14F8B59, s13;
	[tilespmem:s16+$0x0 ss:$0x11] =	vst.msk $0xffff, v49  }
0x22: {  	[tilespmem:s16+$0x110 ss:$0x11] =	vst.msk $0xffff, v50  }
0x23: {  	[tilespmem:s16+$0x220 ss:$0x11] =	vst.msk $0xffff, v51;
	s15 =	sshrl.u32 s28, $0xC  }
0x24: {  	[tilespmem:s16+$0x330 ss:$0x11] =	vst.msk $0xffff, v52;
	s15 =	smul.u32 $0xC3500, s15  }
0x25: {  	s29 =	sshrl.u32 s12, $0x3;
	[tilespmem:s16+$0x440 ss:$0x11] =	vst.msk $0xffff, v53  }
0x26: {  	s31 =	sand.u32 $0x7, s12;
	s30 =	sand.u32 $0xF, s29;
	[tilespmem:s16+$0x550 ss:$0x11] =	vst.msk $0xffff, v54;
	s13 =	ssub.s32 s13, s15  }
0x27: {  	s12 =	sshll.u32 s31, $0x12;
	[tilespmem:s16+$0x660 ss:$0x11] =	vst.msk $0xffff, v55;
	s15 =	sadd.s32 s6, s30;
	s13 =	sshll.u32 s13, $0x4  }
0x28: {  	s12 =	sor.u32 $0x10, s12;
	[tilespmem:s16+$0x770 ss:$0x11] =	vst.msk $0xffff, v56;
	s13 =	sadd.s32 s13, s15  }
0x29: {  	[hbm4b:s13+s12] =	stream.strided.scatter [tilespmem:s14], [sflag:$0x2], $0x1000, s8, s12, $0x8;
	[tilespmem:$0x4200] =	vst v63  }
.LBB1_5:
0x2a: {  	s14 =	sadd.s32 $0x2000, s9  }
0x2b: {  	s12 =	sadd.s32 $0x10, s10;
	s16 =	smov.u32 s10;
	p2 =	sgt.s32 s14, $0xC34FF  }
0x2c: {  	s16 =	smov.u32 @p2 s12  }
0x2d: {  	s14 =	smov.u32 @p2 s2;
	p2 =	sgt.s32 s16, $0xF  }
0x2e: {  	s16 =	simm.s32 @p2 $0x0;
	p2 =	sne.s32 s11, s7  }
.Ltmp1:
0x2f: {  	p1 =	slt.u32 s11, $0x2;
	(pc) =	sbr.rel @!p2 .LBB1_6-.Ltmp1, $4  }
0x30: {  	s15 =	simm.s32 @!p1 $0x2  }
0x31: {  	s13 =	smov.u32 s9;
	p0 =	por !p0, !p0;
	_ =	swait.ge @!p1 [sflag:s15], $0x1000  }
0x32: {  	s12 =	smov.u32 s10;
	[sflag:s15] =	ssyncset.done @!p1 $0x0;
	s9 =	smov.u32 s14  }
0x33: {  	s11 =	sadd.s32 $0x1, s11;
	[sflag:s15] =	ssyncadd.s32 @!p1 $0xFFFFF000;
	s10 =	smov.u32 s16  }
.LBB1_1:
0x34: {  	p1 =	sge.u32 s11, s5  }
0x35: {  	s14 =	sshrl.u32 @!p1 s10, $0x3  }
0x36: {  	s15 =	sshll.u32 @!p1 s9, $0x3;
	s14 =	smul.u32 @!p1 $0x61A800, s14  }
0x37: {  	s16 =	sshll.u32 @!p1 s10, $0x7;
	s15 =	sand.u32 @!p1 $0xFFFFFC00, s15  }
0x38: {  	s14 =	sadd.s32 @!p1 s14, s15;
	s15 =	sand.u32 @!p1 $0x380, s16  }
0x39: {  	s14 =	sor.u32 @!p1 s15, s14  }
0x3a: {  	s15 =	sshrl.u32 @!p1 s14, $0x8  }
0x3b: {  	s15 =	smulhi.u32 @!p1 $0x14F8B59, s15;
	_ =	sdelay $0x1  }
0x3c: {  	s15 =	sshrl.u32 @!p1 s15, $0x4  }
0x3d: {  	s16 =	sand.u32 @!p1 $0x7F, s9;
	s17 =	smul.u32 @!p1 $0xC3500, s15  }
0x3e: {  	s31 =	sadd.s32 $0xFFFFFFFF, s11;
	s14 =	sor.u32 @!p1 s16, s14;
	s16 =	sxor.u32 @!p1 $0xFFFFFFFF, s11  }
0x3f: {  	s16 =	sshll.u32 @!p1 s16, $0xC;
	s15 =	sand.u32 @!p1 $0xF, s15;
	s14 =	ssub.s32 @!p1 s14, s17  }
0x40: {  	s15 =	smul.u32 @!p1 $0x186A0, s15;
	s17 =	sshrl.u32 @!p1 s14, $0x3;
	s14 =	sand.u32 @!p1 $0x7, s14  }
0x41: {  	s16 =	sand.u32 @!p1 $0x1000, s16;
	s17 =	sadd.s32 @!p1 s3, s17;
	s14 =	sshll.u32 @!p1 s14, $0x12  }
0x42: {  	s15 =	sadd.s32 @!p1 s15, s17;
	s14 =	sor.u32 @!p1 $0x800, s14;
	s17 =	simm.s32 @!p1 $0x61A800  }
0x43: {  	[tilespmem:s16], [sflag:$0x1] =	stream.strided.gather @!p1 [hbm4b:s15+s14], $0x1000, s17, s14, $0x38;
	[tilespmem:$0x4200] =	vst v63  }
0x44: {  	p1 =	sge.u32 s31, s5  }
.Ltmp2:
0x45: {  	_ = 	snop;
	(pc) =	sbr.rel @p1 .LBB1_5-.Ltmp2, $1  }
0x46: {  	_ =	sdelay $0x3  }
0x47: {  	s17 =	simm.s32 $0x0  }
0x48: {  	s16 =	sand.u32 $0x800, s17;
	s18 =	sand.u32 $0x380, s17  }
0x49: {  	s14 =	sand.u32 $0x1, s11;
	s16 =	sor.u32 s18, s16  }
0x4a: {  	_ =	swait.ge [sflag:s4], $0x1000;
	s15 =	sshll.u32 s14, $0xC;
	s18 =	sand.u32 $0xB00, s16  }
0x4b: {  	[sflag:s4] =	ssyncset.done $0x0;
	s17 =	sand.u32 $0x80, s17;
	s18 =	sadd.s32 s18, s15  }
0x4c: {  	[sflag:s4] =	ssyncadd.s32 $0xFFFFF000;
	s20 =	sadd.s32 s17, s18  }
0x4d: {  	v4 =	vld [tilespmem:s20+$0x400]  }
0x4e: {  	s19 =	simm.s32 $0x1;
	v5 =	vld [tilespmem:s20+$0x0]  }
0x4f: {  	s19 =	simm.s32 @!p0 $0x0;
	v6 =	vld [tilespmem:s20+$0x10]  }
0x50: {  	v0 =	vmov s15;
	s31 =	smul.u32 $0x4400, s19;
	v7 =	vld [tilespmem:s20+$0x20]  }
0x51: {  	v9 =	vld [tilespmem:s20+$0x30]  }
0x52: {  	s17 =	sshrl.u32 s31, $0x2;
	v10 =	vld [tilespmem:s20+$0x40]  }
0x53: {  	s17 =	sor.u32 $0x2000, s17;
	v11 =	vld [tilespmem:s20+$0x50]  }
0x54: {  	v8 =	vld [tilespmem:s20+$0x60];
	s18 =	sadd.s32 $0x0, s17  }
0x55: {  	v1 =	vld.idx.msk [tilespmem:v0+s16+$0x410 ss:$0x1], $0xffff;
	[tilespmem:s18+$0x880 ss:$0x11] =	vst.msk $0xffff, v4  }
0x56: {  	v2 =	vld.idx.msk [tilespmem:v0+s16+$0x420 ss:$0x1], $0xffff;
	[tilespmem:s18+$0x0 ss:$0x11] =	vst.msk $0xffff, v5  }
0x57: {  	v3 =	vld.idx.msk [tilespmem:v0+s16+$0x430 ss:$0x1], $0xffff;
	[tilespmem:s18+$0x110 ss:$0x11] =	vst.msk $0xffff, v6  }
0x58: {  	s14 =	smul.u32 $0x4400, s14;
	[tilespmem:s18+$0x220 ss:$0x11] =	vst.msk $0xffff, v7;
	v7 =	vld [tilespmem:s20+$0x70]  }
0x59: {  	s21 =	simm.s32 $0x100;
	s22 =	simm.s32 $0x8;
	[tilespmem:s18+$0x330 ss:$0x11] =	vst.msk $0xffff, v9;
	v4 =	vld.idx.msk [tilespmem:v0+s16+$0x440 ss:$0x1], $0xffff  }
0x5a: {  	s23 =	sand.u32 $0x800, s21;
	s14 =	sshrl.u32 s14, $0x2;
	[tilespmem:s18+$0x440 ss:$0x11] =	vst.msk $0xffff, v10;
	v5 =	vld.idx.msk [tilespmem:v0+s16+$0x450 ss:$0x1], $0xffff;
	s20 =	simm.s32 $0x80  }
0x5b: {  	s19 =	simm.s32 $0x4;
	s14 =	sor.u32 $0x2000, s14;
	[tilespmem:s18+$0x550 ss:$0x11] =	vst.msk $0xffff, v11;
	v6 =	vld.idx.msk [tilespmem:v0+s16+$0x460 ss:$0x1], $0xffff;
	s24 =	sand.u32 $0x380, s20  }
.LBB1_3:
0x5c: {  	p1 =	sne.s32 s22, $0x3C;
	[tilespmem:s18+$0x660 ss:$0x11] =	vst.msk $0xffff, v8;
	v8 =	vld.idx.msk [tilespmem:v0+s16+$0x470 ss:$0x1], $0xffff;
	s16 =	sor.u32 s24, s23  }
0x5d: {  	s23 =	sand.u32 $0xB00, s16;
	v9 =	vld.idx.msk [tilespmem:v0+s16+$0x410 ss:$0x1], $0xffff;
	[tilespmem:s18+$0x770 ss:$0x11] =	vst.msk $0xffff, v7  }
0x5e: {  	s24 =	sand.u32 $0x80, s20;
	s23 =	sadd.s32 s23, s15;
	v7 =	vld.idx.msk [tilespmem:v0+s16+$0x420 ss:$0x1], $0xffff;
	[tilespmem:s18+$0x990 ss:$0x11] =	vst.msk $0xffff, v1  }
0x5f: {  	s23 =	sadd.s32 s24, s23;
	v10 =	vld.idx.msk [tilespmem:v0+s16+$0x430 ss:$0x1], $0xffff;
	[tilespmem:s18+$0xAA0 ss:$0x11] =	vst.msk $0xffff, v2  }
0x60: {  	v11 =	vld [tilespmem:s23+$0x400];
	[tilespmem:s18+$0xBB0 ss:$0x11] =	vst.msk $0xffff, v3  }
0x61: {  	v12 =	vld [tilespmem:s23+$0x0];
	[tilespmem:s18+$0xCC0 ss:$0x11] =	vst.msk $0xffff, v4  }
0x62: {  	v4 =	vld [tilespmem:s23+$0x10];
	[tilespmem:s18+$0xDD0 ss:$0x11] =	vst.msk $0xffff, v5  }
0x63: {  	s24 =	sshra.s32 s19, $0x2;
	s19 =	smov.u32 s22;
	v1 =	vmov v9;
	v5 =	vld [tilespmem:s23+$0x20];
	[tilespmem:s18+$0xEE0 ss:$0x11] =	vst.msk $0xffff, v6  }
0x64: {  	v2 =	vmov v7;
	v6 =	vld [tilespmem:s23+$0x30];
	[tilespmem:s18+$0xFF0 ss:$0x11] =	vst.msk $0xffff, v8;
	s18 =	sadd.s32 s24, s17  }
0x65: {  	v3 =	vmov v10;
	v9 =	vld [tilespmem:s23+$0x40];
	[tilespmem:s18+$0x880 ss:$0x11] =	vst.msk $0xffff, v11  }
0x66: {  	[tilespmem:s18+$0x0 ss:$0x11] =	vst.msk $0xffff, v12;
	v10 =	vld [tilespmem:s23+$0x50]  }
.Ltmp3:
0x67: {  	[tilespmem:s18+$0x110 ss:$0x11] =	vst.msk $0xffff, v4;
	v8 =	vld [tilespmem:s23+$0x60];
	(pc) =	sbr.rel @p1 .LBB1_3-.Ltmp3, $4  }
0x68: {  	[tilespmem:s18+$0x220 ss:$0x11] =	vst.msk $0xffff, v5;
	v7 =	vld [tilespmem:s23+$0x70]  }
0x69: {  	[tilespmem:s18+$0x330 ss:$0x11] =	vst.msk $0xffff, v6;
	v4 =	vld.idx.msk [tilespmem:v0+s16+$0x440 ss:$0x1], $0xffff  }
0x6a: {  	s20 =	sadd.s32 $0x80, s20;
	s21 =	sadd.s32 $0x100, s21;
	[tilespmem:s18+$0x440 ss:$0x11] =	vst.msk $0xffff, v9;
	v5 =	vld.idx.msk [tilespmem:v0+s16+$0x450 ss:$0x1], $0xffff  }
0x6b: {  	s22 =	sadd.s32 $0x4, s22;
	s24 =	sand.u32 $0x380, s20;
	s23 =	sand.u32 $0x800, s21;
	[tilespmem:s18+$0x550 ss:$0x11] =	vst.msk $0xffff, v10;
	v6 =	vld.idx.msk [tilespmem:v0+s16+$0x460 ss:$0x1], $0xffff  }
.Ltmp4:
0x6c: {  	_ = 	snop;
	(pc) =	sbr.rel .LBB1_4-.Ltmp4, $1  }
0x6d: {  	_ =	sdelay $0x3  }
.LBB1_6:
0x6e: {  	_ =	sfence.sel $0x180000  }
0x6f: {  	s2 =	simm.s32 $0x1;
	[bflag:$0x0] =	sbarrier.arrive $0xFFFF  }
0x70: {  	s31 =	simm.s32 $0x2;
	[sflag:s2] =	ssyncpa.u1 $0x1  }
0x71: {  	[sflag:s31] =	ssyncpa.u1 $0x1  }
0x72: {  	p0 =	sne.s32 s0, $0x0;
	_ =	strace $0x9000004D  }
0x73: {  	s0 =	sadd.s32 @!p0 $0x100000, s1;
	[bflag:$0x2] =	sbarrier.arrive $0xFFFF  }
0x74: {  	[sflag:s0] =	ssyncadd.tile.s32 @!p0 $0x1;
	_ =	shalt  }
.Lfunc_end1:
_tile_overlayer_lowered:
.L_overlay_start_2:
0x75: {  	(tag) =	ssettag $0x2  }
0x76: {  	s0 =	rddreg [dreg:$0x0];
	s2 =	stileid.u32  }
0x77: {  	s1 =	rddreg [dreg:$0x1];
	p0 =	sne.s32 s2, $0x0  }
0x78: {  	s3 =	rddreg [dreg:$0x2];
	[bflag:$0x3] =	sbarrier.arrive $0xFFFF;
	s2 =	simm.s32 @!p0 $0x1C01  }
0x79: {  	[timem:s3], [sflag:s2] =	dma.local @!p0 [hbm:s0], s1  }
0x7a: {  	s0 =	simm.s32 @!p0 $0x1  }
0x7b: {  	_ =	swait.ge @!p0 [sflag:s0], s1  }
0x7c: {  	s1 =	ssub.s32 @!p0 $0x0, s1;
	[sflag:s0] =	ssyncset.done @!p0 $0x0  }
0x7d: {  	[sflag:s0] =	ssyncadd.s32 @!p0 s1  }
0x7e: {  	[bflag:$0x3] =	sbarrier.arrive $0xFFFF  }
0x7f: {  	_ =	shalt  }

</sc_bundles>
